<compile_context>
chip_gen: v7x
topology: tpu7x:2x2x1
jax: 0.10.2.dev20260603
libtpu: 0.0.44.dev20260713+nightly
codegen_flags: <defaults>
</compile_context>

<pallas_src>
import functools

import jax
import jax.numpy as jnp
from jax import lax
from jax.experimental import pallas as pl
from jax.experimental.pallas import tpu as pltpu
from jax.experimental.pallas import tpu_sc as plsc

N_Z = 16
BATCH = 16384
N_GROUP = 1000000
NC = 2
NS = 16
NW = NC * NS
B_PER_W = BATCH // NW
CH = 32
N_CH = B_PER_W // CH
IDX_CHUNK = 128
N_ICH = B_PER_W // IDX_CHUNK


def _sc_body(x_hbm, idx_hbm, emb1_hbm, emb2_hbm, out_hbm,
             idx_v, a_v, b_v, x_v, o_v, sem_a, sem_b, sem_x):
    wid = lax.axis_index("s") * NC + lax.axis_index("c")
    base = wid * B_PER_W
    base_blk = base // 8

    pltpu.sync_copy(idx_hbm.at[pl.ds(base, B_PER_W)], idx_v)

    bcps = []
    for g in range(N_ICH):
        sl = pl.ds(g * IDX_CHUNK, IDX_CHUNK)
        bcps.append(pltpu.async_copy(
            emb2_hbm.at[idx_v.at[sl]], b_v.at[sl], sem_b))

    lanes = lax.iota(jnp.int32, N_Z)
    xj = lanes // 8
    xs = lanes % 8

    def step(c, _):
        buf = lax.bitwise_and(c, 1)

        @pl.when(c < N_CH)
        def _issue():
            blkh = []
            for h in range(2):
                idx16 = idx_v[pl.ds(c * CH + h * N_Z, N_Z)]
                blkh.append(lax.shift_right_logical(idx16, 3))
            pltpu.async_copy(
                x_hbm.at[pl.ds(base_blk + 4 * c, 4)], x_v.at[buf], sem_x)
            for r in range(CH):
                blk = blkh[r // N_Z][r % N_Z]
                pltpu.async_copy(emb1_hbm.at[blk], a_v.at[buf, r], sem_a)

        @pl.when(c > 0)
        def _drain_compute():
            p = c - 1
            pbuf = lax.bitwise_and(p, 1)
            pltpu.make_async_copy(
                x_hbm.at[pl.ds(0, 4)], x_v.at[0], sem_x).wait()
            for r in range(CH):
                pltpu.make_async_copy(
                    emb1_hbm.at[0], a_v.at[0, r], sem_a).wait()
            bufv = jnp.full((N_Z,), pbuf, jnp.int32)
            for h in range(2):
                idx16 = idx_v[pl.ds(p * CH + h * N_Z, N_Z)]
                sub16 = lax.bitwise_and(idx16, 7)
                jv = lanes + h * N_Z
                xjh = xj + 2 * h
                acc = b_v[pl.ds(p * CH + h * N_Z, N_Z)]
                for col in range(N_Z):
                    colv = jnp.full((N_Z,), col, jnp.int32)
                    xc = plsc.load_gather(x_v, [bufv, xjh, xs, colv])
                    ac = plsc.load_gather(a_v, [bufv, jv, sub16, colv])
                    acc = acc + xc * ac
                o_v[pl.ds(p * CH + h * N_Z, N_Z)] = acc

        return 0

    for cp in bcps:
        cp.wait()
    lax.fori_loop(0, N_CH + 1, step, 0)
    pltpu.sync_copy(o_v, out_hbm.at[pl.ds(base, B_PER_W)])


@jax.jit
def _rand_effect(x3, idx, emb1_3, emb2_f):
    mesh = plsc.VectorSubcoreMesh(core_axis_name="c", subcore_axis_name="s")
    k = functools.partial(
        pl.kernel,
        out_type=jax.ShapeDtypeStruct((BATCH,), jnp.float32),
        mesh=mesh,
        compiler_params=pltpu.CompilerParams(needs_layout_passes=False),
        scratch_types=[
            pltpu.VMEM((B_PER_W,), jnp.int32),
            pltpu.VMEM((2, CH, 8, N_Z), jnp.float32),
            pltpu.VMEM((B_PER_W,), jnp.float32),
            pltpu.VMEM((2, 4, 8, N_Z), jnp.float32),
            pltpu.VMEM((B_PER_W,), jnp.float32),
            pltpu.SemaphoreType.DMA,
            pltpu.SemaphoreType.DMA,
            pltpu.SemaphoreType.DMA,
        ],
    )(_sc_body)
    return k(x3, idx, emb1_3, emb2_f)


def kernel(x, idx, emb1, emb2):
    x3 = x.reshape(BATCH // 8, 8, N_Z)
    emb1_3 = emb1.reshape(N_GROUP // 8, 8, N_Z)
    emb2_f = emb2.reshape(-1)
    out = _rand_effect(x3, idx.astype(jnp.int32), emb1_3, emb2_f)
    return out.reshape(BATCH, 1)

# --- scband reference (transcript-rebuilt; emitter-appended) ---
"""Pipeline reference for scband-linear-random-effects-54176717472200 (READ-ONLY COPY).

The authoritative reference and input builder live on the scoring server;
editing this copy changes nothing except your own understanding.
"""

import jax, jax.numpy as jnp
import numpy as np

N_Z = 16
N_GROUP = 1000000
BATCH = 16384


def setup_inputs(seed: int = 0) -> dict:
    key = jax.random.key(seed)
    k_x, k_idx, k_e1, k_e2 = jax.random.split(key, 4)
    x = jax.random.normal(k_x, (BATCH, N_Z), dtype=jnp.float32)
    idx = jax.random.randint(k_idx, (BATCH,), 0, N_GROUP, dtype=jnp.int64)
    # embedding tables initialized with std=1e-7 as in the torch module
    emb1 = jax.random.normal(k_e1, (N_GROUP, N_Z), dtype=jnp.float32) * 1e-07
    emb2 = jax.random.normal(k_e2, (N_GROUP, 1), dtype=jnp.float32) * 1e-07
    return {"x": x, "idx": idx, "emb1": emb1, "emb2": emb2}


def reference(x, idx, emb1, emb2):
    # embedding lookups (gather)
    a = jnp.take(emb1, idx, axis=0)          # [B, n_Z]
    b = jnp.take(emb2, idx, axis=0)          # [B, 1]
    rand_effect = jnp.sum(x * a, axis=1, keepdims=True) + b  # [B, 1]
    return rand_effect

if __name__ == "__main__":
    import jax
    _d = setup_inputs()
    print(jax.jit(kernel)(*tuple(_d.values())))

</pallas_src>

<mosaic_0001>
#map = affine_map<(d0, d1) -> (0, 0, 0)>
#map1 = affine_map<(d0, d1) -> (0)>
module attributes {stable_mosaic.version = 14 : i64} {
  func.func @_sc_body(%arg0: i32, %arg1: i32, %arg2: memref<2048x8x16xf32, #tpu.memory_space<hbm>>, %arg3: memref<16384xi32, #tpu.memory_space<hbm>>, %arg4: memref<125000x8x16xf32, #tpu.memory_space<hbm>>, %arg5: memref<1000000xf32, #tpu.memory_space<hbm>>, %arg6: memref<16384xf32, #tpu.memory_space<hbm>>, %arg7: memref<512xi32, #tpu.memory_space<vmem>>, %arg8: memref<2x32x8x16xf32, #tpu.memory_space<vmem>>, %arg9: memref<512xf32, #tpu.memory_space<vmem>>, %arg10: memref<2x4x8x16xf32, #tpu.memory_space<vmem>>, %arg11: memref<512xf32, #tpu.memory_space<vmem>>, %arg12: memref<!tpu.dma_semaphore, #tpu.memory_space<semaphore_mem>>, %arg13: memref<!tpu.dma_semaphore, #tpu.memory_space<semaphore_mem>>, %arg14: memref<!tpu.dma_semaphore, #tpu.memory_space<semaphore_mem>>) attributes {dimension_semantics = [#tpu.dimension_semantics<core_parallel>, #tpu.dimension_semantics<subcore_parallel>], iteration_bounds = array<i64: 2, 16>, scalar_prefetch = 0 : i64, scratch_operands = 8 : i64, tpu.core_type = #tpu.core_type<sc_vector_subcore>, window_params = [{transform_indices = #map}, {transform_indices = #map1}, {transform_indices = #map}, {transform_indices = #map1}, {transform_indices = #map1}]} {
    %mul3A = arith.constant 2 : i32
    %mul3A_0 = arith.muli %arg1, %mul3A : i32
    %add3A = arith.addi %mul3A_0, %arg0 : i32
    %mul3A_1 = arith.constant 512 : i32
    %mul3A_2 = arith.muli %add3A, %mul3A_1 : i32
    %jit3A = arith.constant 8 : i32
    %div3A = arith.divsi %mul3A_2, %jit3A : i32
    %sign3A = arith.constant 0 : i32
    %sign3A_3 = arith.cmpi sgt, %mul3A_2, %sign3A : i32
    %sign3A_4 = arith.extui %sign3A_3 : i1 to i32
    %sign3A_5 = arith.constant 0 : i32
    %sign3A_6 = arith.cmpi slt, %mul3A_2, %sign3A_5 : i32
    %sign3A_7 = arith.extui %sign3A_6 : i1 to i32
    %sign3A_8 = arith.subi %sign3A_4, %sign3A_7 : i32
    %sign3A_9 = arith.constant 0 : i32
    %sign3A_10 = arith.cmpi sgt, %jit3A, %sign3A_9 : i32
    %sign3A_11 = arith.extui %sign3A_10 : i1 to i32
    %sign3A_12 = arith.constant 0 : i32
    %sign3A_13 = arith.cmpi slt, %jit3A, %sign3A_12 : i32
    %sign3A_14 = arith.extui %sign3A_13 : i1 to i32
    %sign3A_15 = arith.subi %sign3A_11, %sign3A_14 : i32
    %ne3A = arith.cmpi ne, %sign3A_8, %sign3A_15 : i32
    %rem3A = arith.remsi %mul3A_2, %jit3A : i32
    %ne3A_16 = arith.constant 0 : i32
    %ne3A_17 = arith.cmpi ne, %rem3A, %ne3A_16 : i32
    %and3A = arith.andi %ne3A, %ne3A_17 : i1
    %sub3A = arith.constant 1 : i32
    %sub3A_18 = arith.subi %div3A, %sub3A : i32
    %select_n3A = arith.select %and3A, %sub3A_18, %div3A : i32
    "tpu.region"() ({
      %run_scoped3A = tpu.sem_alloc : memref<!tpu.dma_semaphore, #tpu.memory_space<semaphore_mem>>
      %dma_start3A_122 = tpu.memref_slice %arg3[%mul3A_2] : memref<16384xi32, #tpu.memory_space<hbm>> -> memref<512xi32, #tpu.memory_space<hbm>>
      %dma_start3A_123 = tpu.memref_slice %arg3[%mul3A_2] : memref<16384xi32, #tpu.memory_space<hbm>> -> memref<512xi32, #tpu.memory_space<hbm>>
      tpu.enqueue_dma source(%dma_start3A_123 : memref<512xi32, #tpu.memory_space<hbm>>) target(%arg7 : memref<512xi32, #tpu.memory_space<vmem>>) target_semaphore(%run_scoped3A : memref<!tpu.dma_semaphore, #tpu.memory_space<semaphore_mem>>)
      %dma_wait3A_124 = tpu.memref_slice %arg3[%mul3A_2] : memref<16384xi32, #tpu.memory_space<hbm>> -> memref<512xi32, #tpu.memory_space<hbm>>
      %dma_wait3A_125 = tpu.memref_slice %arg3[%mul3A_2] : memref<16384xi32, #tpu.memory_space<hbm>> -> memref<512xi32, #tpu.memory_space<hbm>>
      tpu.wait_dma2 semaphore(%run_scoped3A : memref<!tpu.dma_semaphore, #tpu.memory_space<semaphore_mem>>) src(%dma_wait3A_125 : memref<512xi32, #tpu.memory_space<hbm>>) dst(%arg7 : memref<512xi32, #tpu.memory_space<vmem>>)
      tpu.yield
    }) : () -> ()
    %dma_start3A = arith.constant 0 : i32
    %dma_start3A_19 = tpu.memref_slice %arg9[%dma_start3A] : memref<512xf32, #tpu.memory_space<vmem>> -> memref<128xf32, #tpu.memory_space<vmem>>
    %dma_start3A_20 = arith.constant 0 : i32
    %dma_start3A_21 = tpu.memref_slice %arg7[%dma_start3A_20] : memref<512xi32, #tpu.memory_space<vmem>> -> memref<128xi32, #tpu.memory_space<vmem>>
    %dma_start3A_22 = arith.constant 0 : i32
    %dma_start3A_23 = tpu.memref_slice %arg5[%dma_start3A_22] : memref<1000000xf32, #tpu.memory_space<hbm>> -> memref<1000000xf32, #tpu.memory_space<hbm>>
    tpu.enqueue_indirect_dma source(%dma_start3A_23 : memref<1000000xf32, #tpu.memory_space<hbm>>) target(%dma_start3A_19 : memref<128xf32, #tpu.memory_space<vmem>>) offsets(%dma_start3A_21 : memref<128xi32, #tpu.memory_space<vmem>>) semaphore(%arg13 : memref<!tpu.dma_semaphore, #tpu.memory_space<semaphore_mem>>)
    %dma_start3A_24 = arith.constant 128 : i32
    %dma_start3A_25 = tpu.memref_slice %arg9[%dma_start3A_24] : memref<512xf32, #tpu.memory_space<vmem>> -> memref<128xf32, #tpu.memory_space<vmem>>
    %dma_start3A_26 = arith.constant 128 : i32
    %dma_start3A_27 = tpu.memref_slice %arg7[%dma_start3A_26] : memref<512xi32, #tpu.memory_space<vmem>> -> memref<128xi32, #tpu.memory_space<vmem>>
    %dma_start3A_28 = arith.constant 0 : i32
    %dma_start3A_29 = tpu.memref_slice %arg5[%dma_start3A_28] : memref<1000000xf32, #tpu.memory_space<hbm>> -> memref<1000000xf32, #tpu.memory_space<hbm>>
    tpu.enqueue_indirect_dma source(%dma_start3A_29 : memref<1000000xf32, #tpu.memory_space<hbm>>) target(%dma_start3A_25 : memref<128xf32, #tpu.memory_space<vmem>>) offsets(%dma_start3A_27 : memref<128xi32, #tpu.memory_space<vmem>>) semaphore(%arg13 : memref<!tpu.dma_semaphore, #tpu.memory_space<semaphore_mem>>)
    %dma_start3A_30 = arith.constant 256 : i32
    %dma_start3A_31 = tpu.memref_slice %arg9[%dma_start3A_30] : memref<512xf32, #tpu.memory_space<vmem>> -> memref<128xf32, #tpu.memory_space<vmem>>
    %dma_start3A_32 = arith.constant 256 : i32
    %dma_start3A_33 = tpu.memref_slice %arg7[%dma_start3A_32] : memref<512xi32, #tpu.memory_space<vmem>> -> memref<128xi32, #tpu.memory_space<vmem>>
    %dma_start3A_34 = arith.constant 0 : i32
    %dma_start3A_35 = tpu.memref_slice %arg5[%dma_start3A_34] : memref<1000000xf32, #tpu.memory_space<hbm>> -> memref<1000000xf32, #tpu.memory_space<hbm>>
    tpu.enqueue_indirect_dma source(%dma_start3A_35 : memref<1000000xf32, #tpu.memory_space<hbm>>) target(%dma_start3A_31 : memref<128xf32, #tpu.memory_space<vmem>>) offsets(%dma_start3A_33 : memref<128xi32, #tpu.memory_space<vmem>>) semaphore(%arg13 : memref<!tpu.dma_semaphore, #tpu.memory_space<semaphore_mem>>)
    %dma_start3A_36 = arith.constant 384 : i32
    %dma_start3A_37 = tpu.memref_slice %arg9[%dma_start3A_36] : memref<512xf32, #tpu.memory_space<vmem>> -> memref<128xf32, #tpu.memory_space<vmem>>
    %dma_start3A_38 = arith.constant 384 : i32
    %dma_start3A_39 = tpu.memref_slice %arg7[%dma_start3A_38] : memref<512xi32, #tpu.memory_space<vmem>> -> memref<128xi32, #tpu.memory_space<vmem>>
    %dma_start3A_40 = arith.constant 0 : i32
    %dma_start3A_41 = tpu.memref_slice %arg5[%dma_start3A_40] : memref<1000000xf32, #tpu.memory_space<hbm>> -> memref<1000000xf32, #tpu.memory_space<hbm>>
    tpu.enqueue_indirect_dma source(%dma_start3A_41 : memref<1000000xf32, #tpu.memory_space<hbm>>) target(%dma_start3A_37 : memref<128xf32, #tpu.memory_space<vmem>>) offsets(%dma_start3A_39 : memref<128xi32, #tpu.memory_space<vmem>>) semaphore(%arg13 : memref<!tpu.dma_semaphore, #tpu.memory_space<semaphore_mem>>)
    %iota3A = tpu.iota {dimensions = array<i32: 0>} : vector<16xi32>
    %jit3A_42 = arith.constant 8 : i32
    %div3A_43 = vector.broadcast %jit3A_42 : i32 to vector<16xi32>
    %div3A_44 = arith.divsi %iota3A, %div3A_43 : vector<16xi32>
    %sign3A_45 = arith.constant 0 : i32
    %sign3A_46 = vector.broadcast %sign3A_45 : i32 to vector<16xi32>
    %sign3A_47 = arith.cmpi sgt, %iota3A, %sign3A_46 : vector<16xi32>
    %sign3A_48 = arith.extui %sign3A_47 : vector<16xi1> to vector<16xi32>
    %sign3A_49 = arith.constant 0 : i32
    %sign3A_50 = vector.broadcast %sign3A_49 : i32 to vector<16xi32>
    %sign3A_51 = arith.cmpi slt, %iota3A, %sign3A_50 : vector<16xi32>
    %sign3A_52 = arith.extui %sign3A_51 : vector<16xi1> to vector<16xi32>
    %sign3A_53 = arith.subi %sign3A_48, %sign3A_52 : vector<16xi32>
    %sign3A_54 = arith.constant 0 : i32
    %sign3A_55 = arith.cmpi sgt, %jit3A_42, %sign3A_54 : i32
    %sign3A_56 = arith.extui %sign3A_55 : i1 to i32
    %sign3A_57 = arith.constant 0 : i32
    %sign3A_58 = arith.cmpi slt, %jit3A_42, %sign3A_57 : i32
    %sign3A_59 = arith.extui %sign3A_58 : i1 to i32
    %sign3A_60 = arith.subi %sign3A_56, %sign3A_59 : i32
    %ne3A_61 = vector.broadcast %sign3A_60 : i32 to vector<16xi32>
    %ne3A_62 = arith.cmpi ne, %sign3A_53, %ne3A_61 : vector<16xi32>
    %rem3A_63 = vector.broadcast %jit3A_42 : i32 to vector<16xi32>
    %rem3A_64 = arith.remsi %iota3A, %rem3A_63 : vector<16xi32>
    %ne3A_65 = arith.constant 0 : i32
    %ne3A_66 = vector.broadcast %ne3A_65 : i32 to vector<16xi32>
    %ne3A_67 = arith.cmpi ne, %rem3A_64, %ne3A_66 : vector<16xi32>
    %and3A_68 = arith.andi %ne3A_62, %ne3A_67 : vector<16xi1>
    %sub3A_69 = arith.constant 1 : i32
    %sub3A_70 = vector.broadcast %sub3A_69 : i32 to vector<16xi32>
    %sub3A_71 = arith.subi %div3A_44, %sub3A_70 : vector<16xi32>
    %select_n3A_72 = arith.select %and3A_68, %sub3A_71, %div3A_44 : vector<16xi1>, vector<16xi32>
    %jit3A_73 = arith.constant 8 : i32
    %eq3A = arith.constant 0 : i32
    %eq3A_74 = arith.cmpi eq, %jit3A_73, %eq3A : i32
    %jit3A_75 = arith.constant 1 : i32
    %select_n3A_76 = arith.select %eq3A_74, %jit3A_75, %jit3A_73 : i32
    %rem3A_77 = vector.broadcast %select_n3A_76 : i32 to vector<16xi32>
    %rem3A_78 = arith.remsi %iota3A, %rem3A_77 : vector<16xi32>
    %ne3A_79 = arith.constant 0 : i32
    %ne3A_80 = vector.broadcast %ne3A_79 : i32 to vector<16xi32>
    %ne3A_81 = arith.cmpi ne, %rem3A_78, %ne3A_80 : vector<16xi32>
    %lt3A = arith.constant 0 : i32
    %lt3A_82 = vector.broadcast %lt3A : i32 to vector<16xi32>
    %lt3A_83 = arith.cmpi slt, %rem3A_78, %lt3A_82 : vector<16xi32>
    %lt3A_84 = arith.constant 0 : i32
    %lt3A_85 = arith.cmpi slt, %select_n3A_76, %lt3A_84 : i32
    %ne3A_86 = vector.broadcast %lt3A_85 : i1 to vector<16xi1>
    %ne3A_87 = vector.broadcast %ne3A_86 : vector<16xi1> to vector<16xi1>
    %ne3A_88 = arith.xori %lt3A_83, %ne3A_87 : vector<16xi1>
    %and3A_89 = arith.andi %ne3A_88, %ne3A_81 : vector<16xi1>
    %add3A_90 = vector.broadcast %select_n3A_76 : i32 to vector<16xi32>
    %add3A_91 = arith.addi %rem3A_78, %add3A_90 : vector<16xi32>
    %select_n3A_92 = arith.select %and3A_89, %add3A_91, %rem3A_78 : vector<16xi1>, vector<16xi32>
    %dma_wait3A = arith.constant 0 : i32
    %dma_wait3A_93 = tpu.memref_slice %arg9[%dma_wait3A] : memref<512xf32, #tpu.memory_space<vmem>> -> memref<128xf32, #tpu.memory_space<vmem>>
    %dma_wait3A_94 = arith.constant 0 : i32
    %dma_wait3A_95 = tpu.memref_slice %arg7[%dma_wait3A_94] : memref<512xi32, #tpu.memory_space<vmem>> -> memref<128xi32, #tpu.memory_space<vmem>>
    %dma_wait3A_96 = arith.constant 0 : i32
    %dma_wait3A_97 = tpu.memref_slice %arg5[%dma_wait3A_96] : memref<1000000xf32, #tpu.memory_space<hbm>> -> memref<1000000xf32, #tpu.memory_space<hbm>>
    tpu.wait_indirect_dma semaphore(%arg13 : memref<!tpu.dma_semaphore, #tpu.memory_space<semaphore_mem>>) src(%dma_wait3A_97 : memref<1000000xf32, #tpu.memory_space<hbm>>) dst(%dma_wait3A_93 : memref<128xf32, #tpu.memory_space<vmem>>)
    %dma_wait3A_98 = arith.constant 128 : i32
    %dma_wait3A_99 = tpu.memref_slice %arg9[%dma_wait3A_98] : memref<512xf32, #tpu.memory_space<vmem>> -> memref<128xf32, #tpu.memory_space<vmem>>
    %dma_wait3A_100 = arith.constant 128 : i32
    %dma_wait3A_101 = tpu.memref_slice %arg7[%dma_wait3A_100] : memref<512xi32, #tpu.memory_space<vmem>> -> memref<128xi32, #tpu.memory_space<vmem>>
    %dma_wait3A_102 = arith.constant 0 : i32
    %dma_wait3A_103 = tpu.memref_slice %arg5[%dma_wait3A_102] : memref<1000000xf32, #tpu.memory_space<hbm>> -> memref<1000000xf32, #tpu.memory_space<hbm>>
    tpu.wait_indirect_dma semaphore(%arg13 : memref<!tpu.dma_semaphore, #tpu.memory_space<semaphore_mem>>) src(%dma_wait3A_103 : memref<1000000xf32, #tpu.memory_space<hbm>>) dst(%dma_wait3A_99 : memref<128xf32, #tpu.memory_space<vmem>>)
    %dma_wait3A_104 = arith.constant 256 : i32
    %dma_wait3A_105 = tpu.memref_slice %arg9[%dma_wait3A_104] : memref<512xf32, #tpu.memory_space<vmem>> -> memref<128xf32, #tpu.memory_space<vmem>>
    %dma_wait3A_106 = arith.constant 256 : i32
    %dma_wait3A_107 = tpu.memref_slice %arg7[%dma_wait3A_106] : memref<512xi32, #tpu.memory_space<vmem>> -> memref<128xi32, #tpu.memory_space<vmem>>
    %dma_wait3A_108 = arith.constant 0 : i32
    %dma_wait3A_109 = tpu.memref_slice %arg5[%dma_wait3A_108] : memref<1000000xf32, #tpu.memory_space<hbm>> -> memref<1000000xf32, #tpu.memory_space<hbm>>
    tpu.wait_indirect_dma semaphore(%arg13 : memref<!tpu.dma_semaphore, #tpu.memory_space<semaphore_mem>>) src(%dma_wait3A_109 : memref<1000000xf32, #tpu.memory_space<hbm>>) dst(%dma_wait3A_105 : memref<128xf32, #tpu.memory_space<vmem>>)
    %dma_wait3A_110 = arith.constant 384 : i32
    %dma_wait3A_111 = tpu.memref_slice %arg9[%dma_wait3A_110] : memref<512xf32, #tpu.memory_space<vmem>> -> memref<128xf32, #tpu.memory_space<vmem>>
    %dma_wait3A_112 = arith.constant 384 : i32
    %dma_wait3A_113 = tpu.memref_slice %arg7[%dma_wait3A_112] : memref<512xi32, #tpu.memory_space<vmem>> -> memref<128xi32, #tpu.memory_space<vmem>>
    %dma_wait3A_114 = arith.constant 0 : i32
    %dma_wait3A_115 = tpu.memref_slice %arg5[%dma_wait3A_114] : memref<1000000xf32, #tpu.memory_space<hbm>> -> memref<1000000xf32, #tpu.memory_space<hbm>>
    tpu.wait_indirect_dma semaphore(%arg13 : memref<!tpu.dma_semaphore, #tpu.memory_space<semaphore_mem>>) src(%dma_wait3A_115 : memref<1000000xf32, #tpu.memory_space<hbm>>) dst(%dma_wait3A_111 : memref<128xf32, #tpu.memory_space<vmem>>)
    %scan3A = arith.constant 0 : i32
    %scan3A_116 = arith.constant 0 : i32
    %scan3A_117 = arith.constant 17 : i32
    %scan3A_118 = arith.addi %scan3A_116, %scan3A_117 : i32
    %scan3A_119 = arith.constant 1 : i32
    %scan3A_120 = scf.for %scan3A_122 = %scan3A_116 to %scan3A_118 step %scan3A_119 iter_args(%scan3A_123 = %scan3A) -> (i32)  : i32 {
      %and3A_124 = arith.constant 1 : i32
      %and3A_125 = arith.andi %scan3A_122, %and3A_124 : i32
      %lt3A_126 = arith.constant 16 : i32
      %lt3A_127 = arith.cmpi slt, %scan3A_122, %lt3A_126 : i32
      %convert_element_type3A = arith.extui %lt3A_127 : i1 to i32
      %cond3A = arith.constant 0 : i32
      %cond3A_128 = arith.cmpi ne, %convert_element_type3A, %cond3A : i32
      scf.if %cond3A_128 {
        %mul3A_134 = arith.constant 32 : i32
        %mul3A_135 = arith.muli %scan3A_122, %mul3A_134 : i32
        %add3A_136 = arith.constant 0 : i32
        %add3A_137 = arith.addi %mul3A_135, %add3A_136 : i32
        %get3A = arith.index_cast %add3A_137 : i32 to index
        %get3A_138 = tpu.vector_load %arg7[%get3A] {strides = array<i32>} : memref<512xi32, #tpu.memory_space<vmem>>, vector<16xi32>,
        %shift_right_logical3A = arith.constant 3 : i32
        %shift_right_logical3A_139 = vector.broadcast %shift_right_logical3A : i32 to vector<16xi32>
        %shift_right_logical3A_140 = arith.shrui %get3A_138, %shift_right_logical3A_139 : vector<16xi32>
        %mul3A_141 = arith.constant 32 : i32
        %mul3A_142 = arith.muli %scan3A_122, %mul3A_141 : i32
        %add3A_143 = arith.constant 16 : i32
        %add3A_144 = arith.addi %mul3A_142, %add3A_143 : i32
        %get3A_145 = arith.index_cast %add3A_144 : i32 to index
        %get3A_146 = tpu.vector_load %arg7[%get3A_145] {strides = array<i32>} : memref<512xi32, #tpu.memory_space<vmem>>, vector<16xi32>,
        %shift_right_logical3A_147 = arith.constant 3 : i32
        %shift_right_logical3A_148 = vector.broadcast %shift_right_logical3A_147 : i32 to vector<16xi32>
        %shift_right_logical3A_149 = arith.shrui %get3A_146, %shift_right_logical3A_148 : vector<16xi32>
        %mul3A_150 = arith.constant 4 : i32
        %mul3A_151 = arith.muli %mul3A_150, %scan3A_122 : i32
        %add3A_152 = arith.addi %select_n3A, %mul3A_151 : i32
        %dma_start3A_153 = arith.constant 0 : i32
        %dma_start3A_154 = arith.constant 0 : i32
        %dma_start3A_155 = arith.constant 0 : i32
        %dma_start3A_156 = tpu.memref_slice %arg10[%and3A_125, %dma_start3A_153, %dma_start3A_154, %dma_start3A_155] : memref<2x4x8x16xf32, #tpu.memory_space<vmem>> -> memref<1x4x8x16xf32, #tpu.memory_space<vmem>>
        %dma_start3A_157 = tpu.memref_squeeze %dma_start3A_156 : memref<1x4x8x16xf32, #tpu.memory_space<vmem>> -> memref<4x8x16xf32, #tpu.memory_space<vmem>>
        %dma_start3A_158 = arith.constant 0 : i32
        %dma_start3A_159 = arith.constant 0 : i32
        %dma_start3A_160 = tpu.memref_slice %arg2[%add3A_152, %dma_start3A_158, %dma_start3A_159] : memref<2048x8x16xf32, #tpu.memory_space<hbm>> -> memref<4x8x16xf32, #tpu.memory_space<hbm>>
        %dma_start3A_161 = arith.constant 0 : i32
        %dma_start3A_162 = arith.constant 0 : i32
        %dma_start3A_163 = arith.constant 0 : i32
        %dma_start3A_164 = tpu.memref_slice %arg10[%and3A_125, %dma_start3A_161, %dma_start3A_162, %dma_start3A_163] : memref<2x4x8x16xf32, #tpu.memory_space<vmem>> -> memref<1x4x8x16xf32, #tpu.memory_space<vmem>>
        %dma_start3A_165 = tpu.memref_squeeze %dma_start3A_164 : memref<1x4x8x16xf32, #tpu.memory_space<vmem>> -> memref<4x8x16xf32, #tpu.memory_space<vmem>>
        %dma_start3A_166 = arith.constant 0 : i32
        %dma_start3A_167 = arith.constant 0 : i32
        %dma_start3A_168 = tpu.memref_slice %arg2[%add3A_152, %dma_start3A_166, %dma_start3A_167] : memref<2048x8x16xf32, #tpu.memory_space<hbm>> -> memref<4x8x16xf32, #tpu.memory_space<hbm>>
        tpu.enqueue_dma source(%dma_start3A_168 : memref<4x8x16xf32, #tpu.memory_space<hbm>>) target(%dma_start3A_165 : memref<4x8x16xf32, #tpu.memory_space<vmem>>) target_semaphore(%arg14 : memref<!tpu.dma_semaphore, #tpu.memory_space<semaphore_mem>>)
        %slice3A = vector.extract_strided_slice %shift_right_logical3A_140 {offsets = [0], sizes = [1], strides = [1]} : vector<16xi32> to vector<1xi32>
        %squeeze3A = vector.extract %slice3A[0] : i32 from vector<1xi32>
        %dma_start3A_169 = arith.constant 0 : i32
        %dma_start3A_170 = arith.constant 0 : i32
        %dma_start3A_171 = arith.constant 0 : i32
        %dma_start3A_172 = tpu.memref_slice %arg8[%and3A_125, %dma_start3A_169, %dma_start3A_170, %dma_start3A_171] : memref<2x32x8x16xf32, #tpu.memory_space<vmem>> -> memref<1x1x8x16xf32, #tpu.memory_space<vmem>>
        %dma_start3A_173 = tpu.memref_squeeze %dma_start3A_172 : memref<1x1x8x16xf32, #tpu.memory_space<vmem>> -> memref<8x16xf32, #tpu.memory_space<vmem>>
        %dma_start3A_174 = arith.constant 0 : i32
        %dma_start3A_175 = arith.constant 0 : i32
        %dma_start3A_176 = tpu.memref_slice %arg4[%squeeze3A, %dma_start3A_174, %dma_start3A_175] : memref<125000x8x16xf32, #tpu.memory_space<hbm>> -> memref<1x8x16xf32, #tpu.memory_space<hbm>>
        %dma_start3A_177 = tpu.memref_squeeze %dma_start3A_176 : memref<1x8x16xf32, #tpu.memory_space<hbm>> -> memref<8x16xf32, #tpu.memory_space<hbm>>
        %dma_start3A_178 = arith.constant 0 : i32
        %dma_start3A_179 = arith.constant 0 : i32
        %dma_start3A_180 = tpu.memref_slice %arg8[%and3A_125, %dma_start3A_169, %dma_start3A_178, %dma_start3A_179] : memref<2x32x8x16xf32, #tpu.memory_space<vmem>> -> memref<1x1x8x16xf32, #tpu.memory_space<vmem>>
        %dma_start3A_181 = tpu.memref_squeeze %dma_start3A_180 : memref<1x1x8x16xf32, #tpu.memory_space<vmem>> -> memref<8x16xf32, #tpu.memory_space<vmem>>
        %dma_start3A_182 = arith.constant 0 : i32
        %dma_start3A_183 = arith.constant 0 : i32
        %dma_start3A_184 = tpu.memref_slice %arg4[%squeeze3A, %dma_start3A_182, %dma_start3A_183] : memref<125000x8x16xf32, #tpu.memory_space<hbm>> -> memref<1x8x16xf32, #tpu.memory_space<hbm>>
        %dma_start3A_185 = tpu.memref_squeeze %dma_start3A_184 : memref<1x8x16xf32, #tpu.memory_space<hbm>> -> memref<8x16xf32, #tpu.memory_space<hbm>>
        tpu.enqueue_dma source(%dma_start3A_185 : memref<8x16xf32, #tpu.memory_space<hbm>>) target(%dma_start3A_181 : memref<8x16xf32, #tpu.memory_space<vmem>>) target_semaphore(%arg12 : memref<!tpu.dma_semaphore, #tpu.memory_space<semaphore_mem>>)
        %slice3A_186 = vector.extract_strided_slice %shift_right_logical3A_140 {offsets = [1], sizes = [1], strides = [1]} : vector<16xi32> to vector<1xi32>
        %squeeze3A_187 = vector.extract %slice3A_186[0] : i32 from vector<1xi32>
        %dma_start3A_188 = arith.constant 1 : i32
        %dma_start3A_189 = arith.constant 0 : i32
        %dma_start3A_190 = arith.constant 0 : i32
        %dma_start3A_191 = tpu.memref_slice %arg8[%and3A_125, %dma_start3A_188, %dma_start3A_189, %dma_start3A_190] : memref<2x32x8x16xf32, #tpu.memory_space<vmem>> -> memref<1x1x8x16xf32, #tpu.memory_space<vmem>>
        %dma_start3A_192 = tpu.memref_squeeze %dma_start3A_191 : memref<1x1x8x16xf32, #tpu.memory_space<vmem>> -> memref<8x16xf32, #tpu.memory_space<vmem>>
        %dma_start3A_193 = arith.constant 0 : i32
        %dma_start3A_194 = arith.constant 0 : i32
        %dma_start3A_195 = tpu.memref_slice %arg4[%squeeze3A_187, %dma_start3A_193, %dma_start3A_194] : memref<125000x8x16xf32, #tpu.memory_space<hbm>> -> memref<1x8x16xf32, #tpu.memory_space<hbm>>
        %dma_start3A_196 = tpu.memref_squeeze %dma_start3A_195 : memref<1x8x16xf32, #tpu.memory_space<hbm>> -> memref<8x16xf32, #tpu.memory_space<hbm>>
        %dma_start3A_197 = arith.constant 0 : i32
        %dma_start3A_198 = arith.constant 0 : i32
        %dma_start3A_199 = tpu.memref_slice %arg8[%and3A_125, %dma_start3A_188, %dma_start3A_197, %dma_start3A_198] : memref<2x32x8x16xf32, #tpu.memory_space<vmem>> -> memref<1x1x8x16xf32, #tpu.memory_space<vmem>>
        %dma_start3A_200 = tpu.memref_squeeze %dma_start3A_199 : memref<1x1x8x16xf32, #tpu.memory_space<vmem>> -> memref<8x16xf32, #tpu.memory_space<vmem>>
        %dma_start3A_201 = arith.constant 0 : i32
        %dma_start3A_202 = arith.constant 0 : i32
        %dma_start3A_203 = tpu.memref_slice %arg4[%squeeze3A_187, %dma_start3A_201, %dma_start3A_202] : memref<125000x8x16xf32, #tpu.memory_space<hbm>> -> memref<1x8x16xf32, #tpu.memory_space<hbm>>
        %dma_start3A_204 = tpu.memref_squeeze %dma_start3A_203 : memref<1x8x16xf32, #tpu.memory_space<hbm>> -> memref<8x16xf32, #tpu.memory_space<hbm>>
        tpu.enqueue_dma source(%dma_start3A_204 : memref<8x16xf32, #tpu.memory_space<hbm>>) target(%dma_start3A_200 : memref<8x16xf32, #tpu.memory_space<vmem>>) target_semaphore(%arg12 : memref<!tpu.dma_semaphore, #tpu.memory_space<semaphore_mem>>)
        %slice3A_205 = vector.extract_strided_slice %shift_right_logical3A_140 {offsets = [2], sizes = [1], strides = [1]} : vector<16xi32> to vector<1xi32>
        %squeeze3A_206 = vector.extract %slice3A_205[0] : i32 from vector<1xi32>
        %dma_start3A_207 = arith.constant 2 : i32
        %dma_start3A_208 = arith.constant 0 : i32
        %dma_start3A_209 = arith.constant 0 : i32
        %dma_start3A_210 = tpu.memref_slice %arg8[%and3A_125, %dma_start3A_207, %dma_start3A_208, %dma_start3A_209] : memref<2x32x8x16xf32, #tpu.memory_space<vmem>> -> memref<1x1x8x16xf32, #tpu.memory_space<vmem>>
        %dma_start3A_211 = tpu.memref_squeeze %dma_start3A_210 : memref<1x1x8x16xf32, #tpu.memory_space<vmem>> -> memref<8x16xf32, #tpu.memory_space<vmem>>
        %dma_start3A_212 = arith.constant 0 : i32
        %dma_start3A_213 = arith.constant 0 : i32
        %dma_start3A_214 = tpu.memref_slice %arg4[%squeeze3A_206, %dma_start3A_212, %dma_start3A_213] : memref<125000x8x16xf32, #tpu.memory_space<hbm>> -> memref<1x8x16xf32, #tpu.memory_space<hbm>>
        %dma_start3A_215 = tpu.memref_squeeze %dma_start3A_214 : memref<1x8x16xf32, #tpu.memory_space<hbm>> -> memref<8x16xf32, #tpu.memory_space<hbm>>
        %dma_start3A_216 = arith.constant 0 : i32
        %dma_start3A_217 = arith.constant 0 : i32
        %dma_start3A_218 = tpu.memref_slice %arg8[%and3A_125, %dma_start3A_207, %dma_start3A_216, %dma_start3A_217] : memref<2x32x8x16xf32, #tpu.memory_space<vmem>> -> memref<1x1x8x16xf32, #tpu.memory_space<vmem>>
        %dma_start3A_219 = tpu.memref_squeeze %dma_start3A_218 : memref<1x1x8x16xf32, #tpu.memory_space<vmem>> -> memref<8x16xf32, #tpu.memory_space<vmem>>
        %dma_start3A_220 = arith.constant 0 : i32
        %dma_start3A_221 = arith.constant 0 : i32
        %dma_start3A_222 = tpu.memref_slice %arg4[%squeeze3A_206, %dma_start3A_220, %dma_start3A_221] : memref<125000x8x16xf32, #tpu.memory_space<hbm>> -> memref<1x8x16xf32, #tpu.memory_space<hbm>>
        %dma_start3A_223 = tpu.memref_squeeze %dma_start3A_222 : memref<1x8x16xf32, #tpu.memory_space<hbm>> -> memref<8x16xf32, #tpu.memory_space<hbm>>
        tpu.enqueue_dma source(%dma_start3A_223 : memref<8x16xf32, #tpu.memory_space<hbm>>) target(%dma_start3A_219 : memref<8x16xf32, #tpu.memory_space<vmem>>) target_semaphore(%arg12 : memref<!tpu.dma_semaphore, #tpu.memory_space<semaphore_mem>>)
        %slice3A_224 = vector.extract_strided_slice %shift_right_logical3A_140 {offsets = [3], sizes = [1], strides = [1]} : vector<16xi32> to vector<1xi32>
        %squeeze3A_225 = vector.extract %slice3A_224[0] : i32 from vector<1xi32>
        %dma_start3A_226 = arith.constant 3 : i32
        %dma_start3A_227 = arith.constant 0 : i32
        %dma_start3A_228 = arith.constant 0 : i32
        %dma_start3A_229 = tpu.memref_slice %arg8[%and3A_125, %dma_start3A_226, %dma_start3A_227, %dma_start3A_228] : memref<2x32x8x16xf32, #tpu.memory_space<vmem>> -> memref<1x1x8x16xf32, #tpu.memory_space<vmem>>
        %dma_start3A_230 = tpu.memref_squeeze %dma_start3A_229 : memref<1x1x8x16xf32, #tpu.memory_space<vmem>> -> memref<8x16xf32, #tpu.memory_space<vmem>>
        %dma_start3A_231 = arith.constant 0 : i32
        %dma_start3A_232 = arith.constant 0 : i32
        %dma_start3A_233 = tpu.memref_slice %arg4[%squeeze3A_225, %dma_start3A_231, %dma_start3A_232] : memref<125000x8x16xf32, #tpu.memory_space<hbm>> -> memref<1x8x16xf32, #tpu.memory_space<hbm>>
        %dma_start3A_234 = tpu.memref_squeeze %dma_start3A_233 : memref<1x8x16xf32, #tpu.memory_space<hbm>> -> memref<8x16xf32, #tpu.memory_space<hbm>>
        %dma_start3A_235 = arith.constant 0 : i32
        %dma_start3A_236 = arith.constant 0 : i32
        %dma_start3A_237 = tpu.memref_slice %arg8[%and3A_125, %dma_start3A_226, %dma_start3A_235, %dma_start3A_236] : memref<2x32x8x16xf32, #tpu.memory_space<vmem>> -> memref<1x1x8x16xf32, #tpu.memory_space<vmem>>
        %dma_start3A_238 = tpu.memref_squeeze %dma_start3A_237 : memref<1x1x8x16xf32, #tpu.memory_space<vmem>> -> memref<8x16xf32, #tpu.memory_space<vmem>>
        %dma_start3A_239 = arith.constant 0 : i32
        %dma_start3A_240 = arith.constant 0 : i32
        %dma_start3A_241 = tpu.memref_slice %arg4[%squeeze3A_225, %dma_start3A_239, %dma_start3A_240] : memref<125000x8x16xf32, #tpu.memory_space<hbm>> -> memref<1x8x16xf32, #tpu.memory_space<hbm>>
        %dma_start3A_242 = tpu.memref_squeeze %dma_start3A_241 : memref<1x8x16xf32, #tpu.memory_space<hbm>> -> memref<8x16xf32, #tpu.memory_space<hbm>>
        tpu.enqueue_dma source(%dma_start3A_242 : memref<8x16xf32, #tpu.memory_space<hbm>>) target(%dma_start3A_238 : memref<8x16xf32, #tpu.memory_space<vmem>>) target_semaphore(%arg12 : memref<!tpu.dma_semaphore, #tpu.memory_space<semaphore_mem>>)
        %slice3A_243 = vector.extract_strided_slice %shift_right_logical3A_140 {offsets = [4], sizes = [1], strides = [1]} : vector<16xi32> to vector<1xi32>
        %squeeze3A_244 = vector.extract %slice3A_243[0] : i32 from vector<1xi32>
        %dma_start3A_245 = arith.constant 4 : i32
        %dma_start3A_246 = arith.constant 0 : i32
        %dma_start3A_247 = arith.constant 0 : i32
        %dma_start3A_248 = tpu.memref_slice %arg8[%and3A_125, %dma_start3A_245, %dma_start3A_246, %dma_start3A_247] : memref<2x32x8x16xf32, #tpu.memory_space<vmem>> -> memref<1x1x8x16xf32, #tpu.memory_space<vmem>>
        %dma_start3A_249 = tpu.memref_squeeze %dma_start3A_248 : memref<1x1x8x16xf32, #tpu.memory_space<vmem>> -> memref<8x16xf32, #tpu.memory_space<vmem>>
        %dma_start3A_250 = arith.constant 0 : i32
        %dma_start3A_251 = arith.constant 0 : i32
        %dma_start3A_252 = tpu.memref_slice %arg4[%squeeze3A_244, %dma_start3A_250, %dma_start3A_251] : memref<125000x8x16xf32, #tpu.memory_space<hbm>> -> memref<1x8x16xf32, #tpu.memory_space<hbm>>
        %dma_start3A_253 = tpu.memref_squeeze %dma_start3A_252 : memref<1x8x16xf32, #tpu.memory_space<hbm>> -> memref<8x16xf32, #tpu.memory_space<hbm>>
        %dma_start3A_254 = arith.constant 0 : i32
        %dma_start3A_255 = arith.constant 0 : i32
        %dma_start3A_256 = tpu.memref_slice %arg8[%and3A_125, %dma_start3A_245, %dma_start3A_254, %dma_start3A_255] : memref<2x32x8x16xf32, #tpu.memory_space<vmem>> -> memref<1x1x8x16xf32, #tpu.memory_space<vmem>>
        %dma_start3A_257 = tpu.memref_squeeze %dma_start3A_256 : memref<1x1x8x16xf32, #tpu.memory_space<vmem>> -> memref<8x16xf32, #tpu.memory_space<vmem>>
        %dma_start3A_258 = arith.constant 0 : i32
        %dma_start3A_259 = arith.constant 0 : i32
        %dma_start3A_260 = tpu.memref_slice %arg4[%squeeze3A_244, %dma_start3A_258, %dma_start3A_259] : memref<125000x8x16xf32, #tpu.memory_space<hbm>> -> memref<1x8x16xf32, #tpu.memory_space<hbm>>
        %dma_start3A_261 = tpu.memref_squeeze %dma_start3A_260 : memref<1x8x16xf32, #tpu.memory_space<hbm>> -> memref<8x16xf32, #tpu.memory_space<hbm>>
        tpu.enqueue_dma source(%dma_start3A_261 : memref<8x16xf32, #tpu.memory_space<hbm>>) target(%dma_start3A_257 : memref<8x16xf32, #tpu.memory_space<vmem>>) target_semaphore(%arg12 : memref<!tpu.dma_semaphore, #tpu.memory_space<semaphore_mem>>)
        %slice3A_262 = vector.extract_strided_slice %shift_right_logical3A_140 {offsets = [5], sizes = [1], strides = [1]} : vector<16xi32> to vector<1xi32>
        %squeeze3A_263 = vector.extract %slice3A_262[0] : i32 from vector<1xi32>
        %dma_start3A_264 = arith.constant 5 : i32
        %dma_start3A_265 = arith.constant 0 : i32
        %dma_start3A_266 = arith.constant 0 : i32
        %dma_start3A_267 = tpu.memref_slice %arg8[%and3A_125, %dma_start3A_264, %dma_start3A_265, %dma_start3A_266] : memref<2x32x8x16xf32, #tpu.memory_space<vmem>> -> memref<1x1x8x16xf32, #tpu.memory_space<vmem>>
        %dma_start3A_268 = tpu.memref_squeeze %dma_start3A_267 : memref<1x1x8x16xf32, #tpu.memory_space<vmem>> -> memref<8x16xf32, #tpu.memory_space<vmem>>
        %dma_start3A_269 = arith.constant 0 : i32
        %dma_start3A_270 = arith.constant 0 : i32
        %dma_start3A_271 = tpu.memref_slice %arg4[%squeeze3A_263, %dma_start3A_269, %dma_start3A_270] : memref<125000x8x16xf32, #tpu.memory_space<hbm>> -> memref<1x8x16xf32, #tpu.memory_space<hbm>>
        %dma_start3A_272 = tpu.memref_squeeze %dma_start3A_271 : memref<1x8x16xf32, #tpu.memory_space<hbm>> -> memref<8x16xf32, #tpu.memory_space<hbm>>
        %dma_start3A_273 = arith.constant 0 : i32
        %dma_start3A_274 = arith.constant 0 : i32
        %dma_start3A_275 = tpu.memref_slice %arg8[%and3A_125, %dma_start3A_264, %dma_start3A_273, %dma_start3A_274] : memref<2x32x8x16xf32, #tpu.memory_space<vmem>> -> memref<1x1x8x16xf32, #tpu.memory_space<vmem>>
        %dma_start3A_276 = tpu.memref_squeeze %dma_start3A_275 : memref<1x1x8x16xf32, #tpu.memory_space<vmem>> -> memref<8x16xf32, #tpu.memory_space<vmem>>
        %dma_start3A_277 = arith.constant 0 : i32
        %dma_start3A_278 = arith.constant 0 : i32
        %dma_start3A_279 = tpu.memref_slice %arg4[%squeeze3A_263, %dma_start3A_277, %dma_start3A_278] : memref<125000x8x16xf32, #tpu.memory_space<hbm>> -> memref<1x8x16xf32, #tpu.memory_space<hbm>>
        %dma_start3A_280 = tpu.memref_squeeze %dma_start3A_279 : memref<1x8x16xf32, #tpu.memory_space<hbm>> -> memref<8x16xf32, #tpu.memory_space<hbm>>
        tpu.enqueue_dma source(%dma_start3A_280 : memref<8x16xf32, #tpu.memory_space<hbm>>) target(%dma_start3A_276 : memref<8x16xf32, #tpu.memory_space<vmem>>) target_semaphore(%arg12 : memref<!tpu.dma_semaphore, #tpu.memory_space<semaphore_mem>>)
        %slice3A_281 = vector.extract_strided_slice %shift_right_logical3A_140 {offsets = [6], sizes = [1], strides = [1]} : vector<16xi32> to vector<1xi32>
        %squeeze3A_282 = vector.extract %slice3A_281[0] : i32 from vector<1xi32>
        %dma_start3A_283 = arith.constant 6 : i32
        %dma_start3A_284 = arith.constant 0 : i32
        %dma_start3A_285 = arith.constant 0 : i32
        %dma_start3A_286 = tpu.memref_slice %arg8[%and3A_125, %dma_start3A_283, %dma_start3A_284, %dma_start3A_285] : memref<2x32x8x16xf32, #tpu.memory_space<vmem>> -> memref<1x1x8x16xf32, #tpu.memory_space<vmem>>
        %dma_start3A_287 = tpu.memref_squeeze %dma_start3A_286 : memref<1x1x8x16xf32, #tpu.memory_space<vmem>> -> memref<8x16xf32, #tpu.memory_space<vmem>>
        %dma_start3A_288 = arith.constant 0 : i32
        %dma_start3A_289 = arith.constant 0 : i32
        %dma_start3A_290 = tpu.memref_slice %arg4[%squeeze3A_282, %dma_start3A_288, %dma_start3A_289] : memref<125000x8x16xf32, #tpu.memory_space<hbm>> -> memref<1x8x16xf32, #tpu.memory_space<hbm>>
        %dma_start3A_291 = tpu.memref_squeeze %dma_start3A_290 : memref<1x8x16xf32, #tpu.memory_space<hbm>> -> memref<8x16xf32, #tpu.memory_space<hbm>>
        %dma_start3A_292 = arith.constant 0 : i32
        %dma_start3A_293 = arith.constant 0 : i32
        %dma_start3A_294 = tpu.memref_slice %arg8[%and3A_125, %dma_start3A_283, %dma_start3A_292, %dma_start3A_293] : memref<2x32x8x16xf32, #tpu.memory_space<vmem>> -> memref<1x1x8x16xf32, #tpu.memory_space<vmem>>
        %dma_start3A_295 = tpu.memref_squeeze %dma_start3A_294 : memref<1x1x8x16xf32, #tpu.memory_space<vmem>> -> memref<8x16xf32, #tpu.memory_space<vmem>>
        %dma_start3A_296 = arith.constant 0 : i32
        %dma_start3A_297 = arith.constant 0 : i32
        %dma_start3A_298 = tpu.memref_slice %arg4[%squeeze3A_282, %dma_start3A_296, %dma_start3A_297] : memref<125000x8x16xf32, #tpu.memory_space<hbm>> -> memref<1x8x16xf32, #tpu.memory_space<hbm>>
        %dma_start3A_299 = tpu.memref_squeeze %dma_start3A_298 : memref<1x8x16xf32, #tpu.memory_space<hbm>> -> memref<8x16xf32, #tpu.memory_space<hbm>>
        tpu.enqueue_dma source(%dma_start3A_299 : memref<8x16xf32, #tpu.memory_space<hbm>>) target(%dma_start3A_295 : memref<8x16xf32, #tpu.memory_space<vmem>>) target_semaphore(%arg12 : memref<!tpu.dma_semaphore, #tpu.memory_space<semaphore_mem>>)
        %slice3A_300 = vector.extract_strided_slice %shift_right_logical3A_140 {offsets = [7], sizes = [1], strides = [1]} : vector<16xi32> to vector<1xi32>
        %squeeze3A_301 = vector.extract %slice3A_300[0] : i32 from vector<1xi32>
        %dma_start3A_302 = arith.constant 7 : i32
        %dma_start3A_303 = arith.constant 0 : i32
        %dma_start3A_304 = arith.constant 0 : i32
        %dma_start3A_305 = tpu.memref_slice %arg8[%and3A_125, %dma_start3A_302, %dma_start3A_303, %dma_start3A_304] : memref<2x32x8x16xf32, #tpu.memory_space<vmem>> -> memref<1x1x8x16xf32, #tpu.memory_space<vmem>>
        %dma_start3A_306 = tpu.memref_squeeze %dma_start3A_305 : memref<1x1x8x16xf32, #tpu.memory_space<vmem>> -> memref<8x16xf32, #tpu.memory_space<vmem>>
        %dma_start3A_307 = arith.constant 0 : i32
        %dma_start3A_308 = arith.constant 0 : i32
        %dma_start3A_309 = tpu.memref_slice %arg4[%squeeze3A_301, %dma_start3A_307, %dma_start3A_308] : memref<125000x8x16xf32, #tpu.memory_space<hbm>> -> memref<1x8x16xf32, #tpu.memory_space<hbm>>
        %dma_start3A_310 = tpu.memref_squeeze %dma_start3A_309 : memref<1x8x16xf32, #tpu.memory_space<hbm>> -> memref<8x16xf32, #tpu.memory_space<hbm>>
        %dma_start3A_311 = arith.constant 0 : i32
        %dma_start3A_312 = arith.constant 0 : i32
        %dma_start3A_313 = tpu.memref_slice %arg8[%and3A_125, %dma_start3A_302, %dma_start3A_311, %dma_start3A_312] : memref<2x32x8x16xf32, #tpu.memory_space<vmem>> -> memref<1x1x8x16xf32, #tpu.memory_space<vmem>>
        %dma_start3A_314 = tpu.memref_squeeze %dma_start3A_313 : memref<1x1x8x16xf32, #tpu.memory_space<vmem>> -> memref<8x16xf32, #tpu.memory_space<vmem>>
        %dma_start3A_315 = arith.constant 0 : i32
        %dma_start3A_316 = arith.constant 0 : i32
        %dma_start3A_317 = tpu.memref_slice %arg4[%squeeze3A_301, %dma_start3A_315, %dma_start3A_316] : memref<125000x8x16xf32, #tpu.memory_space<hbm>> -> memref<1x8x16xf32, #tpu.memory_space<hbm>>
        %dma_start3A_318 = tpu.memref_squeeze %dma_start3A_317 : memref<1x8x16xf32, #tpu.memory_space<hbm>> -> memref<8x16xf32, #tpu.memory_space<hbm>>
        tpu.enqueue_dma source(%dma_start3A_318 : memref<8x16xf32, #tpu.memory_space<hbm>>) target(%dma_start3A_314 : memref<8x16xf32, #tpu.memory_space<vmem>>) target_semaphore(%arg12 : memref<!tpu.dma_semaphore, #tpu.memory_space<semaphore_mem>>)
        %slice3A_319 = vector.extract_strided_slice %shift_right_logical3A_140 {offsets = [8], sizes = [1], strides = [1]} : vector<16xi32> to vector<1xi32>
        %squeeze3A_320 = vector.extract %slice3A_319[0] : i32 from vector<1xi32>
        %dma_start3A_321 = arith.constant 8 : i32
        %dma_start3A_322 = arith.constant 0 : i32
        %dma_start3A_323 = arith.constant 0 : i32
        %dma_start3A_324 = tpu.memref_slice %arg8[%and3A_125, %dma_start3A_321, %dma_start3A_322, %dma_start3A_323] : memref<2x32x8x16xf32, #tpu.memory_space<vmem>> -> memref<1x1x8x16xf32, #tpu.memory_space<vmem>>
        %dma_start3A_325 = tpu.memref_squeeze %dma_start3A_324 : memref<1x1x8x16xf32, #tpu.memory_space<vmem>> -> memref<8x16xf32, #tpu.memory_space<vmem>>
        %dma_start3A_326 = arith.constant 0 : i32
        %dma_start3A_327 = arith.constant 0 : i32
        %dma_start3A_328 = tpu.memref_slice %arg4[%squeeze3A_320, %dma_start3A_326, %dma_start3A_327] : memref<125000x8x16xf32, #tpu.memory_space<hbm>> -> memref<1x8x16xf32, #tpu.memory_space<hbm>>
        %dma_start3A_329 = tpu.memref_squeeze %dma_start3A_328 : memref<1x8x16xf32, #tpu.memory_space<hbm>> -> memref<8x16xf32, #tpu.memory_space<hbm>>
        %dma_start3A_330 = arith.constant 0 : i32
        %dma_start3A_331 = arith.constant 0 : i32
        %dma_start3A_332 = tpu.memref_slice %arg8[%and3A_125, %dma_start3A_321, %dma_start3A_330, %dma_start3A_331] : memref<2x32x8x16xf32, #tpu.memory_space<vmem>> -> memref<1x1x8x16xf32, #tpu.memory_space<vmem>>
        %dma_start3A_333 = tpu.memref_squeeze %dma_start3A_332 : memref<1x1x8x16xf32, #tpu.memory_space<vmem>> -> memref<8x16xf32, #tpu.memory_space<vmem>>
        %dma_start3A_334 = arith.constant 0 : i32
        %dma_start3A_335 = arith.constant 0 : i32
        %dma_start3A_336 = tpu.memref_slice %arg4[%squeeze3A_320, %dma_start3A_334, %dma_start3A_335] : memref<125000x8x16xf32, #tpu.memory_space<hbm>> -> memref<1x8x16xf32, #tpu.memory_space<hbm>>
        %dma_start3A_337 = tpu.memref_squeeze %dma_start3A_336 : memref<1x8x16xf32, #tpu.memory_space<hbm>> -> memref<8x16xf32, #tpu.memory_space<hbm>>
        tpu.enqueue_dma source(%dma_start3A_337 : memref<8x16xf32, #tpu.memory_space<hbm>>) target(%dma_start3A_333 : memref<8x16xf32, #tpu.memory_space<vmem>>) target_semaphore(%arg12 : memref<!tpu.dma_semaphore, #tpu.memory_space<semaphore_mem>>)
        %slice3A_338 = vector.extract_strided_slice %shift_right_logical3A_140 {offsets = [9], sizes = [1], strides = [1]} : vector<16xi32> to vector<1xi32>
        %squeeze3A_339 = vector.extract %slice3A_338[0] : i32 from vector<1xi32>
        %dma_start3A_340 = arith.constant 9 : i32
        %dma_start3A_341 = arith.constant 0 : i32
        %dma_start3A_342 = arith.constant 0 : i32
        %dma_start3A_343 = tpu.memref_slice %arg8[%and3A_125, %dma_start3A_340, %dma_start3A_341, %dma_start3A_342] : memref<2x32x8x16xf32, #tpu.memory_space<vmem>> -> memref<1x1x8x16xf32, #tpu.memory_space<vmem>>
        %dma_start3A_344 = tpu.memref_squeeze %dma_start3A_343 : memref<1x1x8x16xf32, #tpu.memory_space<vmem>> -> memref<8x16xf32, #tpu.memory_space<vmem>>
        %dma_start3A_345 = arith.constant 0 : i32
        %dma_start3A_346 = arith.constant 0 : i32
        %dma_start3A_347 = tpu.memref_slice %arg4[%squeeze3A_339, %dma_start3A_345, %dma_start3A_346] : memref<125000x8x16xf32, #tpu.memory_space<hbm>> -> memref<1x8x16xf32, #tpu.memory_space<hbm>>
        %dma_start3A_348 = tpu.memref_squeeze %dma_start3A_347 : memref<1x8x16xf32, #tpu.memory_space<hbm>> -> memref<8x16xf32, #tpu.memory_space<hbm>>
        %dma_start3A_349 = arith.constant 0 : i32
        %dma_start3A_350 = arith.constant 0 : i32
        %dma_start3A_351 = tpu.memref_slice %arg8[%and3A_125, %dma_start3A_340, %dma_start3A_349, %dma_start3A_350] : memref<2x32x8x16xf32, #tpu.memory_space<vmem>> -> memref<1x1x8x16xf32, #tpu.memory_space<vmem>>
        %dma_start3A_352 = tpu.memref_squeeze %dma_start3A_351 : memref<1x1x8x16xf32, #tpu.memory_space<vmem>> -> memref<8x16xf32, #tpu.memory_space<vmem>>
        %dma_start3A_353 = arith.constant 0 : i32
        %dma_start3A_354 = arith.constant 0 : i32
        %dma_start3A_355 = tpu.memref_slice %arg4[%squeeze3A_339, %dma_start3A_353, %dma_start3A_354] : memref<125000x8x16xf32, #tpu.memory_space<hbm>> -> memref<1x8x16xf32, #tpu.memory_space<hbm>>
        %dma_start3A_356 = tpu.memref_squeeze %dma_start3A_355 : memref<1x8x16xf32, #tpu.memory_space<hbm>> -> memref<8x16xf32, #tpu.memory_space<hbm>>
        tpu.enqueue_dma source(%dma_start3A_356 : memref<8x16xf32, #tpu.memory_space<hbm>>) target(%dma_start3A_352 : memref<8x16xf32, #tpu.memory_space<vmem>>) target_semaphore(%arg12 : memref<!tpu.dma_semaphore, #tpu.memory_space<semaphore_mem>>)
        %slice3A_357 = vector.extract_strided_slice %shift_right_logical3A_140 {offsets = [10], sizes = [1], strides = [1]} : vector<16xi32> to vector<1xi32>
        %squeeze3A_358 = vector.extract %slice3A_357[0] : i32 from vector<1xi32>
        %dma_start3A_359 = arith.constant 10 : i32
        %dma_start3A_360 = arith.constant 0 : i32
        %dma_start3A_361 = arith.constant 0 : i32
        %dma_start3A_362 = tpu.memref_slice %arg8[%and3A_125, %dma_start3A_359, %dma_start3A_360, %dma_start3A_361] : memref<2x32x8x16xf32, #tpu.memory_space<vmem>> -> memref<1x1x8x16xf32, #tpu.memory_space<vmem>>
        %dma_start3A_363 = tpu.memref_squeeze %dma_start3A_362 : memref<1x1x8x16xf32, #tpu.memory_space<vmem>> -> memref<8x16xf32, #tpu.memory_space<vmem>>
        %dma_start3A_364 = arith.constant 0 : i32
        %dma_start3A_365 = arith.constant 0 : i32
        %dma_start3A_366 = tpu.memref_slice %arg4[%squeeze3A_358, %dma_start3A_364, %dma_start3A_365] : memref<125000x8x16xf32, #tpu.memory_space<hbm>> -> memref<1x8x16xf32, #tpu.memory_space<hbm>>
        %dma_start3A_367 = tpu.memref_squeeze %dma_start3A_366 : memref<1x8x16xf32, #tpu.memory_space<hbm>> -> memref<8x16xf32, #tpu.memory_space<hbm>>
        %dma_start3A_368 = arith.constant 0 : i32
        %dma_start3A_369 = arith.constant 0 : i32
        %dma_start3A_370 = tpu.memref_slice %arg8[%and3A_125, %dma_start3A_359, %dma_start3A_368, %dma_start3A_369] : memref<2x32x8x16xf32, #tpu.memory_space<vmem>> -> memref<1x1x8x16xf32, #tpu.memory_space<vmem>>
        %dma_start3A_371 = tpu.memref_squeeze %dma_start3A_370 : memref<1x1x8x16xf32, #tpu.memory_space<vmem>> -> memref<8x16xf32, #tpu.memory_space<vmem>>
        %dma_start3A_372 = arith.constant 0 : i32
        %dma_start3A_373 = arith.constant 0 : i32
        %dma_start3A_374 = tpu.memref_slice %arg4[%squeeze3A_358, %dma_start3A_372, %dma_start3A_373] : memref<125000x8x16xf32, #tpu.memory_space<hbm>> -> memref<1x8x16xf32, #tpu.memory_space<hbm>>
        %dma_start3A_375 = tpu.memref_squeeze %dma_start3A_374 : memref<1x8x16xf32, #tpu.memory_space<hbm>> -> memref<8x16xf32, #tpu.memory_space<hbm>>
        tpu.enqueue_dma source(%dma_start3A_375 : memref<8x16xf32, #tpu.memory_space<hbm>>) target(%dma_start3A_371 : memref<8x16xf32, #tpu.memory_space<vmem>>) target_semaphore(%arg12 : memref<!tpu.dma_semaphore, #tpu.memory_space<semaphore_mem>>)
        %slice3A_376 = vector.extract_strided_slice %shift_right_logical3A_140 {offsets = [11], sizes = [1], strides = [1]} : vector<16xi32> to vector<1xi32>
        %squeeze3A_377 = vector.extract %slice3A_376[0] : i32 from vector<1xi32>
        %dma_start3A_378 = arith.constant 11 : i32
        %dma_start3A_379 = arith.constant 0 : i32
        %dma_start3A_380 = arith.constant 0 : i32
        %dma_start3A_381 = tpu.memref_slice %arg8[%and3A_125, %dma_start3A_378, %dma_start3A_379, %dma_start3A_380] : memref<2x32x8x16xf32, #tpu.memory_space<vmem>> -> memref<1x1x8x16xf32, #tpu.memory_space<vmem>>
        %dma_start3A_382 = tpu.memref_squeeze %dma_start3A_381 : memref<1x1x8x16xf32, #tpu.memory_space<vmem>> -> memref<8x16xf32, #tpu.memory_space<vmem>>
        %dma_start3A_383 = arith.constant 0 : i32
        %dma_start3A_384 = arith.constant 0 : i32
        %dma_start3A_385 = tpu.memref_slice %arg4[%squeeze3A_377, %dma_start3A_383, %dma_start3A_384] : memref<125000x8x16xf32, #tpu.memory_space<hbm>> -> memref<1x8x16xf32, #tpu.memory_space<hbm>>
        %dma_start3A_386 = tpu.memref_squeeze %dma_start3A_385 : memref<1x8x16xf32, #tpu.memory_space<hbm>> -> memref<8x16xf32, #tpu.memory_space<hbm>>
        %dma_start3A_387 = arith.constant 0 : i32
        %dma_start3A_388 = arith.constant 0 : i32
        %dma_start3A_389 = tpu.memref_slice %arg8[%and3A_125, %dma_start3A_378, %dma_start3A_387, %dma_start3A_388] : memref<2x32x8x16xf32, #tpu.memory_space<vmem>> -> memref<1x1x8x16xf32, #tpu.memory_space<vmem>>
        %dma_start3A_390 = tpu.memref_squeeze %dma_start3A_389 : memref<1x1x8x16xf32, #tpu.memory_space<vmem>> -> memref<8x16xf32, #tpu.memory_space<vmem>>
        %dma_start3A_391 = arith.constant 0 : i32
        %dma_start3A_392 = arith.constant 0 : i32
        %dma_start3A_393 = tpu.memref_slice %arg4[%squeeze3A_377, %dma_start3A_391, %dma_start3A_392] : memref<125000x8x16xf32, #tpu.memory_space<hbm>> -> memref<1x8x16xf32, #tpu.memory_space<hbm>>
        %dma_start3A_394 = tpu.memref_squeeze %dma_start3A_393 : memref<1x8x16xf32, #tpu.memory_space<hbm>> -> memref<8x16xf32, #tpu.memory_space<hbm>>
        tpu.enqueue_dma source(%dma_start3A_394 : memref<8x16xf32, #tpu.memory_space<hbm>>) target(%dma_start3A_390 : memref<8x16xf32, #tpu.memory_space<vmem>>) target_semaphore(%arg12 : memref<!tpu.dma_semaphore, #tpu.memory_space<semaphore_mem>>)
        %slice3A_395 = vector.extract_strided_slice %shift_right_logical3A_140 {offsets = [12], sizes = [1], strides = [1]} : vector<16xi32> to vector<1xi32>
        %squeeze3A_396 = vector.extract %slice3A_395[0] : i32 from vector<1xi32>
        %dma_start3A_397 = arith.constant 12 : i32
        %dma_start3A_398 = arith.constant 0 : i32
        %dma_start3A_399 = arith.constant 0 : i32
        %dma_start3A_400 = tpu.memref_slice %arg8[%and3A_125, %dma_start3A_397, %dma_start3A_398, %dma_start3A_399] : memref<2x32x8x16xf32, #tpu.memory_space<vmem>> -> memref<1x1x8x16xf32, #tpu.memory_space<vmem>>
        %dma_start3A_401 = tpu.memref_squeeze %dma_start3A_400 : memref<1x1x8x16xf32, #tpu.memory_space<vmem>> -> memref<8x16xf32, #tpu.memory_space<vmem>>
        %dma_start3A_402 = arith.constant 0 : i32
        %dma_start3A_403 = arith.constant 0 : i32
        %dma_start3A_404 = tpu.memref_slice %arg4[%squeeze3A_396, %dma_start3A_402, %dma_start3A_403] : memref<125000x8x16xf32, #tpu.memory_space<hbm>> -> memref<1x8x16xf32, #tpu.memory_space<hbm>>
        %dma_start3A_405 = tpu.memref_squeeze %dma_start3A_404 : memref<1x8x16xf32, #tpu.memory_space<hbm>> -> memref<8x16xf32, #tpu.memory_space<hbm>>
        %dma_start3A_406 = arith.constant 0 : i32
        %dma_start3A_407 = arith.constant 0 : i32
        %dma_start3A_408 = tpu.memref_slice %arg8[%and3A_125, %dma_start3A_397, %dma_start3A_406, %dma_start3A_407] : memref<2x32x8x16xf32, #tpu.memory_space<vmem>> -> memref<1x1x8x16xf32, #tpu.memory_space<vmem>>
        %dma_start3A_409 = tpu.memref_squeeze %dma_start3A_408 : memref<1x1x8x16xf32, #tpu.memory_space<vmem>> -> memref<8x16xf32, #tpu.memory_space<vmem>>
        %dma_start3A_410 = arith.constant 0 : i32
        %dma_start3A_411 = arith.constant 0 : i32
        %dma_start3A_412 = tpu.memref_slice %arg4[%squeeze3A_396, %dma_start3A_410, %dma_start3A_411] : memref<125000x8x16xf32, #tpu.memory_space<hbm>> -> memref<1x8x16xf32, #tpu.memory_space<hbm>>
        %dma_start3A_413 = tpu.memref_squeeze %dma_start3A_412 : memref<1x8x16xf32, #tpu.memory_space<hbm>> -> memref<8x16xf32, #tpu.memory_space<hbm>>
        tpu.enqueue_dma source(%dma_start3A_413 : memref<8x16xf32, #tpu.memory_space<hbm>>) target(%dma_start3A_409 : memref<8x16xf32, #tpu.memory_space<vmem>>) target_semaphore(%arg12 : memref<!tpu.dma_semaphore, #tpu.memory_space<semaphore_mem>>)
        %slice3A_414 = vector.extract_strided_slice %shift_right_logical3A_140 {offsets = [13], sizes = [1], strides = [1]} : vector<16xi32> to vector<1xi32>
        %squeeze3A_415 = vector.extract %slice3A_414[0] : i32 from vector<1xi32>
        %dma_start3A_416 = arith.constant 13 : i32
        %dma_start3A_417 = arith.constant 0 : i32
        %dma_start3A_418 = arith.constant 0 : i32
        %dma_start3A_419 = tpu.memref_slice %arg8[%and3A_125, %dma_start3A_416, %dma_start3A_417, %dma_start3A_418] : memref<2x32x8x16xf32, #tpu.memory_space<vmem>> -> memref<1x1x8x16xf32, #tpu.memory_space<vmem>>
        %dma_start3A_420 = tpu.memref_squeeze %dma_start3A_419 : memref<1x1x8x16xf32, #tpu.memory_space<vmem>> -> memref<8x16xf32, #tpu.memory_space<vmem>>
        %dma_start3A_421 = arith.constant 0 : i32
        %dma_start3A_422 = arith.constant 0 : i32
        %dma_start3A_423 = tpu.memref_slice %arg4[%squeeze3A_415, %dma_start3A_421, %dma_start3A_422] : memref<125000x8x16xf32, #tpu.memory_space<hbm>> -> memref<1x8x16xf32, #tpu.memory_space<hbm>>
        %dma_start3A_424 = tpu.memref_squeeze %dma_start3A_423 : memref<1x8x16xf32, #tpu.memory_space<hbm>> -> memref<8x16xf32, #tpu.memory_space<hbm>>
        %dma_start3A_425 = arith.constant 0 : i32
        %dma_start3A_426 = arith.constant 0 : i32
        %dma_start3A_427 = tpu.memref_slice %arg8[%and3A_125, %dma_start3A_416, %dma_start3A_425, %dma_start3A_426] : memref<2x32x8x16xf32, #tpu.memory_space<vmem>> -> memref<1x1x8x16xf32, #tpu.memory_space<vmem>>
        %dma_start3A_428 = tpu.memref_squeeze %dma_start3A_427 : memref<1x1x8x16xf32, #tpu.memory_space<vmem>> -> memref<8x16xf32, #tpu.memory_space<vmem>>
        %dma_start3A_429 = arith.constant 0 : i32
        %dma_start3A_430 = arith.constant 0 : i32
        %dma_start3A_431 = tpu.memref_slice %arg4[%squeeze3A_415, %dma_start3A_429, %dma_start3A_430] : memref<125000x8x16xf32, #tpu.memory_space<hbm>> -> memref<1x8x16xf32, #tpu.memory_space<hbm>>
        %dma_start3A_432 = tpu.memref_squeeze %dma_start3A_431 : memref<1x8x16xf32, #tpu.memory_space<hbm>> -> memref<8x16xf32, #tpu.memory_space<hbm>>
        tpu.enqueue_dma source(%dma_start3A_432 : memref<8x16xf32, #tpu.memory_space<hbm>>) target(%dma_start3A_428 : memref<8x16xf32, #tpu.memory_space<vmem>>) target_semaphore(%arg12 : memref<!tpu.dma_semaphore, #tpu.memory_space<semaphore_mem>>)
        %slice3A_433 = vector.extract_strided_slice %shift_right_logical3A_140 {offsets = [14], sizes = [1], strides = [1]} : vector<16xi32> to vector<1xi32>
        %squeeze3A_434 = vector.extract %slice3A_433[0] : i32 from vector<1xi32>
        %dma_start3A_435 = arith.constant 14 : i32
        %dma_start3A_436 = arith.constant 0 : i32
        %dma_start3A_437 = arith.constant 0 : i32
        %dma_start3A_438 = tpu.memref_slice %arg8[%and3A_125, %dma_start3A_435, %dma_start3A_436, %dma_start3A_437] : memref<2x32x8x16xf32, #tpu.memory_space<vmem>> -> memref<1x1x8x16xf32, #tpu.memory_space<vmem>>
        %dma_start3A_439 = tpu.memref_squeeze %dma_start3A_438 : memref<1x1x8x16xf32, #tpu.memory_space<vmem>> -> memref<8x16xf32, #tpu.memory_space<vmem>>
        %dma_start3A_440 = arith.constant 0 : i32
        %dma_start3A_441 = arith.constant 0 : i32
        %dma_start3A_442 = tpu.memref_slice %arg4[%squeeze3A_434, %dma_start3A_440, %dma_start3A_441] : memref<125000x8x16xf32, #tpu.memory_space<hbm>> -> memref<1x8x16xf32, #tpu.memory_space<hbm>>
        %dma_start3A_443 = tpu.memref_squeeze %dma_start3A_442 : memref<1x8x16xf32, #tpu.memory_space<hbm>> -> memref<8x16xf32, #tpu.memory_space<hbm>>
        %dma_start3A_444 = arith.constant 0 : i32
        %dma_start3A_445 = arith.constant 0 : i32
        %dma_start3A_446 = tpu.memref_slice %arg8[%and3A_125, %dma_start3A_435, %dma_start3A_444, %dma_start3A_445] : memref<2x32x8x16xf32, #tpu.memory_space<vmem>> -> memref<1x1x8x16xf32, #tpu.memory_space<vmem>>
        %dma_start3A_447 = tpu.memref_squeeze %dma_start3A_446 : memref<1x1x8x16xf32, #tpu.memory_space<vmem>> -> memref<8x16xf32, #tpu.memory_space<vmem>>
        %dma_start3A_448 = arith.constant 0 : i32
        %dma_start3A_449 = arith.constant 0 : i32
        %dma_start3A_450 = tpu.memref_slice %arg4[%squeeze3A_434, %dma_start3A_448, %dma_start3A_449] : memref<125000x8x16xf32, #tpu.memory_space<hbm>> -> memref<1x8x16xf32, #tpu.memory_space<hbm>>
        %dma_start3A_451 = tpu.memref_squeeze %dma_start3A_450 : memref<1x8x16xf32, #tpu.memory_space<hbm>> -> memref<8x16xf32, #tpu.memory_space<hbm>>
        tpu.enqueue_dma source(%dma_start3A_451 : memref<8x16xf32, #tpu.memory_space<hbm>>) target(%dma_start3A_447 : memref<8x16xf32, #tpu.memory_space<vmem>>) target_semaphore(%arg12 : memref<!tpu.dma_semaphore, #tpu.memory_space<semaphore_mem>>)
        %slice3A_452 = vector.extract_strided_slice %shift_right_logical3A_140 {offsets = [15], sizes = [1], strides = [1]} : vector<16xi32> to vector<1xi32>
        %squeeze3A_453 = vector.extract %slice3A_452[0] : i32 from vector<1xi32>
        %dma_start3A_454 = arith.constant 15 : i32
        %dma_start3A_455 = arith.constant 0 : i32
        %dma_start3A_456 = arith.constant 0 : i32
        %dma_start3A_457 = tpu.memref_slice %arg8[%and3A_125, %dma_start3A_454, %dma_start3A_455, %dma_start3A_456] : memref<2x32x8x16xf32, #tpu.memory_space<vmem>> -> memref<1x1x8x16xf32, #tpu.memory_space<vmem>>
        %dma_start3A_458 = tpu.memref_squeeze %dma_start3A_457 : memref<1x1x8x16xf32, #tpu.memory_space<vmem>> -> memref<8x16xf32, #tpu.memory_space<vmem>>
        %dma_start3A_459 = arith.constant 0 : i32
        %dma_start3A_460 = arith.constant 0 : i32
        %dma_start3A_461 = tpu.memref_slice %arg4[%squeeze3A_453, %dma_start3A_459, %dma_start3A_460] : memref<125000x8x16xf32, #tpu.memory_space<hbm>> -> memref<1x8x16xf32, #tpu.memory_space<hbm>>
        %dma_start3A_462 = tpu.memref_squeeze %dma_start3A_461 : memref<1x8x16xf32, #tpu.memory_space<hbm>> -> memref<8x16xf32, #tpu.memory_space<hbm>>
        %dma_start3A_463 = arith.constant 0 : i32
        %dma_start3A_464 = arith.constant 0 : i32
        %dma_start3A_465 = tpu.memref_slice %arg8[%and3A_125, %dma_start3A_454, %dma_start3A_463, %dma_start3A_464] : memref<2x32x8x16xf32, #tpu.memory_space<vmem>> -> memref<1x1x8x16xf32, #tpu.memory_space<vmem>>
        %dma_start3A_466 = tpu.memref_squeeze %dma_start3A_465 : memref<1x1x8x16xf32, #tpu.memory_space<vmem>> -> memref<8x16xf32, #tpu.memory_space<vmem>>
        %dma_start3A_467 = arith.constant 0 : i32
        %dma_start3A_468 = arith.constant 0 : i32
        %dma_start3A_469 = tpu.memref_slice %arg4[%squeeze3A_453, %dma_start3A_467, %dma_start3A_468] : memref<125000x8x16xf32, #tpu.memory_space<hbm>> -> memref<1x8x16xf32, #tpu.memory_space<hbm>>
        %dma_start3A_470 = tpu.memref_squeeze %dma_start3A_469 : memref<1x8x16xf32, #tpu.memory_space<hbm>> -> memref<8x16xf32, #tpu.memory_space<hbm>>
        tpu.enqueue_dma source(%dma_start3A_470 : memref<8x16xf32, #tpu.memory_space<hbm>>) target(%dma_start3A_466 : memref<8x16xf32, #tpu.memory_space<vmem>>) target_semaphore(%arg12 : memref<!tpu.dma_semaphore, #tpu.memory_space<semaphore_mem>>)
        %slice3A_471 = vector.extract_strided_slice %shift_right_logical3A_149 {offsets = [0], sizes = [1], strides = [1]} : vector<16xi32> to vector<1xi32>
        %squeeze3A_472 = vector.extract %slice3A_471[0] : i32 from vector<1xi32>
        %dma_start3A_473 = arith.constant 16 : i32
        %dma_start3A_474 = arith.constant 0 : i32
        %dma_start3A_475 = arith.constant 0 : i32
        %dma_start3A_476 = tpu.memref_slice %arg8[%and3A_125, %dma_start3A_473, %dma_start3A_474, %dma_start3A_475] : memref<2x32x8x16xf32, #tpu.memory_space<vmem>> -> memref<1x1x8x16xf32, #tpu.memory_space<vmem>>
        %dma_start3A_477 = tpu.memref_squeeze %dma_start3A_476 : memref<1x1x8x16xf32, #tpu.memory_space<vmem>> -> memref<8x16xf32, #tpu.memory_space<vmem>>
        %dma_start3A_478 = arith.constant 0 : i32
        %dma_start3A_479 = arith.constant 0 : i32
        %dma_start3A_480 = tpu.memref_slice %arg4[%squeeze3A_472, %dma_start3A_478, %dma_start3A_479] : memref<125000x8x16xf32, #tpu.memory_space<hbm>> -> memref<1x8x16xf32, #tpu.memory_space<hbm>>
        %dma_start3A_481 = tpu.memref_squeeze %dma_start3A_480 : memref<1x8x16xf32, #tpu.memory_space<hbm>> -> memref<8x16xf32, #tpu.memory_space<hbm>>
        %dma_start3A_482 = arith.constant 0 : i32
        %dma_start3A_483 = arith.constant 0 : i32
        %dma_start3A_484 = tpu.memref_slice %arg8[%and3A_125, %dma_start3A_473, %dma_start3A_482, %dma_start3A_483] : memref<2x32x8x16xf32, #tpu.memory_space<vmem>> -> memref<1x1x8x16xf32, #tpu.memory_space<vmem>>
        %dma_start3A_485 = tpu.memref_squeeze %dma_start3A_484 : memref<1x1x8x16xf32, #tpu.memory_space<vmem>> -> memref<8x16xf32, #tpu.memory_space<vmem>>
        %dma_start3A_486 = arith.constant 0 : i32
        %dma_start3A_487 = arith.constant 0 : i32
        %dma_start3A_488 = tpu.memref_slice %arg4[%squeeze3A_472, %dma_start3A_486, %dma_start3A_487] : memref<125000x8x16xf32, #tpu.memory_space<hbm>> -> memref<1x8x16xf32, #tpu.memory_space<hbm>>
        %dma_start3A_489 = tpu.memref_squeeze %dma_start3A_488 : memref<1x8x16xf32, #tpu.memory_space<hbm>> -> memref<8x16xf32, #tpu.memory_space<hbm>>
        tpu.enqueue_dma source(%dma_start3A_489 : memref<8x16xf32, #tpu.memory_space<hbm>>) target(%dma_start3A_485 : memref<8x16xf32, #tpu.memory_space<vmem>>) target_semaphore(%arg12 : memref<!tpu.dma_semaphore, #tpu.memory_space<semaphore_mem>>)
        %slice3A_490 = vector.extract_strided_slice %shift_right_logical3A_149 {offsets = [1], sizes = [1], strides = [1]} : vector<16xi32> to vector<1xi32>
        %squeeze3A_491 = vector.extract %slice3A_490[0] : i32 from vector<1xi32>
        %dma_start3A_492 = arith.constant 17 : i32
        %dma_start3A_493 = arith.constant 0 : i32
        %dma_start3A_494 = arith.constant 0 : i32
        %dma_start3A_495 = tpu.memref_slice %arg8[%and3A_125, %dma_start3A_492, %dma_start3A_493, %dma_start3A_494] : memref<2x32x8x16xf32, #tpu.memory_space<vmem>> -> memref<1x1x8x16xf32, #tpu.memory_space<vmem>>
        %dma_start3A_496 = tpu.memref_squeeze %dma_start3A_495 : memref<1x1x8x16xf32, #tpu.memory_space<vmem>> -> memref<8x16xf32, #tpu.memory_space<vmem>>
        %dma_start3A_497 = arith.constant 0 : i32
        %dma_start3A_498 = arith.constant 0 : i32
        %dma_start3A_499 = tpu.memref_slice %arg4[%squeeze3A_491, %dma_start3A_497, %dma_start3A_498] : memref<125000x8x16xf32, #tpu.memory_space<hbm>> -> memref<1x8x16xf32, #tpu.memory_space<hbm>>
        %dma_start3A_500 = tpu.memref_squeeze %dma_start3A_499 : memref<1x8x16xf32, #tpu.memory_space<hbm>> -> memref<8x16xf32, #tpu.memory_space<hbm>>
        %dma_start3A_501 = arith.constant 0 : i32
        %dma_start3A_502 = arith.constant 0 : i32
        %dma_start3A_503 = tpu.memref_slice %arg8[%and3A_125, %dma_start3A_492, %dma_start3A_501, %dma_start3A_502] : memref<2x32x8x16xf32, #tpu.memory_space<vmem>> -> memref<1x1x8x16xf32, #tpu.memory_space<vmem>>
        %dma_start3A_504 = tpu.memref_squeeze %dma_start3A_503 : memref<1x1x8x16xf32, #tpu.memory_space<vmem>> -> memref<8x16xf32, #tpu.memory_space<vmem>>
        %dma_start3A_505 = arith.constant 0 : i32
        %dma_start3A_506 = arith.constant 0 : i32
        %dma_start3A_507 = tpu.memref_slice %arg4[%squeeze3A_491, %dma_start3A_505, %dma_start3A_506] : memref<125000x8x16xf32, #tpu.memory_space<hbm>> -> memref<1x8x16xf32, #tpu.memory_space<hbm>>
        %dma_start3A_508 = tpu.memref_squeeze %dma_start3A_507 : memref<1x8x16xf32, #tpu.memory_space<hbm>> -> memref<8x16xf32, #tpu.memory_space<hbm>>
        tpu.enqueue_dma source(%dma_start3A_508 : memref<8x16xf32, #tpu.memory_space<hbm>>) target(%dma_start3A_504 : memref<8x16xf32, #tpu.memory_space<vmem>>) target_semaphore(%arg12 : memref<!tpu.dma_semaphore, #tpu.memory_space<semaphore_mem>>)
        %slice3A_509 = vector.extract_strided_slice %shift_right_logical3A_149 {offsets = [2], sizes = [1], strides = [1]} : vector<16xi32> to vector<1xi32>
        %squeeze3A_510 = vector.extract %slice3A_509[0] : i32 from vector<1xi32>
        %dma_start3A_511 = arith.constant 18 : i32
        %dma_start3A_512 = arith.constant 0 : i32
        %dma_start3A_513 = arith.constant 0 : i32
        %dma_start3A_514 = tpu.memref_slice %arg8[%and3A_125, %dma_start3A_511, %dma_start3A_512, %dma_start3A_513] : memref<2x32x8x16xf32, #tpu.memory_space<vmem>> -> memref<1x1x8x16xf32, #tpu.memory_space<vmem>>
        %dma_start3A_515 = tpu.memref_squeeze %dma_start3A_514 : memref<1x1x8x16xf32, #tpu.memory_space<vmem>> -> memref<8x16xf32, #tpu.memory_space<vmem>>
        %dma_start3A_516 = arith.constant 0 : i32
        %dma_start3A_517 = arith.constant 0 : i32
        %dma_start3A_518 = tpu.memref_slice %arg4[%squeeze3A_510, %dma_start3A_516, %dma_start3A_517] : memref<125000x8x16xf32, #tpu.memory_space<hbm>> -> memref<1x8x16xf32, #tpu.memory_space<hbm>>
        %dma_start3A_519 = tpu.memref_squeeze %dma_start3A_518 : memref<1x8x16xf32, #tpu.memory_space<hbm>> -> memref<8x16xf32, #tpu.memory_space<hbm>>
        %dma_start3A_520 = arith.constant 0 : i32
        %dma_start3A_521 = arith.constant 0 : i32
        %dma_start3A_522 = tpu.memref_slice %arg8[%and3A_125, %dma_start3A_511, %dma_start3A_520, %dma_start3A_521] : memref<2x32x8x16xf32, #tpu.memory_space<vmem>> -> memref<1x1x8x16xf32, #tpu.memory_space<vmem>>
        %dma_start3A_523 = tpu.memref_squeeze %dma_start3A_522 : memref<1x1x8x16xf32, #tpu.memory_space<vmem>> -> memref<8x16xf32, #tpu.memory_space<vmem>>
        %dma_start3A_524 = arith.constant 0 : i32
        %dma_start3A_525 = arith.constant 0 : i32
        %dma_start3A_526 = tpu.memref_slice %arg4[%squeeze3A_510, %dma_start3A_524, %dma_start3A_525] : memref<125000x8x16xf32, #tpu.memory_space<hbm>> -> memref<1x8x16xf32, #tpu.memory_space<hbm>>
        %dma_start3A_527 = tpu.memref_squeeze %dma_start3A_526 : memref<1x8x16xf32, #tpu.memory_space<hbm>> -> memref<8x16xf32, #tpu.memory_space<hbm>>
        tpu.enqueue_dma source(%dma_start3A_527 : memref<8x16xf32, #tpu.memory_space<hbm>>) target(%dma_start3A_523 : memref<8x16xf32, #tpu.memory_space<vmem>>) target_semaphore(%arg12 : memref<!tpu.dma_semaphore, #tpu.memory_space<semaphore_mem>>)
        %slice3A_528 = vector.extract_strided_slice %shift_right_logical3A_149 {offsets = [3], sizes = [1], strides = [1]} : vector<16xi32> to vector<1xi32>
        %squeeze3A_529 = vector.extract %slice3A_528[0] : i32 from vector<1xi32>
        %dma_start3A_530 = arith.constant 19 : i32
        %dma_start3A_531 = arith.constant 0 : i32
        %dma_start3A_532 = arith.constant 0 : i32
        %dma_start3A_533 = tpu.memref_slice %arg8[%and3A_125, %dma_start3A_530, %dma_start3A_531, %dma_start3A_532] : memref<2x32x8x16xf32, #tpu.memory_space<vmem>> -> memref<1x1x8x16xf32, #tpu.memory_space<vmem>>
        %dma_start3A_534 = tpu.memref_squeeze %dma_start3A_533 : memref<1x1x8x16xf32, #tpu.memory_space<vmem>> -> memref<8x16xf32, #tpu.memory_space<vmem>>
        %dma_start3A_535 = arith.constant 0 : i32
        %dma_start3A_536 = arith.constant 0 : i32
        %dma_start3A_537 = tpu.memref_slice %arg4[%squeeze3A_529, %dma_start3A_535, %dma_start3A_536] : memref<125000x8x16xf32, #tpu.memory_space<hbm>> -> memref<1x8x16xf32, #tpu.memory_space<hbm>>
        %dma_start3A_538 = tpu.memref_squeeze %dma_start3A_537 : memref<1x8x16xf32, #tpu.memory_space<hbm>> -> memref<8x16xf32, #tpu.memory_space<hbm>>
        %dma_start3A_539 = arith.constant 0 : i32
        %dma_start3A_540 = arith.constant 0 : i32
        %dma_start3A_541 = tpu.memref_slice %arg8[%and3A_125, %dma_start3A_530, %dma_start3A_539, %dma_start3A_540] : memref<2x32x8x16xf32, #tpu.memory_space<vmem>> -> memref<1x1x8x16xf32, #tpu.memory_space<vmem>>
        %dma_start3A_542 = tpu.memref_squeeze %dma_start3A_541 : memref<1x1x8x16xf32, #tpu.memory_space<vmem>> -> memref<8x16xf32, #tpu.memory_space<vmem>>
        %dma_start3A_543 = arith.constant 0 : i32
        %dma_start3A_544 = arith.constant 0 : i32
        %dma_start3A_545 = tpu.memref_slice %arg4[%squeeze3A_529, %dma_start3A_543, %dma_start3A_544] : memref<125000x8x16xf32, #tpu.memory_space<hbm>> -> memref<1x8x16xf32, #tpu.memory_space<hbm>>
        %dma_start3A_546 = tpu.memref_squeeze %dma_start3A_545 : memref<1x8x16xf32, #tpu.memory_space<hbm>> -> memref<8x16xf32, #tpu.memory_space<hbm>>
        tpu.enqueue_dma source(%dma_start3A_546 : memref<8x16xf32, #tpu.memory_space<hbm>>) target(%dma_start3A_542 : memref<8x16xf32, #tpu.memory_space<vmem>>) target_semaphore(%arg12 : memref<!tpu.dma_semaphore, #tpu.memory_space<semaphore_mem>>)
        %slice3A_547 = vector.extract_strided_slice %shift_right_logical3A_149 {offsets = [4], sizes = [1], strides = [1]} : vector<16xi32> to vector<1xi32>
        %squeeze3A_548 = vector.extract %slice3A_547[0] : i32 from vector<1xi32>
        %dma_start3A_549 = arith.constant 20 : i32
        %dma_start3A_550 = arith.constant 0 : i32
        %dma_start3A_551 = arith.constant 0 : i32
        %dma_start3A_552 = tpu.memref_slice %arg8[%and3A_125, %dma_start3A_549, %dma_start3A_550, %dma_start3A_551] : memref<2x32x8x16xf32, #tpu.memory_space<vmem>> -> memref<1x1x8x16xf32, #tpu.memory_space<vmem>>
        %dma_start3A_553 = tpu.memref_squeeze %dma_start3A_552 : memref<1x1x8x16xf32, #tpu.memory_space<vmem>> -> memref<8x16xf32, #tpu.memory_space<vmem>>
        %dma_start3A_554 = arith.constant 0 : i32
        %dma_start3A_555 = arith.constant 0 : i32
        %dma_start3A_556 = tpu.memref_slice %arg4[%squeeze3A_548, %dma_start3A_554, %dma_start3A_555] : memref<125000x8x16xf32, #tpu.memory_space<hbm>> -> memref<1x8x16xf32, #tpu.memory_space<hbm>>
        %dma_start3A_557 = tpu.memref_squeeze %dma_start3A_556 : memref<1x8x16xf32, #tpu.memory_space<hbm>> -> memref<8x16xf32, #tpu.memory_space<hbm>>
        %dma_start3A_558 = arith.constant 0 : i32
        %dma_start3A_559 = arith.constant 0 : i32
        %dma_start3A_560 = tpu.memref_slice %arg8[%and3A_125, %dma_start3A_549, %dma_start3A_558, %dma_start3A_559] : memref<2x32x8x16xf32, #tpu.memory_space<vmem>> -> memref<1x1x8x16xf32, #tpu.memory_space<vmem>>
        %dma_start3A_561 = tpu.memref_squeeze %dma_start3A_560 : memref<1x1x8x16xf32, #tpu.memory_space<vmem>> -> memref<8x16xf32, #tpu.memory_space<vmem>>
        %dma_start3A_562 = arith.constant 0 : i32
        %dma_start3A_563 = arith.constant 0 : i32
        %dma_start3A_564 = tpu.memref_slice %arg4[%squeeze3A_548, %dma_start3A_562, %dma_start3A_563] : memref<125000x8x16xf32, #tpu.memory_space<hbm>> -> memref<1x8x16xf32, #tpu.memory_space<hbm>>
        %dma_start3A_565 = tpu.memref_squeeze %dma_start3A_564 : memref<1x8x16xf32, #tpu.memory_space<hbm>> -> memref<8x16xf32, #tpu.memory_space<hbm>>
        tpu.enqueue_dma source(%dma_start3A_565 : memref<8x16xf32, #tpu.memory_space<hbm>>) target(%dma_start3A_561 : memref<8x16xf32, #tpu.memory_space<vmem>>) target_semaphore(%arg12 : memref<!tpu.dma_semaphore, #tpu.memory_space<semaphore_mem>>)
        %slice3A_566 = vector.extract_strided_slice %shift_right_logical3A_149 {offsets = [5], sizes = [1], strides = [1]} : vector<16xi32> to vector<1xi32>
        %squeeze3A_567 = vector.extract %slice3A_566[0] : i32 from vector<1xi32>
        %dma_start3A_568 = arith.constant 21 : i32
        %dma_start3A_569 = arith.constant 0 : i32
        %dma_start3A_570 = arith.constant 0 : i32
        %dma_start3A_571 = tpu.memref_slice %arg8[%and3A_125, %dma_start3A_568, %dma_start3A_569, %dma_start3A_570] : memref<2x32x8x16xf32, #tpu.memory_space<vmem>> -> memref<1x1x8x16xf32, #tpu.memory_space<vmem>>
        %dma_start3A_572 = tpu.memref_squeeze %dma_start3A_571 : memref<1x1x8x16xf32, #tpu.memory_space<vmem>> -> memref<8x16xf32, #tpu.memory_space<vmem>>
        %dma_start3A_573 = arith.constant 0 : i32
        %dma_start3A_574 = arith.constant 0 : i32
        %dma_start3A_575 = tpu.memref_slice %arg4[%squeeze3A_567, %dma_start3A_573, %dma_start3A_574] : memref<125000x8x16xf32, #tpu.memory_space<hbm>> -> memref<1x8x16xf32, #tpu.memory_space<hbm>>
        %dma_start3A_576 = tpu.memref_squeeze %dma_start3A_575 : memref<1x8x16xf32, #tpu.memory_space<hbm>> -> memref<8x16xf32, #tpu.memory_space<hbm>>
        %dma_start3A_577 = arith.constant 0 : i32
        %dma_start3A_578 = arith.constant 0 : i32
        %dma_start3A_579 = tpu.memref_slice %arg8[%and3A_125, %dma_start3A_568, %dma_start3A_577, %dma_start3A_578] : memref<2x32x8x16xf32, #tpu.memory_space<vmem>> -> memref<1x1x8x16xf32, #tpu.memory_space<vmem>>
        %dma_start3A_580 = tpu.memref_squeeze %dma_start3A_579 : memref<1x1x8x16xf32, #tpu.memory_space<vmem>> -> memref<8x16xf32, #tpu.memory_space<vmem>>
        %dma_start3A_581 = arith.constant 0 : i32
        %dma_start3A_582 = arith.constant 0 : i32
        %dma_start3A_583 = tpu.memref_slice %arg4[%squeeze3A_567, %dma_start3A_581, %dma_start3A_582] : memref<125000x8x16xf32, #tpu.memory_space<hbm>> -> memref<1x8x16xf32, #tpu.memory_space<hbm>>
        %dma_start3A_584 = tpu.memref_squeeze %dma_start3A_583 : memref<1x8x16xf32, #tpu.memory_space<hbm>> -> memref<8x16xf32, #tpu.memory_space<hbm>>
        tpu.enqueue_dma source(%dma_start3A_584 : memref<8x16xf32, #tpu.memory_space<hbm>>) target(%dma_start3A_580 : memref<8x16xf32, #tpu.memory_space<vmem>>) target_semaphore(%arg12 : memref<!tpu.dma_semaphore, #tpu.memory_space<semaphore_mem>>)
        %slice3A_585 = vector.extract_strided_slice %shift_right_logical3A_149 {offsets = [6], sizes = [1], strides = [1]} : vector<16xi32> to vector<1xi32>
        %squeeze3A_586 = vector.extract %slice3A_585[0] : i32 from vector<1xi32>
        %dma_start3A_587 = arith.constant 22 : i32
        %dma_start3A_588 = arith.constant 0 : i32
        %dma_start3A_589 = arith.constant 0 : i32
        %dma_start3A_590 = tpu.memref_slice %arg8[%and3A_125, %dma_start3A_587, %dma_start3A_588, %dma_start3A_589] : memref<2x32x8x16xf32, #tpu.memory_space<vmem>> -> memref<1x1x8x16xf32, #tpu.memory_space<vmem>>
        %dma_start3A_591 = tpu.memref_squeeze %dma_start3A_590 : memref<1x1x8x16xf32, #tpu.memory_space<vmem>> -> memref<8x16xf32, #tpu.memory_space<vmem>>
        %dma_start3A_592 = arith.constant 0 : i32
        %dma_start3A_593 = arith.constant 0 : i32
        %dma_start3A_594 = tpu.memref_slice %arg4[%squeeze3A_586, %dma_start3A_592, %dma_start3A_593] : memref<125000x8x16xf32, #tpu.memory_space<hbm>> -> memref<1x8x16xf32, #tpu.memory_space<hbm>>
        %dma_start3A_595 = tpu.memref_squeeze %dma_start3A_594 : memref<1x8x16xf32, #tpu.memory_space<hbm>> -> memref<8x16xf32, #tpu.memory_space<hbm>>
        %dma_start3A_596 = arith.constant 0 : i32
        %dma_start3A_597 = arith.constant 0 : i32
        %dma_start3A_598 = tpu.memref_slice %arg8[%and3A_125, %dma_start3A_587, %dma_start3A_596, %dma_start3A_597] : memref<2x32x8x16xf32, #tpu.memory_space<vmem>> -> memref<1x1x8x16xf32, #tpu.memory_space<vmem>>
        %dma_start3A_599 = tpu.memref_squeeze %dma_start3A_598 : memref<1x1x8x16xf32, #tpu.memory_space<vmem>> -> memref<8x16xf32, #tpu.memory_space<vmem>>
        %dma_start3A_600 = arith.constant 0 : i32
        %dma_start3A_601 = arith.constant 0 : i32
        %dma_start3A_602 = tpu.memref_slice %arg4[%squeeze3A_586, %dma_start3A_600, %dma_start3A_601] : memref<125000x8x16xf32, #tpu.memory_space<hbm>> -> memref<1x8x16xf32, #tpu.memory_space<hbm>>
        %dma_start3A_603 = tpu.memref_squeeze %dma_start3A_602 : memref<1x8x16xf32, #tpu.memory_space<hbm>> -> memref<8x16xf32, #tpu.memory_space<hbm>>
        tpu.enqueue_dma source(%dma_start3A_603 : memref<8x16xf32, #tpu.memory_space<hbm>>) target(%dma_start3A_599 : memref<8x16xf32, #tpu.memory_space<vmem>>) target_semaphore(%arg12 : memref<!tpu.dma_semaphore, #tpu.memory_space<semaphore_mem>>)
        %slice3A_604 = vector.extract_strided_slice %shift_right_logical3A_149 {offsets = [7], sizes = [1], strides = [1]} : vector<16xi32> to vector<1xi32>
        %squeeze3A_605 = vector.extract %slice3A_604[0] : i32 from vector<1xi32>
        %dma_start3A_606 = arith.constant 23 : i32
        %dma_start3A_607 = arith.constant 0 : i32
        %dma_start3A_608 = arith.constant 0 : i32
        %dma_start3A_609 = tpu.memref_slice %arg8[%and3A_125, %dma_start3A_606, %dma_start3A_607, %dma_start3A_608] : memref<2x32x8x16xf32, #tpu.memory_space<vmem>> -> memref<1x1x8x16xf32, #tpu.memory_space<vmem>>
        %dma_start3A_610 = tpu.memref_squeeze %dma_start3A_609 : memref<1x1x8x16xf32, #tpu.memory_space<vmem>> -> memref<8x16xf32, #tpu.memory_space<vmem>>
        %dma_start3A_611 = arith.constant 0 : i32
        %dma_start3A_612 = arith.constant 0 : i32
        %dma_start3A_613 = tpu.memref_slice %arg4[%squeeze3A_605, %dma_start3A_611, %dma_start3A_612] : memref<125000x8x16xf32, #tpu.memory_space<hbm>> -> memref<1x8x16xf32, #tpu.memory_space<hbm>>
        %dma_start3A_614 = tpu.memref_squeeze %dma_start3A_613 : memref<1x8x16xf32, #tpu.memory_space<hbm>> -> memref<8x16xf32, #tpu.memory_space<hbm>>
        %dma_start3A_615 = arith.constant 0 : i32
        %dma_start3A_616 = arith.constant 0 : i32
        %dma_start3A_617 = tpu.memref_slice %arg8[%and3A_125, %dma_start3A_606, %dma_start3A_615, %dma_start3A_616] : memref<2x32x8x16xf32, #tpu.memory_space<vmem>> -> memref<1x1x8x16xf32, #tpu.memory_space<vmem>>
        %dma_start3A_618 = tpu.memref_squeeze %dma_start3A_617 : memref<1x1x8x16xf32, #tpu.memory_space<vmem>> -> memref<8x16xf32, #tpu.memory_space<vmem>>
        %dma_start3A_619 = arith.constant 0 : i32
        %dma_start3A_620 = arith.constant 0 : i32
        %dma_start3A_621 = tpu.memref_slice %arg4[%squeeze3A_605, %dma_start3A_619, %dma_start3A_620] : memref<125000x8x16xf32, #tpu.memory_space<hbm>> -> memref<1x8x16xf32, #tpu.memory_space<hbm>>
        %dma_start3A_622 = tpu.memref_squeeze %dma_start3A_621 : memref<1x8x16xf32, #tpu.memory_space<hbm>> -> memref<8x16xf32, #tpu.memory_space<hbm>>
        tpu.enqueue_dma source(%dma_start3A_622 : memref<8x16xf32, #tpu.memory_space<hbm>>) target(%dma_start3A_618 : memref<8x16xf32, #tpu.memory_space<vmem>>) target_semaphore(%arg12 : memref<!tpu.dma_semaphore, #tpu.memory_space<semaphore_mem>>)
        %slice3A_623 = vector.extract_strided_slice %shift_right_logical3A_149 {offsets = [8], sizes = [1], strides = [1]} : vector<16xi32> to vector<1xi32>
        %squeeze3A_624 = vector.extract %slice3A_623[0] : i32 from vector<1xi32>
        %dma_start3A_625 = arith.constant 24 : i32
        %dma_start3A_626 = arith.constant 0 : i32
        %dma_start3A_627 = arith.constant 0 : i32
        %dma_start3A_628 = tpu.memref_slice %arg8[%and3A_125, %dma_start3A_625, %dma_start3A_626, %dma_start3A_627] : memref<2x32x8x16xf32, #tpu.memory_space<vmem>> -> memref<1x1x8x16xf32, #tpu.memory_space<vmem>>
        %dma_start3A_629 = tpu.memref_squeeze %dma_start3A_628 : memref<1x1x8x16xf32, #tpu.memory_space<vmem>> -> memref<8x16xf32, #tpu.memory_space<vmem>>
        %dma_start3A_630 = arith.constant 0 : i32
        %dma_start3A_631 = arith.constant 0 : i32
        %dma_start3A_632 = tpu.memref_slice %arg4[%squeeze3A_624, %dma_start3A_630, %dma_start3A_631] : memref<125000x8x16xf32, #tpu.memory_space<hbm>> -> memref<1x8x16xf32, #tpu.memory_space<hbm>>
        %dma_start3A_633 = tpu.memref_squeeze %dma_start3A_632 : memref<1x8x16xf32, #tpu.memory_space<hbm>> -> memref<8x16xf32, #tpu.memory_space<hbm>>
        %dma_start3A_634 = arith.constant 0 : i32
        %dma_start3A_635 = arith.constant 0 : i32
        %dma_start3A_636 = tpu.memref_slice %arg8[%and3A_125, %dma_start3A_625, %dma_start3A_634, %dma_start3A_635] : memref<2x32x8x16xf32, #tpu.memory_space<vmem>> -> memref<1x1x8x16xf32, #tpu.memory_space<vmem>>
        %dma_start3A_637 = tpu.memref_squeeze %dma_start3A_636 : memref<1x1x8x16xf32, #tpu.memory_space<vmem>> -> memref<8x16xf32, #tpu.memory_space<vmem>>
        %dma_start3A_638 = arith.constant 0 : i32
        %dma_start3A_639 = arith.constant 0 : i32
        %dma_start3A_640 = tpu.memref_slice %arg4[%squeeze3A_624, %dma_start3A_638, %dma_start3A_639] : memref<125000x8x16xf32, #tpu.memory_space<hbm>> -> memref<1x8x16xf32, #tpu.memory_space<hbm>>
        %dma_start3A_641 = tpu.memref_squeeze %dma_start3A_640 : memref<1x8x16xf32, #tpu.memory_space<hbm>> -> memref<8x16xf32, #tpu.memory_space<hbm>>
        tpu.enqueue_dma source(%dma_start3A_641 : memref<8x16xf32, #tpu.memory_space<hbm>>) target(%dma_start3A_637 : memref<8x16xf32, #tpu.memory_space<vmem>>) target_semaphore(%arg12 : memref<!tpu.dma_semaphore, #tpu.memory_space<semaphore_mem>>)
        %slice3A_642 = vector.extract_strided_slice %shift_right_logical3A_149 {offsets = [9], sizes = [1], strides = [1]} : vector<16xi32> to vector<1xi32>
        %squeeze3A_643 = vector.extract %slice3A_642[0] : i32 from vector<1xi32>
        %dma_start3A_644 = arith.constant 25 : i32
        %dma_start3A_645 = arith.constant 0 : i32
        %dma_start3A_646 = arith.constant 0 : i32
        %dma_start3A_647 = tpu.memref_slice %arg8[%and3A_125, %dma_start3A_644, %dma_start3A_645, %dma_start3A_646] : memref<2x32x8x16xf32, #tpu.memory_space<vmem>> -> memref<1x1x8x16xf32, #tpu.memory_space<vmem>>
        %dma_start3A_648 = tpu.memref_squeeze %dma_start3A_647 : memref<1x1x8x16xf32, #tpu.memory_space<vmem>> -> memref<8x16xf32, #tpu.memory_space<vmem>>
        %dma_start3A_649 = arith.constant 0 : i32
        %dma_start3A_650 = arith.constant 0 : i32
        %dma_start3A_651 = tpu.memref_slice %arg4[%squeeze3A_643, %dma_start3A_649, %dma_start3A_650] : memref<125000x8x16xf32, #tpu.memory_space<hbm>> -> memref<1x8x16xf32, #tpu.memory_space<hbm>>
        %dma_start3A_652 = tpu.memref_squeeze %dma_start3A_651 : memref<1x8x16xf32, #tpu.memory_space<hbm>> -> memref<8x16xf32, #tpu.memory_space<hbm>>
        %dma_start3A_653 = arith.constant 0 : i32
        %dma_start3A_654 = arith.constant 0 : i32
        %dma_start3A_655 = tpu.memref_slice %arg8[%and3A_125, %dma_start3A_644, %dma_start3A_653, %dma_start3A_654] : memref<2x32x8x16xf32, #tpu.memory_space<vmem>> -> memref<1x1x8x16xf32, #tpu.memory_space<vmem>>
        %dma_start3A_656 = tpu.memref_squeeze %dma_start3A_655 : memref<1x1x8x16xf32, #tpu.memory_space<vmem>> -> memref<8x16xf32, #tpu.memory_space<vmem>>
        %dma_start3A_657 = arith.constant 0 : i32
        %dma_start3A_658 = arith.constant 0 : i32
        %dma_start3A_659 = tpu.memref_slice %arg4[%squeeze3A_643, %dma_start3A_657, %dma_start3A_658] : memref<125000x8x16xf32, #tpu.memory_space<hbm>> -> memref<1x8x16xf32, #tpu.memory_space<hbm>>
        %dma_start3A_660 = tpu.memref_squeeze %dma_start3A_659 : memref<1x8x16xf32, #tpu.memory_space<hbm>> -> memref<8x16xf32, #tpu.memory_space<hbm>>
        tpu.enqueue_dma source(%dma_start3A_660 : memref<8x16xf32, #tpu.memory_space<hbm>>) target(%dma_start3A_656 : memref<8x16xf32, #tpu.memory_space<vmem>>) target_semaphore(%arg12 : memref<!tpu.dma_semaphore, #tpu.memory_space<semaphore_mem>>)
        %slice3A_661 = vector.extract_strided_slice %shift_right_logical3A_149 {offsets = [10], sizes = [1], strides = [1]} : vector<16xi32> to vector<1xi32>
        %squeeze3A_662 = vector.extract %slice3A_661[0] : i32 from vector<1xi32>
        %dma_start3A_663 = arith.constant 26 : i32
        %dma_start3A_664 = arith.constant 0 : i32
        %dma_start3A_665 = arith.constant 0 : i32
        %dma_start3A_666 = tpu.memref_slice %arg8[%and3A_125, %dma_start3A_663, %dma_start3A_664, %dma_start3A_665] : memref<2x32x8x16xf32, #tpu.memory_space<vmem>> -> memref<1x1x8x16xf32, #tpu.memory_space<vmem>>
        %dma_start3A_667 = tpu.memref_squeeze %dma_start3A_666 : memref<1x1x8x16xf32, #tpu.memory_space<vmem>> -> memref<8x16xf32, #tpu.memory_space<vmem>>
        %dma_start3A_668 = arith.constant 0 : i32
        %dma_start3A_669 = arith.constant 0 : i32
        %dma_start3A_670 = tpu.memref_slice %arg4[%squeeze3A_662, %dma_start3A_668, %dma_start3A_669] : memref<125000x8x16xf32, #tpu.memory_space<hbm>> -> memref<1x8x16xf32, #tpu.memory_space<hbm>>
        %dma_start3A_671 = tpu.memref_squeeze %dma_start3A_670 : memref<1x8x16xf32, #tpu.memory_space<hbm>> -> memref<8x16xf32, #tpu.memory_space<hbm>>
        %dma_start3A_672 = arith.constant 0 : i32
        %dma_start3A_673 = arith.constant 0 : i32
        %dma_start3A_674 = tpu.memref_slice %arg8[%and3A_125, %dma_start3A_663, %dma_start3A_672, %dma_start3A_673] : memref<2x32x8x16xf32, #tpu.memory_space<vmem>> -> memref<1x1x8x16xf32, #tpu.memory_space<vmem>>
        %dma_start3A_675 = tpu.memref_squeeze %dma_start3A_674 : memref<1x1x8x16xf32, #tpu.memory_space<vmem>> -> memref<8x16xf32, #tpu.memory_space<vmem>>
        %dma_start3A_676 = arith.constant 0 : i32
        %dma_start3A_677 = arith.constant 0 : i32
        %dma_start3A_678 = tpu.memref_slice %arg4[%squeeze3A_662, %dma_start3A_676, %dma_start3A_677] : memref<125000x8x16xf32, #tpu.memory_space<hbm>> -> memref<1x8x16xf32, #tpu.memory_space<hbm>>
        %dma_start3A_679 = tpu.memref_squeeze %dma_start3A_678 : memref<1x8x16xf32, #tpu.memory_space<hbm>> -> memref<8x16xf32, #tpu.memory_space<hbm>>
        tpu.enqueue_dma source(%dma_start3A_679 : memref<8x16xf32, #tpu.memory_space<hbm>>) target(%dma_start3A_675 : memref<8x16xf32, #tpu.memory_space<vmem>>) target_semaphore(%arg12 : memref<!tpu.dma_semaphore, #tpu.memory_space<semaphore_mem>>)
        %slice3A_680 = vector.extract_strided_slice %shift_right_logical3A_149 {offsets = [11], sizes = [1], strides = [1]} : vector<16xi32> to vector<1xi32>
        %squeeze3A_681 = vector.extract %slice3A_680[0] : i32 from vector<1xi32>
        %dma_start3A_682 = arith.constant 27 : i32
        %dma_start3A_683 = arith.constant 0 : i32
        %dma_start3A_684 = arith.constant 0 : i32
        %dma_start3A_685 = tpu.memref_slice %arg8[%and3A_125, %dma_start3A_682, %dma_start3A_683, %dma_start3A_684] : memref<2x32x8x16xf32, #tpu.memory_space<vmem>> -> memref<1x1x8x16xf32, #tpu.memory_space<vmem>>
        %dma_start3A_686 = tpu.memref_squeeze %dma_start3A_685 : memref<1x1x8x16xf32, #tpu.memory_space<vmem>> -> memref<8x16xf32, #tpu.memory_space<vmem>>
        %dma_start3A_687 = arith.constant 0 : i32
        %dma_start3A_688 = arith.constant 0 : i32
        %dma_start3A_689 = tpu.memref_slice %arg4[%squeeze3A_681, %dma_start3A_687, %dma_start3A_688] : memref<125000x8x16xf32, #tpu.memory_space<hbm>> -> memref<1x8x16xf32, #tpu.memory_space<hbm>>
        %dma_start3A_690 = tpu.memref_squeeze %dma_start3A_689 : memref<1x8x16xf32, #tpu.memory_space<hbm>> -> memref<8x16xf32, #tpu.memory_space<hbm>>
        %dma_start3A_691 = arith.constant 0 : i32
        %dma_start3A_692 = arith.constant 0 : i32
        %dma_start3A_693 = tpu.memref_slice %arg8[%and3A_125, %dma_start3A_682, %dma_start3A_691, %dma_start3A_692] : memref<2x32x8x16xf32, #tpu.memory_space<vmem>> -> memref<1x1x8x16xf32, #tpu.memory_space<vmem>>
        %dma_start3A_694 = tpu.memref_squeeze %dma_start3A_693 : memref<1x1x8x16xf32, #tpu.memory_space<vmem>> -> memref<8x16xf32, #tpu.memory_space<vmem>>
        %dma_start3A_695 = arith.constant 0 : i32
        %dma_start3A_696 = arith.constant 0 : i32
        %dma_start3A_697 = tpu.memref_slice %arg4[%squeeze3A_681, %dma_start3A_695, %dma_start3A_696] : memref<125000x8x16xf32, #tpu.memory_space<hbm>> -> memref<1x8x16xf32, #tpu.memory_space<hbm>>
        %dma_start3A_698 = tpu.memref_squeeze %dma_start3A_697 : memref<1x8x16xf32, #tpu.memory_space<hbm>> -> memref<8x16xf32, #tpu.memory_space<hbm>>
        tpu.enqueue_dma source(%dma_start3A_698 : memref<8x16xf32, #tpu.memory_space<hbm>>) target(%dma_start3A_694 : memref<8x16xf32, #tpu.memory_space<vmem>>) target_semaphore(%arg12 : memref<!tpu.dma_semaphore, #tpu.memory_space<semaphore_mem>>)
        %slice3A_699 = vector.extract_strided_slice %shift_right_logical3A_149 {offsets = [12], sizes = [1], strides = [1]} : vector<16xi32> to vector<1xi32>
        %squeeze3A_700 = vector.extract %slice3A_699[0] : i32 from vector<1xi32>
        %dma_start3A_701 = arith.constant 28 : i32
        %dma_start3A_702 = arith.constant 0 : i32
        %dma_start3A_703 = arith.constant 0 : i32
        %dma_start3A_704 = tpu.memref_slice %arg8[%and3A_125, %dma_start3A_701, %dma_start3A_702, %dma_start3A_703] : memref<2x32x8x16xf32, #tpu.memory_space<vmem>> -> memref<1x1x8x16xf32, #tpu.memory_space<vmem>>
        %dma_start3A_705 = tpu.memref_squeeze %dma_start3A_704 : memref<1x1x8x16xf32, #tpu.memory_space<vmem>> -> memref<8x16xf32, #tpu.memory_space<vmem>>
        %dma_start3A_706 = arith.constant 0 : i32
        %dma_start3A_707 = arith.constant 0 : i32
        %dma_start3A_708 = tpu.memref_slice %arg4[%squeeze3A_700, %dma_start3A_706, %dma_start3A_707] : memref<125000x8x16xf32, #tpu.memory_space<hbm>> -> memref<1x8x16xf32, #tpu.memory_space<hbm>>
        %dma_start3A_709 = tpu.memref_squeeze %dma_start3A_708 : memref<1x8x16xf32, #tpu.memory_space<hbm>> -> memref<8x16xf32, #tpu.memory_space<hbm>>
        %dma_start3A_710 = arith.constant 0 : i32
        %dma_start3A_711 = arith.constant 0 : i32
        %dma_start3A_712 = tpu.memref_slice %arg8[%and3A_125, %dma_start3A_701, %dma_start3A_710, %dma_start3A_711] : memref<2x32x8x16xf32, #tpu.memory_space<vmem>> -> memref<1x1x8x16xf32, #tpu.memory_space<vmem>>
        %dma_start3A_713 = tpu.memref_squeeze %dma_start3A_712 : memref<1x1x8x16xf32, #tpu.memory_space<vmem>> -> memref<8x16xf32, #tpu.memory_space<vmem>>
        %dma_start3A_714 = arith.constant 0 : i32
        %dma_start3A_715 = arith.constant 0 : i32
        %dma_start3A_716 = tpu.memref_slice %arg4[%squeeze3A_700, %dma_start3A_714, %dma_start3A_715] : memref<125000x8x16xf32, #tpu.memory_space<hbm>> -> memref<1x8x16xf32, #tpu.memory_space<hbm>>
        %dma_start3A_717 = tpu.memref_squeeze %dma_start3A_716 : memref<1x8x16xf32, #tpu.memory_space<hbm>> -> memref<8x16xf32, #tpu.memory_space<hbm>>
        tpu.enqueue_dma source(%dma_start3A_717 : memref<8x16xf32, #tpu.memory_space<hbm>>) target(%dma_start3A_713 : memref<8x16xf32, #tpu.memory_space<vmem>>) target_semaphore(%arg12 : memref<!tpu.dma_semaphore, #tpu.memory_space<semaphore_mem>>)
        %slice3A_718 = vector.extract_strided_slice %shift_right_logical3A_149 {offsets = [13], sizes = [1], strides = [1]} : vector<16xi32> to vector<1xi32>
        %squeeze3A_719 = vector.extract %slice3A_718[0] : i32 from vector<1xi32>
        %dma_start3A_720 = arith.constant 29 : i32
        %dma_start3A_721 = arith.constant 0 : i32
        %dma_start3A_722 = arith.constant 0 : i32
        %dma_start3A_723 = tpu.memref_slice %arg8[%and3A_125, %dma_start3A_720, %dma_start3A_721, %dma_start3A_722] : memref<2x32x8x16xf32, #tpu.memory_space<vmem>> -> memref<1x1x8x16xf32, #tpu.memory_space<vmem>>
        %dma_start3A_724 = tpu.memref_squeeze %dma_start3A_723 : memref<1x1x8x16xf32, #tpu.memory_space<vmem>> -> memref<8x16xf32, #tpu.memory_space<vmem>>
        %dma_start3A_725 = arith.constant 0 : i32
        %dma_start3A_726 = arith.constant 0 : i32
        %dma_start3A_727 = tpu.memref_slice %arg4[%squeeze3A_719, %dma_start3A_725, %dma_start3A_726] : memref<125000x8x16xf32, #tpu.memory_space<hbm>> -> memref<1x8x16xf32, #tpu.memory_space<hbm>>
        %dma_start3A_728 = tpu.memref_squeeze %dma_start3A_727 : memref<1x8x16xf32, #tpu.memory_space<hbm>> -> memref<8x16xf32, #tpu.memory_space<hbm>>
        %dma_start3A_729 = arith.constant 0 : i32
        %dma_start3A_730 = arith.constant 0 : i32
        %dma_start3A_731 = tpu.memref_slice %arg8[%and3A_125, %dma_start3A_720, %dma_start3A_729, %dma_start3A_730] : memref<2x32x8x16xf32, #tpu.memory_space<vmem>> -> memref<1x1x8x16xf32, #tpu.memory_space<vmem>>
        %dma_start3A_732 = tpu.memref_squeeze %dma_start3A_731 : memref<1x1x8x16xf32, #tpu.memory_space<vmem>> -> memref<8x16xf32, #tpu.memory_space<vmem>>
        %dma_start3A_733 = arith.constant 0 : i32
        %dma_start3A_734 = arith.constant 0 : i32
        %dma_start3A_735 = tpu.memref_slice %arg4[%squeeze3A_719, %dma_start3A_733, %dma_start3A_734] : memref<125000x8x16xf32, #tpu.memory_space<hbm>> -> memref<1x8x16xf32, #tpu.memory_space<hbm>>
        %dma_start3A_736 = tpu.memref_squeeze %dma_start3A_735 : memref<1x8x16xf32, #tpu.memory_space<hbm>> -> memref<8x16xf32, #tpu.memory_space<hbm>>
        tpu.enqueue_dma source(%dma_start3A_736 : memref<8x16xf32, #tpu.memory_space<hbm>>) target(%dma_start3A_732 : memref<8x16xf32, #tpu.memory_space<vmem>>) target_semaphore(%arg12 : memref<!tpu.dma_semaphore, #tpu.memory_space<semaphore_mem>>)
        %slice3A_737 = vector.extract_strided_slice %shift_right_logical3A_149 {offsets = [14], sizes = [1], strides = [1]} : vector<16xi32> to vector<1xi32>
        %squeeze3A_738 = vector.extract %slice3A_737[0] : i32 from vector<1xi32>
        %dma_start3A_739 = arith.constant 30 : i32
        %dma_start3A_740 = arith.constant 0 : i32
        %dma_start3A_741 = arith.constant 0 : i32
        %dma_start3A_742 = tpu.memref_slice %arg8[%and3A_125, %dma_start3A_739, %dma_start3A_740, %dma_start3A_741] : memref<2x32x8x16xf32, #tpu.memory_space<vmem>> -> memref<1x1x8x16xf32, #tpu.memory_space<vmem>>
        %dma_start3A_743 = tpu.memref_squeeze %dma_start3A_742 : memref<1x1x8x16xf32, #tpu.memory_space<vmem>> -> memref<8x16xf32, #tpu.memory_space<vmem>>
        %dma_start3A_744 = arith.constant 0 : i32
        %dma_start3A_745 = arith.constant 0 : i32
        %dma_start3A_746 = tpu.memref_slice %arg4[%squeeze3A_738, %dma_start3A_744, %dma_start3A_745] : memref<125000x8x16xf32, #tpu.memory_space<hbm>> -> memref<1x8x16xf32, #tpu.memory_space<hbm>>
        %dma_start3A_747 = tpu.memref_squeeze %dma_start3A_746 : memref<1x8x16xf32, #tpu.memory_space<hbm>> -> memref<8x16xf32, #tpu.memory_space<hbm>>
        %dma_start3A_748 = arith.constant 0 : i32
        %dma_start3A_749 = arith.constant 0 : i32
        %dma_start3A_750 = tpu.memref_slice %arg8[%and3A_125, %dma_start3A_739, %dma_start3A_748, %dma_start3A_749] : memref<2x32x8x16xf32, #tpu.memory_space<vmem>> -> memref<1x1x8x16xf32, #tpu.memory_space<vmem>>
        %dma_start3A_751 = tpu.memref_squeeze %dma_start3A_750 : memref<1x1x8x16xf32, #tpu.memory_space<vmem>> -> memref<8x16xf32, #tpu.memory_space<vmem>>
        %dma_start3A_752 = arith.constant 0 : i32
        %dma_start3A_753 = arith.constant 0 : i32
        %dma_start3A_754 = tpu.memref_slice %arg4[%squeeze3A_738, %dma_start3A_752, %dma_start3A_753] : memref<125000x8x16xf32, #tpu.memory_space<hbm>> -> memref<1x8x16xf32, #tpu.memory_space<hbm>>
        %dma_start3A_755 = tpu.memref_squeeze %dma_start3A_754 : memref<1x8x16xf32, #tpu.memory_space<hbm>> -> memref<8x16xf32, #tpu.memory_space<hbm>>
        tpu.enqueue_dma source(%dma_start3A_755 : memref<8x16xf32, #tpu.memory_space<hbm>>) target(%dma_start3A_751 : memref<8x16xf32, #tpu.memory_space<vmem>>) target_semaphore(%arg12 : memref<!tpu.dma_semaphore, #tpu.memory_space<semaphore_mem>>)
        %slice3A_756 = vector.extract_strided_slice %shift_right_logical3A_149 {offsets = [15], sizes = [1], strides = [1]} : vector<16xi32> to vector<1xi32>
        %squeeze3A_757 = vector.extract %slice3A_756[0] : i32 from vector<1xi32>
        %dma_start3A_758 = arith.constant 31 : i32
        %dma_start3A_759 = arith.constant 0 : i32
        %dma_start3A_760 = arith.constant 0 : i32
        %dma_start3A_761 = tpu.memref_slice %arg8[%and3A_125, %dma_start3A_758, %dma_start3A_759, %dma_start3A_760] : memref<2x32x8x16xf32, #tpu.memory_space<vmem>> -> memref<1x1x8x16xf32, #tpu.memory_space<vmem>>
        %dma_start3A_762 = tpu.memref_squeeze %dma_start3A_761 : memref<1x1x8x16xf32, #tpu.memory_space<vmem>> -> memref<8x16xf32, #tpu.memory_space<vmem>>
        %dma_start3A_763 = arith.constant 0 : i32
        %dma_start3A_764 = arith.constant 0 : i32
        %dma_start3A_765 = tpu.memref_slice %arg4[%squeeze3A_757, %dma_start3A_763, %dma_start3A_764] : memref<125000x8x16xf32, #tpu.memory_space<hbm>> -> memref<1x8x16xf32, #tpu.memory_space<hbm>>
        %dma_start3A_766 = tpu.memref_squeeze %dma_start3A_765 : memref<1x8x16xf32, #tpu.memory_space<hbm>> -> memref<8x16xf32, #tpu.memory_space<hbm>>
        %dma_start3A_767 = arith.constant 0 : i32
        %dma_start3A_768 = arith.constant 0 : i32
        %dma_start3A_769 = tpu.memref_slice %arg8[%and3A_125, %dma_start3A_758, %dma_start3A_767, %dma_start3A_768] : memref<2x32x8x16xf32, #tpu.memory_space<vmem>> -> memref<1x1x8x16xf32, #tpu.memory_space<vmem>>
        %dma_start3A_770 = tpu.memref_squeeze %dma_start3A_769 : memref<1x1x8x16xf32, #tpu.memory_space<vmem>> -> memref<8x16xf32, #tpu.memory_space<vmem>>
        %dma_start3A_771 = arith.constant 0 : i32
        %dma_start3A_772 = arith.constant 0 : i32
        %dma_start3A_773 = tpu.memref_slice %arg4[%squeeze3A_757, %dma_start3A_771, %dma_start3A_772] : memref<125000x8x16xf32, #tpu.memory_space<hbm>> -> memref<1x8x16xf32, #tpu.memory_space<hbm>>
        %dma_start3A_774 = tpu.memref_squeeze %dma_start3A_773 : memref<1x8x16xf32, #tpu.memory_space<hbm>> -> memref<8x16xf32, #tpu.memory_space<hbm>>
        tpu.enqueue_dma source(%dma_start3A_774 : memref<8x16xf32, #tpu.memory_space<hbm>>) target(%dma_start3A_770 : memref<8x16xf32, #tpu.memory_space<vmem>>) target_semaphore(%arg12 : memref<!tpu.dma_semaphore, #tpu.memory_space<semaphore_mem>>)
      } else {
      }
      %gt3A = arith.constant 0 : i32
      %gt3A_129 = arith.cmpi sgt, %scan3A_122, %gt3A : i32
      %convert_element_type3A_130 = arith.extui %gt3A_129 : i1 to i32
      %cond3A_131 = arith.constant 0 : i32
      %cond3A_132 = arith.cmpi ne, %convert_element_type3A_130, %cond3A_131 : i32
      scf.if %cond3A_132 {
        %sub3A_134 = arith.constant 1 : i32
        %sub3A_135 = arith.subi %scan3A_122, %sub3A_134 : i32
        %and3A_136 = arith.constant 1 : i32
        %and3A_137 = arith.andi %sub3A_135, %and3A_136 : i32
        %dma_wait3A_138 = arith.constant 0 : i32
        %dma_wait3A_139 = arith.constant 0 : i32
        %dma_wait3A_140 = arith.constant 0 : i32
        %dma_wait3A_141 = arith.constant 0 : i32
        %dma_wait3A_142 = tpu.memref_slice %arg10[%dma_wait3A_138, %dma_wait3A_139, %dma_wait3A_140, %dma_wait3A_141] : memref<2x4x8x16xf32, #tpu.memory_space<vmem>> -> memref<1x4x8x16xf32, #tpu.memory_space<vmem>>
        %dma_wait3A_143 = tpu.memref_squeeze %dma_wait3A_142 : memref<1x4x8x16xf32, #tpu.memory_space<vmem>> -> memref<4x8x16xf32, #tpu.memory_space<vmem>>
        %dma_wait3A_144 = arith.constant 0 : i32
        %dma_wait3A_145 = arith.constant 0 : i32
        %dma_wait3A_146 = arith.constant 0 : i32
        %dma_wait3A_147 = tpu.memref_slice %arg2[%dma_wait3A_144, %dma_wait3A_145, %dma_wait3A_146] : memref<2048x8x16xf32, #tpu.memory_space<hbm>> -> memref<4x8x16xf32, #tpu.memory_space<hbm>>
        %dma_wait3A_148 = arith.constant 0 : i32
        %dma_wait3A_149 = arith.constant 0 : i32
        %dma_wait3A_150 = arith.constant 0 : i32
        %dma_wait3A_151 = tpu.memref_slice %arg10[%dma_wait3A_138, %dma_wait3A_148, %dma_wait3A_149, %dma_wait3A_150] : memref<2x4x8x16xf32, #tpu.memory_space<vmem>> -> memref<1x4x8x16xf32, #tpu.memory_space<vmem>>
        %dma_wait3A_152 = tpu.memref_squeeze %dma_wait3A_151 : memref<1x4x8x16xf32, #tpu.memory_space<vmem>> -> memref<4x8x16xf32, #tpu.memory_space<vmem>>
        %dma_wait3A_153 = arith.constant 0 : i32
        %dma_wait3A_154 = arith.constant 0 : i32
        %dma_wait3A_155 = arith.constant 0 : i32
        %dma_wait3A_156 = tpu.memref_slice %arg2[%dma_wait3A_153, %dma_wait3A_154, %dma_wait3A_155] : memref<2048x8x16xf32, #tpu.memory_space<hbm>> -> memref<4x8x16xf32, #tpu.memory_space<hbm>>
        tpu.wait_dma2 semaphore(%arg14 : memref<!tpu.dma_semaphore, #tpu.memory_space<semaphore_mem>>) src(%dma_wait3A_156 : memref<4x8x16xf32, #tpu.memory_space<hbm>>) dst(%dma_wait3A_152 : memref<4x8x16xf32, #tpu.memory_space<vmem>>)
        %dma_wait3A_157 = arith.constant 0 : i32
        %dma_wait3A_158 = arith.constant 0 : i32
        %dma_wait3A_159 = arith.constant 0 : i32
        %dma_wait3A_160 = arith.constant 0 : i32
        %dma_wait3A_161 = arith.constant 0 : i32
        %dma_wait3A_162 = tpu.memref_slice %arg8[%dma_wait3A_158, %dma_wait3A_159, %dma_wait3A_160, %dma_wait3A_161] : memref<2x32x8x16xf32, #tpu.memory_space<vmem>> -> memref<1x1x8x16xf32, #tpu.memory_space<vmem>>
        %dma_wait3A_163 = tpu.memref_squeeze %dma_wait3A_162 : memref<1x1x8x16xf32, #tpu.memory_space<vmem>> -> memref<8x16xf32, #tpu.memory_space<vmem>>
        %dma_wait3A_164 = arith.constant 0 : i32
        %dma_wait3A_165 = arith.constant 0 : i32
        %dma_wait3A_166 = tpu.memref_slice %arg4[%dma_wait3A_157, %dma_wait3A_164, %dma_wait3A_165] : memref<125000x8x16xf32, #tpu.memory_space<hbm>> -> memref<1x8x16xf32, #tpu.memory_space<hbm>>
        %dma_wait3A_167 = tpu.memref_squeeze %dma_wait3A_166 : memref<1x8x16xf32, #tpu.memory_space<hbm>> -> memref<8x16xf32, #tpu.memory_space<hbm>>
        %dma_wait3A_168 = arith.constant 0 : i32
        %dma_wait3A_169 = arith.constant 0 : i32
        %dma_wait3A_170 = tpu.memref_slice %arg8[%dma_wait3A_158, %dma_wait3A_159, %dma_wait3A_168, %dma_wait3A_169] : memref<2x32x8x16xf32, #tpu.memory_space<vmem>> -> memref<1x1x8x16xf32, #tpu.memory_space<vmem>>
        %dma_wait3A_171 = tpu.memref_squeeze %dma_wait3A_170 : memref<1x1x8x16xf32, #tpu.memory_space<vmem>> -> memref<8x16xf32, #tpu.memory_space<vmem>>
        %dma_wait3A_172 = arith.constant 0 : i32
        %dma_wait3A_173 = arith.constant 0 : i32
        %dma_wait3A_174 = tpu.memref_slice %arg4[%dma_wait3A_157, %dma_wait3A_172, %dma_wait3A_173] : memref<125000x8x16xf32, #tpu.memory_space<hbm>> -> memref<1x8x16xf32, #tpu.memory_space<hbm>>
        %dma_wait3A_175 = tpu.memref_squeeze %dma_wait3A_174 : memref<1x8x16xf32, #tpu.memory_space<hbm>> -> memref<8x16xf32, #tpu.memory_space<hbm>>
        tpu.wait_dma2 semaphore(%arg12 : memref<!tpu.dma_semaphore, #tpu.memory_space<semaphore_mem>>) src(%dma_wait3A_175 : memref<8x16xf32, #tpu.memory_space<hbm>>) dst(%dma_wait3A_171 : memref<8x16xf32, #tpu.memory_space<vmem>>)
        %dma_wait3A_176 = arith.constant 0 : i32
        %dma_wait3A_177 = arith.constant 0 : i32
        %dma_wait3A_178 = arith.constant 1 : i32
        %dma_wait3A_179 = arith.constant 0 : i32
        %dma_wait3A_180 = arith.constant 0 : i32
        %dma_wait3A_181 = tpu.memref_slice %arg8[%dma_wait3A_177, %dma_wait3A_178, %dma_wait3A_179, %dma_wait3A_180] : memref<2x32x8x16xf32, #tpu.memory_space<vmem>> -> memref<1x1x8x16xf32, #tpu.memory_space<vmem>>
        %dma_wait3A_182 = tpu.memref_squeeze %dma_wait3A_181 : memref<1x1x8x16xf32, #tpu.memory_space<vmem>> -> memref<8x16xf32, #tpu.memory_space<vmem>>
        %dma_wait3A_183 = arith.constant 0 : i32
        %dma_wait3A_184 = arith.constant 0 : i32
        %dma_wait3A_185 = tpu.memref_slice %arg4[%dma_wait3A_176, %dma_wait3A_183, %dma_wait3A_184] : memref<125000x8x16xf32, #tpu.memory_space<hbm>> -> memref<1x8x16xf32, #tpu.memory_space<hbm>>
        %dma_wait3A_186 = tpu.memref_squeeze %dma_wait3A_185 : memref<1x8x16xf32, #tpu.memory_space<hbm>> -> memref<8x16xf32, #tpu.memory_space<hbm>>
        %dma_wait3A_187 = arith.constant 0 : i32
        %dma_wait3A_188 = arith.constant 0 : i32
        %dma_wait3A_189 = tpu.memref_slice %arg8[%dma_wait3A_177, %dma_wait3A_178, %dma_wait3A_187, %dma_wait3A_188] : memref<2x32x8x16xf32, #tpu.memory_space<vmem>> -> memref<1x1x8x16xf32, #tpu.memory_space<vmem>>
        %dma_wait3A_190 = tpu.memref_squeeze %dma_wait3A_189 : memref<1x1x8x16xf32, #tpu.memory_space<vmem>> -> memref<8x16xf32, #tpu.memory_space<vmem>>
        %dma_wait3A_191 = arith.constant 0 : i32
        %dma_wait3A_192 = arith.constant 0 : i32
        %dma_wait3A_193 = tpu.memref_slice %arg4[%dma_wait3A_176, %dma_wait3A_191, %dma_wait3A_192] : memref<125000x8x16xf32, #tpu.memory_space<hbm>> -> memref<1x8x16xf32, #tpu.memory_space<hbm>>
        %dma_wait3A_194 = tpu.memref_squeeze %dma_wait3A_193 : memref<1x8x16xf32, #tpu.memory_space<hbm>> -> memref<8x16xf32, #tpu.memory_space<hbm>>
        tpu.wait_dma2 semaphore(%arg12 : memref<!tpu.dma_semaphore, #tpu.memory_space<semaphore_mem>>) src(%dma_wait3A_194 : memref<8x16xf32, #tpu.memory_space<hbm>>) dst(%dma_wait3A_190 : memref<8x16xf32, #tpu.memory_space<vmem>>)
        %dma_wait3A_195 = arith.constant 0 : i32
        %dma_wait3A_196 = arith.constant 0 : i32
        %dma_wait3A_197 = arith.constant 2 : i32
        %dma_wait3A_198 = arith.constant 0 : i32
        %dma_wait3A_199 = arith.constant 0 : i32
        %dma_wait3A_200 = tpu.memref_slice %arg8[%dma_wait3A_196, %dma_wait3A_197, %dma_wait3A_198, %dma_wait3A_199] : memref<2x32x8x16xf32, #tpu.memory_space<vmem>> -> memref<1x1x8x16xf32, #tpu.memory_space<vmem>>
        %dma_wait3A_201 = tpu.memref_squeeze %dma_wait3A_200 : memref<1x1x8x16xf32, #tpu.memory_space<vmem>> -> memref<8x16xf32, #tpu.memory_space<vmem>>
        %dma_wait3A_202 = arith.constant 0 : i32
        %dma_wait3A_203 = arith.constant 0 : i32
        %dma_wait3A_204 = tpu.memref_slice %arg4[%dma_wait3A_195, %dma_wait3A_202, %dma_wait3A_203] : memref<125000x8x16xf32, #tpu.memory_space<hbm>> -> memref<1x8x16xf32, #tpu.memory_space<hbm>>
        %dma_wait3A_205 = tpu.memref_squeeze %dma_wait3A_204 : memref<1x8x16xf32, #tpu.memory_space<hbm>> -> memref<8x16xf32, #tpu.memory_space<hbm>>
        %dma_wait3A_206 = arith.constant 0 : i32
        %dma_wait3A_207 = arith.constant 0 : i32
        %dma_wait3A_208 = tpu.memref_slice %arg8[%dma_wait3A_196, %dma_wait3A_197, %dma_wait3A_206, %dma_wait3A_207] : memref<2x32x8x16xf32, #tpu.memory_space<vmem>> -> memref<1x1x8x16xf32, #tpu.memory_space<vmem>>
        %dma_wait3A_209 = tpu.memref_squeeze %dma_wait3A_208 : memref<1x1x8x16xf32, #tpu.memory_space<vmem>> -> memref<8x16xf32, #tpu.memory_space<vmem>>
        %dma_wait3A_210 = arith.constant 0 : i32
        %dma_wait3A_211 = arith.constant 0 : i32
        %dma_wait3A_212 = tpu.memref_slice %arg4[%dma_wait3A_195, %dma_wait3A_210, %dma_wait3A_211] : memref<125000x8x16xf32, #tpu.memory_space<hbm>> -> memref<1x8x16xf32, #tpu.memory_space<hbm>>
        %dma_wait3A_213 = tpu.memref_squeeze %dma_wait3A_212 : memref<1x8x16xf32, #tpu.memory_space<hbm>> -> memref<8x16xf32, #tpu.memory_space<hbm>>
        tpu.wait_dma2 semaphore(%arg12 : memref<!tpu.dma_semaphore, #tpu.memory_space<semaphore_mem>>) src(%dma_wait3A_213 : memref<8x16xf32, #tpu.memory_space<hbm>>) dst(%dma_wait3A_209 : memref<8x16xf32, #tpu.memory_space<vmem>>)
        %dma_wait3A_214 = arith.constant 0 : i32
        %dma_wait3A_215 = arith.constant 0 : i32
        %dma_wait3A_216 = arith.constant 3 : i32
        %dma_wait3A_217 = arith.constant 0 : i32
        %dma_wait3A_218 = arith.constant 0 : i32
        %dma_wait3A_219 = tpu.memref_slice %arg8[%dma_wait3A_215, %dma_wait3A_216, %dma_wait3A_217, %dma_wait3A_218] : memref<2x32x8x16xf32, #tpu.memory_space<vmem>> -> memref<1x1x8x16xf32, #tpu.memory_space<vmem>>
        %dma_wait3A_220 = tpu.memref_squeeze %dma_wait3A_219 : memref<1x1x8x16xf32, #tpu.memory_space<vmem>> -> memref<8x16xf32, #tpu.memory_space<vmem>>
        %dma_wait3A_221 = arith.constant 0 : i32
        %dma_wait3A_222 = arith.constant 0 : i32
        %dma_wait3A_223 = tpu.memref_slice %arg4[%dma_wait3A_214, %dma_wait3A_221, %dma_wait3A_222] : memref<125000x8x16xf32, #tpu.memory_space<hbm>> -> memref<1x8x16xf32, #tpu.memory_space<hbm>>
        %dma_wait3A_224 = tpu.memref_squeeze %dma_wait3A_223 : memref<1x8x16xf32, #tpu.memory_space<hbm>> -> memref<8x16xf32, #tpu.memory_space<hbm>>
        %dma_wait3A_225 = arith.constant 0 : i32
        %dma_wait3A_226 = arith.constant 0 : i32
        %dma_wait3A_227 = tpu.memref_slice %arg8[%dma_wait3A_215, %dma_wait3A_216, %dma_wait3A_225, %dma_wait3A_226] : memref<2x32x8x16xf32, #tpu.memory_space<vmem>> -> memref<1x1x8x16xf32, #tpu.memory_space<vmem>>
        %dma_wait3A_228 = tpu.memref_squeeze %dma_wait3A_227 : memref<1x1x8x16xf32, #tpu.memory_space<vmem>> -> memref<8x16xf32, #tpu.memory_space<vmem>>
        %dma_wait3A_229 = arith.constant 0 : i32
        %dma_wait3A_230 = arith.constant 0 : i32
        %dma_wait3A_231 = tpu.memref_slice %arg4[%dma_wait3A_214, %dma_wait3A_229, %dma_wait3A_230] : memref<125000x8x16xf32, #tpu.memory_space<hbm>> -> memref<1x8x16xf32, #tpu.memory_space<hbm>>
        %dma_wait3A_232 = tpu.memref_squeeze %dma_wait3A_231 : memref<1x8x16xf32, #tpu.memory_space<hbm>> -> memref<8x16xf32, #tpu.memory_space<hbm>>
        tpu.wait_dma2 semaphore(%arg12 : memref<!tpu.dma_semaphore, #tpu.memory_space<semaphore_mem>>) src(%dma_wait3A_232 : memref<8x16xf32, #tpu.memory_space<hbm>>) dst(%dma_wait3A_228 : memref<8x16xf32, #tpu.memory_space<vmem>>)
        %dma_wait3A_233 = arith.constant 0 : i32
        %dma_wait3A_234 = arith.constant 0 : i32
        %dma_wait3A_235 = arith.constant 4 : i32
        %dma_wait3A_236 = arith.constant 0 : i32
        %dma_wait3A_237 = arith.constant 0 : i32
        %dma_wait3A_238 = tpu.memref_slice %arg8[%dma_wait3A_234, %dma_wait3A_235, %dma_wait3A_236, %dma_wait3A_237] : memref<2x32x8x16xf32, #tpu.memory_space<vmem>> -> memref<1x1x8x16xf32, #tpu.memory_space<vmem>>
        %dma_wait3A_239 = tpu.memref_squeeze %dma_wait3A_238 : memref<1x1x8x16xf32, #tpu.memory_space<vmem>> -> memref<8x16xf32, #tpu.memory_space<vmem>>
        %dma_wait3A_240 = arith.constant 0 : i32
        %dma_wait3A_241 = arith.constant 0 : i32
        %dma_wait3A_242 = tpu.memref_slice %arg4[%dma_wait3A_233, %dma_wait3A_240, %dma_wait3A_241] : memref<125000x8x16xf32, #tpu.memory_space<hbm>> -> memref<1x8x16xf32, #tpu.memory_space<hbm>>
        %dma_wait3A_243 = tpu.memref_squeeze %dma_wait3A_242 : memref<1x8x16xf32, #tpu.memory_space<hbm>> -> memref<8x16xf32, #tpu.memory_space<hbm>>
        %dma_wait3A_244 = arith.constant 0 : i32
        %dma_wait3A_245 = arith.constant 0 : i32
        %dma_wait3A_246 = tpu.memref_slice %arg8[%dma_wait3A_234, %dma_wait3A_235, %dma_wait3A_244, %dma_wait3A_245] : memref<2x32x8x16xf32, #tpu.memory_space<vmem>> -> memref<1x1x8x16xf32, #tpu.memory_space<vmem>>
        %dma_wait3A_247 = tpu.memref_squeeze %dma_wait3A_246 : memref<1x1x8x16xf32, #tpu.memory_space<vmem>> -> memref<8x16xf32, #tpu.memory_space<vmem>>
        %dma_wait3A_248 = arith.constant 0 : i32
        %dma_wait3A_249 = arith.constant 0 : i32
        %dma_wait3A_250 = tpu.memref_slice %arg4[%dma_wait3A_233, %dma_wait3A_248, %dma_wait3A_249] : memref<125000x8x16xf32, #tpu.memory_space<hbm>> -> memref<1x8x16xf32, #tpu.memory_space<hbm>>
        %dma_wait3A_251 = tpu.memref_squeeze %dma_wait3A_250 : memref<1x8x16xf32, #tpu.memory_space<hbm>> -> memref<8x16xf32, #tpu.memory_space<hbm>>
        tpu.wait_dma2 semaphore(%arg12 : memref<!tpu.dma_semaphore, #tpu.memory_space<semaphore_mem>>) src(%dma_wait3A_251 : memref<8x16xf32, #tpu.memory_space<hbm>>) dst(%dma_wait3A_247 : memref<8x16xf32, #tpu.memory_space<vmem>>)
        %dma_wait3A_252 = arith.constant 0 : i32
        %dma_wait3A_253 = arith.constant 0 : i32
        %dma_wait3A_254 = arith.constant 5 : i32
        %dma_wait3A_255 = arith.constant 0 : i32
        %dma_wait3A_256 = arith.constant 0 : i32
        %dma_wait3A_257 = tpu.memref_slice %arg8[%dma_wait3A_253, %dma_wait3A_254, %dma_wait3A_255, %dma_wait3A_256] : memref<2x32x8x16xf32, #tpu.memory_space<vmem>> -> memref<1x1x8x16xf32, #tpu.memory_space<vmem>>
        %dma_wait3A_258 = tpu.memref_squeeze %dma_wait3A_257 : memref<1x1x8x16xf32, #tpu.memory_space<vmem>> -> memref<8x16xf32, #tpu.memory_space<vmem>>
        %dma_wait3A_259 = arith.constant 0 : i32
        %dma_wait3A_260 = arith.constant 0 : i32
        %dma_wait3A_261 = tpu.memref_slice %arg4[%dma_wait3A_252, %dma_wait3A_259, %dma_wait3A_260] : memref<125000x8x16xf32, #tpu.memory_space<hbm>> -> memref<1x8x16xf32, #tpu.memory_space<hbm>>
        %dma_wait3A_262 = tpu.memref_squeeze %dma_wait3A_261 : memref<1x8x16xf32, #tpu.memory_space<hbm>> -> memref<8x16xf32, #tpu.memory_space<hbm>>
        %dma_wait3A_263 = arith.constant 0 : i32
        %dma_wait3A_264 = arith.constant 0 : i32
        %dma_wait3A_265 = tpu.memref_slice %arg8[%dma_wait3A_253, %dma_wait3A_254, %dma_wait3A_263, %dma_wait3A_264] : memref<2x32x8x16xf32, #tpu.memory_space<vmem>> -> memref<1x1x8x16xf32, #tpu.memory_space<vmem>>
        %dma_wait3A_266 = tpu.memref_squeeze %dma_wait3A_265 : memref<1x1x8x16xf32, #tpu.memory_space<vmem>> -> memref<8x16xf32, #tpu.memory_space<vmem>>
        %dma_wait3A_267 = arith.constant 0 : i32
        %dma_wait3A_268 = arith.constant 0 : i32
        %dma_wait3A_269 = tpu.memref_slice %arg4[%dma_wait3A_252, %dma_wait3A_267, %dma_wait3A_268] : memref<125000x8x16xf32, #tpu.memory_space<hbm>> -> memref<1x8x16xf32, #tpu.memory_space<hbm>>
        %dma_wait3A_270 = tpu.memref_squeeze %dma_wait3A_269 : memref<1x8x16xf32, #tpu.memory_space<hbm>> -> memref<8x16xf32, #tpu.memory_space<hbm>>
        tpu.wait_dma2 semaphore(%arg12 : memref<!tpu.dma_semaphore, #tpu.memory_space<semaphore_mem>>) src(%dma_wait3A_270 : memref<8x16xf32, #tpu.memory_space<hbm>>) dst(%dma_wait3A_266 : memref<8x16xf32, #tpu.memory_space<vmem>>)
        %dma_wait3A_271 = arith.constant 0 : i32
        %dma_wait3A_272 = arith.constant 0 : i32
        %dma_wait3A_273 = arith.constant 6 : i32
        %dma_wait3A_274 = arith.constant 0 : i32
        %dma_wait3A_275 = arith.constant 0 : i32
        %dma_wait3A_276 = tpu.memref_slice %arg8[%dma_wait3A_272, %dma_wait3A_273, %dma_wait3A_274, %dma_wait3A_275] : memref<2x32x8x16xf32, #tpu.memory_space<vmem>> -> memref<1x1x8x16xf32, #tpu.memory_space<vmem>>
        %dma_wait3A_277 = tpu.memref_squeeze %dma_wait3A_276 : memref<1x1x8x16xf32, #tpu.memory_space<vmem>> -> memref<8x16xf32, #tpu.memory_space<vmem>>
        %dma_wait3A_278 = arith.constant 0 : i32
        %dma_wait3A_279 = arith.constant 0 : i32
        %dma_wait3A_280 = tpu.memref_slice %arg4[%dma_wait3A_271, %dma_wait3A_278, %dma_wait3A_279] : memref<125000x8x16xf32, #tpu.memory_space<hbm>> -> memref<1x8x16xf32, #tpu.memory_space<hbm>>
        %dma_wait3A_281 = tpu.memref_squeeze %dma_wait3A_280 : memref<1x8x16xf32, #tpu.memory_space<hbm>> -> memref<8x16xf32, #tpu.memory_space<hbm>>
        %dma_wait3A_282 = arith.constant 0 : i32
        %dma_wait3A_283 = arith.constant 0 : i32
        %dma_wait3A_284 = tpu.memref_slice %arg8[%dma_wait3A_272, %dma_wait3A_273, %dma_wait3A_282, %dma_wait3A_283] : memref<2x32x8x16xf32, #tpu.memory_space<vmem>> -> memref<1x1x8x16xf32, #tpu.memory_space<vmem>>
        %dma_wait3A_285 = tpu.memref_squeeze %dma_wait3A_284 : memref<1x1x8x16xf32, #tpu.memory_space<vmem>> -> memref<8x16xf32, #tpu.memory_space<vmem>>
        %dma_wait3A_286 = arith.constant 0 : i32
        %dma_wait3A_287 = arith.constant 0 : i32
        %dma_wait3A_288 = tpu.memref_slice %arg4[%dma_wait3A_271, %dma_wait3A_286, %dma_wait3A_287] : memref<125000x8x16xf32, #tpu.memory_space<hbm>> -> memref<1x8x16xf32, #tpu.memory_space<hbm>>
        %dma_wait3A_289 = tpu.memref_squeeze %dma_wait3A_288 : memref<1x8x16xf32, #tpu.memory_space<hbm>> -> memref<8x16xf32, #tpu.memory_space<hbm>>
        tpu.wait_dma2 semaphore(%arg12 : memref<!tpu.dma_semaphore, #tpu.memory_space<semaphore_mem>>) src(%dma_wait3A_289 : memref<8x16xf32, #tpu.memory_space<hbm>>) dst(%dma_wait3A_285 : memref<8x16xf32, #tpu.memory_space<vmem>>)
        %dma_wait3A_290 = arith.constant 0 : i32
        %dma_wait3A_291 = arith.constant 0 : i32
        %dma_wait3A_292 = arith.constant 7 : i32
        %dma_wait3A_293 = arith.constant 0 : i32
        %dma_wait3A_294 = arith.constant 0 : i32
        %dma_wait3A_295 = tpu.memref_slice %arg8[%dma_wait3A_291, %dma_wait3A_292, %dma_wait3A_293, %dma_wait3A_294] : memref<2x32x8x16xf32, #tpu.memory_space<vmem>> -> memref<1x1x8x16xf32, #tpu.memory_space<vmem>>
        %dma_wait3A_296 = tpu.memref_squeeze %dma_wait3A_295 : memref<1x1x8x16xf32, #tpu.memory_space<vmem>> -> memref<8x16xf32, #tpu.memory_space<vmem>>
        %dma_wait3A_297 = arith.constant 0 : i32
        %dma_wait3A_298 = arith.constant 0 : i32
        %dma_wait3A_299 = tpu.memref_slice %arg4[%dma_wait3A_290, %dma_wait3A_297, %dma_wait3A_298] : memref<125000x8x16xf32, #tpu.memory_space<hbm>> -> memref<1x8x16xf32, #tpu.memory_space<hbm>>
        %dma_wait3A_300 = tpu.memref_squeeze %dma_wait3A_299 : memref<1x8x16xf32, #tpu.memory_space<hbm>> -> memref<8x16xf32, #tpu.memory_space<hbm>>
        %dma_wait3A_301 = arith.constant 0 : i32
        %dma_wait3A_302 = arith.constant 0 : i32
        %dma_wait3A_303 = tpu.memref_slice %arg8[%dma_wait3A_291, %dma_wait3A_292, %dma_wait3A_301, %dma_wait3A_302] : memref<2x32x8x16xf32, #tpu.memory_space<vmem>> -> memref<1x1x8x16xf32, #tpu.memory_space<vmem>>
        %dma_wait3A_304 = tpu.memref_squeeze %dma_wait3A_303 : memref<1x1x8x16xf32, #tpu.memory_space<vmem>> -> memref<8x16xf32, #tpu.memory_space<vmem>>
        %dma_wait3A_305 = arith.constant 0 : i32
        %dma_wait3A_306 = arith.constant 0 : i32
        %dma_wait3A_307 = tpu.memref_slice %arg4[%dma_wait3A_290, %dma_wait3A_305, %dma_wait3A_306] : memref<125000x8x16xf32, #tpu.memory_space<hbm>> -> memref<1x8x16xf32, #tpu.memory_space<hbm>>
        %dma_wait3A_308 = tpu.memref_squeeze %dma_wait3A_307 : memref<1x8x16xf32, #tpu.memory_space<hbm>> -> memref<8x16xf32, #tpu.memory_space<hbm>>
        tpu.wait_dma2 semaphore(%arg12 : memref<!tpu.dma_semaphore, #tpu.memory_space<semaphore_mem>>) src(%dma_wait3A_308 : memref<8x16xf32, #tpu.memory_space<hbm>>) dst(%dma_wait3A_304 : memref<8x16xf32, #tpu.memory_space<vmem>>)
        %dma_wait3A_309 = arith.constant 0 : i32
        %dma_wait3A_310 = arith.constant 0 : i32
        %dma_wait3A_311 = arith.constant 8 : i32
        %dma_wait3A_312 = arith.constant 0 : i32
        %dma_wait3A_313 = arith.constant 0 : i32
        %dma_wait3A_314 = tpu.memref_slice %arg8[%dma_wait3A_310, %dma_wait3A_311, %dma_wait3A_312, %dma_wait3A_313] : memref<2x32x8x16xf32, #tpu.memory_space<vmem>> -> memref<1x1x8x16xf32, #tpu.memory_space<vmem>>
        %dma_wait3A_315 = tpu.memref_squeeze %dma_wait3A_314 : memref<1x1x8x16xf32, #tpu.memory_space<vmem>> -> memref<8x16xf32, #tpu.memory_space<vmem>>
        %dma_wait3A_316 = arith.constant 0 : i32
        %dma_wait3A_317 = arith.constant 0 : i32
        %dma_wait3A_318 = tpu.memref_slice %arg4[%dma_wait3A_309, %dma_wait3A_316, %dma_wait3A_317] : memref<125000x8x16xf32, #tpu.memory_space<hbm>> -> memref<1x8x16xf32, #tpu.memory_space<hbm>>
        %dma_wait3A_319 = tpu.memref_squeeze %dma_wait3A_318 : memref<1x8x16xf32, #tpu.memory_space<hbm>> -> memref<8x16xf32, #tpu.memory_space<hbm>>
        %dma_wait3A_320 = arith.constant 0 : i32
        %dma_wait3A_321 = arith.constant 0 : i32
        %dma_wait3A_322 = tpu.memref_slice %arg8[%dma_wait3A_310, %dma_wait3A_311, %dma_wait3A_320, %dma_wait3A_321] : memref<2x32x8x16xf32, #tpu.memory_space<vmem>> -> memref<1x1x8x16xf32, #tpu.memory_space<vmem>>
        %dma_wait3A_323 = tpu.memref_squeeze %dma_wait3A_322 : memref<1x1x8x16xf32, #tpu.memory_space<vmem>> -> memref<8x16xf32, #tpu.memory_space<vmem>>
        %dma_wait3A_324 = arith.constant 0 : i32
        %dma_wait3A_325 = arith.constant 0 : i32
        %dma_wait3A_326 = tpu.memref_slice %arg4[%dma_wait3A_309, %dma_wait3A_324, %dma_wait3A_325] : memref<125000x8x16xf32, #tpu.memory_space<hbm>> -> memref<1x8x16xf32, #tpu.memory_space<hbm>>
        %dma_wait3A_327 = tpu.memref_squeeze %dma_wait3A_326 : memref<1x8x16xf32, #tpu.memory_space<hbm>> -> memref<8x16xf32, #tpu.memory_space<hbm>>
        tpu.wait_dma2 semaphore(%arg12 : memref<!tpu.dma_semaphore, #tpu.memory_space<semaphore_mem>>) src(%dma_wait3A_327 : memref<8x16xf32, #tpu.memory_space<hbm>>) dst(%dma_wait3A_323 : memref<8x16xf32, #tpu.memory_space<vmem>>)
        %dma_wait3A_328 = arith.constant 0 : i32
        %dma_wait3A_329 = arith.constant 0 : i32
        %dma_wait3A_330 = arith.constant 9 : i32
        %dma_wait3A_331 = arith.constant 0 : i32
        %dma_wait3A_332 = arith.constant 0 : i32
        %dma_wait3A_333 = tpu.memref_slice %arg8[%dma_wait3A_329, %dma_wait3A_330, %dma_wait3A_331, %dma_wait3A_332] : memref<2x32x8x16xf32, #tpu.memory_space<vmem>> -> memref<1x1x8x16xf32, #tpu.memory_space<vmem>>
        %dma_wait3A_334 = tpu.memref_squeeze %dma_wait3A_333 : memref<1x1x8x16xf32, #tpu.memory_space<vmem>> -> memref<8x16xf32, #tpu.memory_space<vmem>>
        %dma_wait3A_335 = arith.constant 0 : i32
        %dma_wait3A_336 = arith.constant 0 : i32
        %dma_wait3A_337 = tpu.memref_slice %arg4[%dma_wait3A_328, %dma_wait3A_335, %dma_wait3A_336] : memref<125000x8x16xf32, #tpu.memory_space<hbm>> -> memref<1x8x16xf32, #tpu.memory_space<hbm>>
        %dma_wait3A_338 = tpu.memref_squeeze %dma_wait3A_337 : memref<1x8x16xf32, #tpu.memory_space<hbm>> -> memref<8x16xf32, #tpu.memory_space<hbm>>
        %dma_wait3A_339 = arith.constant 0 : i32
        %dma_wait3A_340 = arith.constant 0 : i32
        %dma_wait3A_341 = tpu.memref_slice %arg8[%dma_wait3A_329, %dma_wait3A_330, %dma_wait3A_339, %dma_wait3A_340] : memref<2x32x8x16xf32, #tpu.memory_space<vmem>> -> memref<1x1x8x16xf32, #tpu.memory_space<vmem>>
        %dma_wait3A_342 = tpu.memref_squeeze %dma_wait3A_341 : memref<1x1x8x16xf32, #tpu.memory_space<vmem>> -> memref<8x16xf32, #tpu.memory_space<vmem>>
        %dma_wait3A_343 = arith.constant 0 : i32
        %dma_wait3A_344 = arith.constant 0 : i32
        %dma_wait3A_345 = tpu.memref_slice %arg4[%dma_wait3A_328, %dma_wait3A_343, %dma_wait3A_344] : memref<125000x8x16xf32, #tpu.memory_space<hbm>> -> memref<1x8x16xf32, #tpu.memory_space<hbm>>
        %dma_wait3A_346 = tpu.memref_squeeze %dma_wait3A_345 : memref<1x8x16xf32, #tpu.memory_space<hbm>> -> memref<8x16xf32, #tpu.memory_space<hbm>>
        tpu.wait_dma2 semaphore(%arg12 : memref<!tpu.dma_semaphore, #tpu.memory_space<semaphore_mem>>) src(%dma_wait3A_346 : memref<8x16xf32, #tpu.memory_space<hbm>>) dst(%dma_wait3A_342 : memref<8x16xf32, #tpu.memory_space<vmem>>)
        %dma_wait3A_347 = arith.constant 0 : i32
        %dma_wait3A_348 = arith.constant 0 : i32
        %dma_wait3A_349 = arith.constant 10 : i32
        %dma_wait3A_350 = arith.constant 0 : i32
        %dma_wait3A_351 = arith.constant 0 : i32
        %dma_wait3A_352 = tpu.memref_slice %arg8[%dma_wait3A_348, %dma_wait3A_349, %dma_wait3A_350, %dma_wait3A_351] : memref<2x32x8x16xf32, #tpu.memory_space<vmem>> -> memref<1x1x8x16xf32, #tpu.memory_space<vmem>>
        %dma_wait3A_353 = tpu.memref_squeeze %dma_wait3A_352 : memref<1x1x8x16xf32, #tpu.memory_space<vmem>> -> memref<8x16xf32, #tpu.memory_space<vmem>>
        %dma_wait3A_354 = arith.constant 0 : i32
        %dma_wait3A_355 = arith.constant 0 : i32
        %dma_wait3A_356 = tpu.memref_slice %arg4[%dma_wait3A_347, %dma_wait3A_354, %dma_wait3A_355] : memref<125000x8x16xf32, #tpu.memory_space<hbm>> -> memref<1x8x16xf32, #tpu.memory_space<hbm>>
        %dma_wait3A_357 = tpu.memref_squeeze %dma_wait3A_356 : memref<1x8x16xf32, #tpu.memory_space<hbm>> -> memref<8x16xf32, #tpu.memory_space<hbm>>
        %dma_wait3A_358 = arith.constant 0 : i32
        %dma_wait3A_359 = arith.constant 0 : i32
        %dma_wait3A_360 = tpu.memref_slice %arg8[%dma_wait3A_348, %dma_wait3A_349, %dma_wait3A_358, %dma_wait3A_359] : memref<2x32x8x16xf32, #tpu.memory_space<vmem>> -> memref<1x1x8x16xf32, #tpu.memory_space<vmem>>
        %dma_wait3A_361 = tpu.memref_squeeze %dma_wait3A_360 : memref<1x1x8x16xf32, #tpu.memory_space<vmem>> -> memref<8x16xf32, #tpu.memory_space<vmem>>
        %dma_wait3A_362 = arith.constant 0 : i32
        %dma_wait3A_363 = arith.constant 0 : i32
        %dma_wait3A_364 = tpu.memref_slice %arg4[%dma_wait3A_347, %dma_wait3A_362, %dma_wait3A_363] : memref<125000x8x16xf32, #tpu.memory_space<hbm>> -> memref<1x8x16xf32, #tpu.memory_space<hbm>>
        %dma_wait3A_365 = tpu.memref_squeeze %dma_wait3A_364 : memref<1x8x16xf32, #tpu.memory_space<hbm>> -> memref<8x16xf32, #tpu.memory_space<hbm>>
        tpu.wait_dma2 semaphore(%arg12 : memref<!tpu.dma_semaphore, #tpu.memory_space<semaphore_mem>>) src(%dma_wait3A_365 : memref<8x16xf32, #tpu.memory_space<hbm>>) dst(%dma_wait3A_361 : memref<8x16xf32, #tpu.memory_space<vmem>>)
        %dma_wait3A_366 = arith.constant 0 : i32
        %dma_wait3A_367 = arith.constant 0 : i32
        %dma_wait3A_368 = arith.constant 11 : i32
        %dma_wait3A_369 = arith.constant 0 : i32
        %dma_wait3A_370 = arith.constant 0 : i32
        %dma_wait3A_371 = tpu.memref_slice %arg8[%dma_wait3A_367, %dma_wait3A_368, %dma_wait3A_369, %dma_wait3A_370] : memref<2x32x8x16xf32, #tpu.memory_space<vmem>> -> memref<1x1x8x16xf32, #tpu.memory_space<vmem>>
        %dma_wait3A_372 = tpu.memref_squeeze %dma_wait3A_371 : memref<1x1x8x16xf32, #tpu.memory_space<vmem>> -> memref<8x16xf32, #tpu.memory_space<vmem>>
        %dma_wait3A_373 = arith.constant 0 : i32
        %dma_wait3A_374 = arith.constant 0 : i32
        %dma_wait3A_375 = tpu.memref_slice %arg4[%dma_wait3A_366, %dma_wait3A_373, %dma_wait3A_374] : memref<125000x8x16xf32, #tpu.memory_space<hbm>> -> memref<1x8x16xf32, #tpu.memory_space<hbm>>
        %dma_wait3A_376 = tpu.memref_squeeze %dma_wait3A_375 : memref<1x8x16xf32, #tpu.memory_space<hbm>> -> memref<8x16xf32, #tpu.memory_space<hbm>>
        %dma_wait3A_377 = arith.constant 0 : i32
        %dma_wait3A_378 = arith.constant 0 : i32
        %dma_wait3A_379 = tpu.memref_slice %arg8[%dma_wait3A_367, %dma_wait3A_368, %dma_wait3A_377, %dma_wait3A_378] : memref<2x32x8x16xf32, #tpu.memory_space<vmem>> -> memref<1x1x8x16xf32, #tpu.memory_space<vmem>>
        %dma_wait3A_380 = tpu.memref_squeeze %dma_wait3A_379 : memref<1x1x8x16xf32, #tpu.memory_space<vmem>> -> memref<8x16xf32, #tpu.memory_space<vmem>>
        %dma_wait3A_381 = arith.constant 0 : i32
        %dma_wait3A_382 = arith.constant 0 : i32
        %dma_wait3A_383 = tpu.memref_slice %arg4[%dma_wait3A_366, %dma_wait3A_381, %dma_wait3A_382] : memref<125000x8x16xf32, #tpu.memory_space<hbm>> -> memref<1x8x16xf32, #tpu.memory_space<hbm>>
        %dma_wait3A_384 = tpu.memref_squeeze %dma_wait3A_383 : memref<1x8x16xf32, #tpu.memory_space<hbm>> -> memref<8x16xf32, #tpu.memory_space<hbm>>
        tpu.wait_dma2 semaphore(%arg12 : memref<!tpu.dma_semaphore, #tpu.memory_space<semaphore_mem>>) src(%dma_wait3A_384 : memref<8x16xf32, #tpu.memory_space<hbm>>) dst(%dma_wait3A_380 : memref<8x16xf32, #tpu.memory_space<vmem>>)
        %dma_wait3A_385 = arith.constant 0 : i32
        %dma_wait3A_386 = arith.constant 0 : i32
        %dma_wait3A_387 = arith.constant 12 : i32
        %dma_wait3A_388 = arith.constant 0 : i32
        %dma_wait3A_389 = arith.constant 0 : i32
        %dma_wait3A_390 = tpu.memref_slice %arg8[%dma_wait3A_386, %dma_wait3A_387, %dma_wait3A_388, %dma_wait3A_389] : memref<2x32x8x16xf32, #tpu.memory_space<vmem>> -> memref<1x1x8x16xf32, #tpu.memory_space<vmem>>
        %dma_wait3A_391 = tpu.memref_squeeze %dma_wait3A_390 : memref<1x1x8x16xf32, #tpu.memory_space<vmem>> -> memref<8x16xf32, #tpu.memory_space<vmem>>
        %dma_wait3A_392 = arith.constant 0 : i32
        %dma_wait3A_393 = arith.constant 0 : i32
        %dma_wait3A_394 = tpu.memref_slice %arg4[%dma_wait3A_385, %dma_wait3A_392, %dma_wait3A_393] : memref<125000x8x16xf32, #tpu.memory_space<hbm>> -> memref<1x8x16xf32, #tpu.memory_space<hbm>>
        %dma_wait3A_395 = tpu.memref_squeeze %dma_wait3A_394 : memref<1x8x16xf32, #tpu.memory_space<hbm>> -> memref<8x16xf32, #tpu.memory_space<hbm>>
        %dma_wait3A_396 = arith.constant 0 : i32
        %dma_wait3A_397 = arith.constant 0 : i32
        %dma_wait3A_398 = tpu.memref_slice %arg8[%dma_wait3A_386, %dma_wait3A_387, %dma_wait3A_396, %dma_wait3A_397] : memref<2x32x8x16xf32, #tpu.memory_space<vmem>> -> memref<1x1x8x16xf32, #tpu.memory_space<vmem>>
        %dma_wait3A_399 = tpu.memref_squeeze %dma_wait3A_398 : memref<1x1x8x16xf32, #tpu.memory_space<vmem>> -> memref<8x16xf32, #tpu.memory_space<vmem>>
        %dma_wait3A_400 = arith.constant 0 : i32
        %dma_wait3A_401 = arith.constant 0 : i32
        %dma_wait3A_402 = tpu.memref_slice %arg4[%dma_wait3A_385, %dma_wait3A_400, %dma_wait3A_401] : memref<125000x8x16xf32, #tpu.memory_space<hbm>> -> memref<1x8x16xf32, #tpu.memory_space<hbm>>
        %dma_wait3A_403 = tpu.memref_squeeze %dma_wait3A_402 : memref<1x8x16xf32, #tpu.memory_space<hbm>> -> memref<8x16xf32, #tpu.memory_space<hbm>>
        tpu.wait_dma2 semaphore(%arg12 : memref<!tpu.dma_semaphore, #tpu.memory_space<semaphore_mem>>) src(%dma_wait3A_403 : memref<8x16xf32, #tpu.memory_space<hbm>>) dst(%dma_wait3A_399 : memref<8x16xf32, #tpu.memory_space<vmem>>)
        %dma_wait3A_404 = arith.constant 0 : i32
        %dma_wait3A_405 = arith.constant 0 : i32
        %dma_wait3A_406 = arith.constant 13 : i32
        %dma_wait3A_407 = arith.constant 0 : i32
        %dma_wait3A_408 = arith.constant 0 : i32
        %dma_wait3A_409 = tpu.memref_slice %arg8[%dma_wait3A_405, %dma_wait3A_406, %dma_wait3A_407, %dma_wait3A_408] : memref<2x32x8x16xf32, #tpu.memory_space<vmem>> -> memref<1x1x8x16xf32, #tpu.memory_space<vmem>>
        %dma_wait3A_410 = tpu.memref_squeeze %dma_wait3A_409 : memref<1x1x8x16xf32, #tpu.memory_space<vmem>> -> memref<8x16xf32, #tpu.memory_space<vmem>>
        %dma_wait3A_411 = arith.constant 0 : i32
        %dma_wait3A_412 = arith.constant 0 : i32
        %dma_wait3A_413 = tpu.memref_slice %arg4[%dma_wait3A_404, %dma_wait3A_411, %dma_wait3A_412] : memref<125000x8x16xf32, #tpu.memory_space<hbm>> -> memref<1x8x16xf32, #tpu.memory_space<hbm>>
        %dma_wait3A_414 = tpu.memref_squeeze %dma_wait3A_413 : memref<1x8x16xf32, #tpu.memory_space<hbm>> -> memref<8x16xf32, #tpu.memory_space<hbm>>
        %dma_wait3A_415 = arith.constant 0 : i32
        %dma_wait3A_416 = arith.constant 0 : i32
        %dma_wait3A_417 = tpu.memref_slice %arg8[%dma_wait3A_405, %dma_wait3A_406, %dma_wait3A_415, %dma_wait3A_416] : memref<2x32x8x16xf32, #tpu.memory_space<vmem>> -> memref<1x1x8x16xf32, #tpu.memory_space<vmem>>
        %dma_wait3A_418 = tpu.memref_squeeze %dma_wait3A_417 : memref<1x1x8x16xf32, #tpu.memory_space<vmem>> -> memref<8x16xf32, #tpu.memory_space<vmem>>
        %dma_wait3A_419 = arith.constant 0 : i32
        %dma_wait3A_420 = arith.constant 0 : i32
        %dma_wait3A_421 = tpu.memref_slice %arg4[%dma_wait3A_404, %dma_wait3A_419, %dma_wait3A_420] : memref<125000x8x16xf32, #tpu.memory_space<hbm>> -> memref<1x8x16xf32, #tpu.memory_space<hbm>>
        %dma_wait3A_422 = tpu.memref_squeeze %dma_wait3A_421 : memref<1x8x16xf32, #tpu.memory_space<hbm>> -> memref<8x16xf32, #tpu.memory_space<hbm>>
        tpu.wait_dma2 semaphore(%arg12 : memref<!tpu.dma_semaphore, #tpu.memory_space<semaphore_mem>>) src(%dma_wait3A_422 : memref<8x16xf32, #tpu.memory_space<hbm>>) dst(%dma_wait3A_418 : memref<8x16xf32, #tpu.memory_space<vmem>>)
        %dma_wait3A_423 = arith.constant 0 : i32
        %dma_wait3A_424 = arith.constant 0 : i32
        %dma_wait3A_425 = arith.constant 14 : i32
        %dma_wait3A_426 = arith.constant 0 : i32
        %dma_wait3A_427 = arith.constant 0 : i32
        %dma_wait3A_428 = tpu.memref_slice %arg8[%dma_wait3A_424, %dma_wait3A_425, %dma_wait3A_426, %dma_wait3A_427] : memref<2x32x8x16xf32, #tpu.memory_space<vmem>> -> memref<1x1x8x16xf32, #tpu.memory_space<vmem>>
        %dma_wait3A_429 = tpu.memref_squeeze %dma_wait3A_428 : memref<1x1x8x16xf32, #tpu.memory_space<vmem>> -> memref<8x16xf32, #tpu.memory_space<vmem>>
        %dma_wait3A_430 = arith.constant 0 : i32
        %dma_wait3A_431 = arith.constant 0 : i32
        %dma_wait3A_432 = tpu.memref_slice %arg4[%dma_wait3A_423, %dma_wait3A_430, %dma_wait3A_431] : memref<125000x8x16xf32, #tpu.memory_space<hbm>> -> memref<1x8x16xf32, #tpu.memory_space<hbm>>
        %dma_wait3A_433 = tpu.memref_squeeze %dma_wait3A_432 : memref<1x8x16xf32, #tpu.memory_space<hbm>> -> memref<8x16xf32, #tpu.memory_space<hbm>>
        %dma_wait3A_434 = arith.constant 0 : i32
        %dma_wait3A_435 = arith.constant 0 : i32
        %dma_wait3A_436 = tpu.memref_slice %arg8[%dma_wait3A_424, %dma_wait3A_425, %dma_wait3A_434, %dma_wait3A_435] : memref<2x32x8x16xf32, #tpu.memory_space<vmem>> -> memref<1x1x8x16xf32, #tpu.memory_space<vmem>>
        %dma_wait3A_437 = tpu.memref_squeeze %dma_wait3A_436 : memref<1x1x8x16xf32, #tpu.memory_space<vmem>> -> memref<8x16xf32, #tpu.memory_space<vmem>>
        %dma_wait3A_438 = arith.constant 0 : i32
        %dma_wait3A_439 = arith.constant 0 : i32
        %dma_wait3A_440 = tpu.memref_slice %arg4[%dma_wait3A_423, %dma_wait3A_438, %dma_wait3A_439] : memref<125000x8x16xf32, #tpu.memory_space<hbm>> -> memref<1x8x16xf32, #tpu.memory_space<hbm>>
        %dma_wait3A_441 = tpu.memref_squeeze %dma_wait3A_440 : memref<1x8x16xf32, #tpu.memory_space<hbm>> -> memref<8x16xf32, #tpu.memory_space<hbm>>
        tpu.wait_dma2 semaphore(%arg12 : memref<!tpu.dma_semaphore, #tpu.memory_space<semaphore_mem>>) src(%dma_wait3A_441 : memref<8x16xf32, #tpu.memory_space<hbm>>) dst(%dma_wait3A_437 : memref<8x16xf32, #tpu.memory_space<vmem>>)
        %dma_wait3A_442 = arith.constant 0 : i32
        %dma_wait3A_443 = arith.constant 0 : i32
        %dma_wait3A_444 = arith.constant 15 : i32
        %dma_wait3A_445 = arith.constant 0 : i32
        %dma_wait3A_446 = arith.constant 0 : i32
        %dma_wait3A_447 = tpu.memref_slice %arg8[%dma_wait3A_443, %dma_wait3A_444, %dma_wait3A_445, %dma_wait3A_446] : memref<2x32x8x16xf32, #tpu.memory_space<vmem>> -> memref<1x1x8x16xf32, #tpu.memory_space<vmem>>
        %dma_wait3A_448 = tpu.memref_squeeze %dma_wait3A_447 : memref<1x1x8x16xf32, #tpu.memory_space<vmem>> -> memref<8x16xf32, #tpu.memory_space<vmem>>
        %dma_wait3A_449 = arith.constant 0 : i32
        %dma_wait3A_450 = arith.constant 0 : i32
        %dma_wait3A_451 = tpu.memref_slice %arg4[%dma_wait3A_442, %dma_wait3A_449, %dma_wait3A_450] : memref<125000x8x16xf32, #tpu.memory_space<hbm>> -> memref<1x8x16xf32, #tpu.memory_space<hbm>>
        %dma_wait3A_452 = tpu.memref_squeeze %dma_wait3A_451 : memref<1x8x16xf32, #tpu.memory_space<hbm>> -> memref<8x16xf32, #tpu.memory_space<hbm>>
        %dma_wait3A_453 = arith.constant 0 : i32
        %dma_wait3A_454 = arith.constant 0 : i32
        %dma_wait3A_455 = tpu.memref_slice %arg8[%dma_wait3A_443, %dma_wait3A_444, %dma_wait3A_453, %dma_wait3A_454] : memref<2x32x8x16xf32, #tpu.memory_space<vmem>> -> memref<1x1x8x16xf32, #tpu.memory_space<vmem>>
        %dma_wait3A_456 = tpu.memref_squeeze %dma_wait3A_455 : memref<1x1x8x16xf32, #tpu.memory_space<vmem>> -> memref<8x16xf32, #tpu.memory_space<vmem>>
        %dma_wait3A_457 = arith.constant 0 : i32
        %dma_wait3A_458 = arith.constant 0 : i32
        %dma_wait3A_459 = tpu.memref_slice %arg4[%dma_wait3A_442, %dma_wait3A_457, %dma_wait3A_458] : memref<125000x8x16xf32, #tpu.memory_space<hbm>> -> memref<1x8x16xf32, #tpu.memory_space<hbm>>
        %dma_wait3A_460 = tpu.memref_squeeze %dma_wait3A_459 : memref<1x8x16xf32, #tpu.memory_space<hbm>> -> memref<8x16xf32, #tpu.memory_space<hbm>>
        tpu.wait_dma2 semaphore(%arg12 : memref<!tpu.dma_semaphore, #tpu.memory_space<semaphore_mem>>) src(%dma_wait3A_460 : memref<8x16xf32, #tpu.memory_space<hbm>>) dst(%dma_wait3A_456 : memref<8x16xf32, #tpu.memory_space<vmem>>)
        %dma_wait3A_461 = arith.constant 0 : i32
        %dma_wait3A_462 = arith.constant 0 : i32
        %dma_wait3A_463 = arith.constant 16 : i32
        %dma_wait3A_464 = arith.constant 0 : i32
        %dma_wait3A_465 = arith.constant 0 : i32
        %dma_wait3A_466 = tpu.memref_slice %arg8[%dma_wait3A_462, %dma_wait3A_463, %dma_wait3A_464, %dma_wait3A_465] : memref<2x32x8x16xf32, #tpu.memory_space<vmem>> -> memref<1x1x8x16xf32, #tpu.memory_space<vmem>>
        %dma_wait3A_467 = tpu.memref_squeeze %dma_wait3A_466 : memref<1x1x8x16xf32, #tpu.memory_space<vmem>> -> memref<8x16xf32, #tpu.memory_space<vmem>>
        %dma_wait3A_468 = arith.constant 0 : i32
        %dma_wait3A_469 = arith.constant 0 : i32
        %dma_wait3A_470 = tpu.memref_slice %arg4[%dma_wait3A_461, %dma_wait3A_468, %dma_wait3A_469] : memref<125000x8x16xf32, #tpu.memory_space<hbm>> -> memref<1x8x16xf32, #tpu.memory_space<hbm>>
        %dma_wait3A_471 = tpu.memref_squeeze %dma_wait3A_470 : memref<1x8x16xf32, #tpu.memory_space<hbm>> -> memref<8x16xf32, #tpu.memory_space<hbm>>
        %dma_wait3A_472 = arith.constant 0 : i32
        %dma_wait3A_473 = arith.constant 0 : i32
        %dma_wait3A_474 = tpu.memref_slice %arg8[%dma_wait3A_462, %dma_wait3A_463, %dma_wait3A_472, %dma_wait3A_473] : memref<2x32x8x16xf32, #tpu.memory_space<vmem>> -> memref<1x1x8x16xf32, #tpu.memory_space<vmem>>
        %dma_wait3A_475 = tpu.memref_squeeze %dma_wait3A_474 : memref<1x1x8x16xf32, #tpu.memory_space<vmem>> -> memref<8x16xf32, #tpu.memory_space<vmem>>
        %dma_wait3A_476 = arith.constant 0 : i32
        %dma_wait3A_477 = arith.constant 0 : i32
        %dma_wait3A_478 = tpu.memref_slice %arg4[%dma_wait3A_461, %dma_wait3A_476, %dma_wait3A_477] : memref<125000x8x16xf32, #tpu.memory_space<hbm>> -> memref<1x8x16xf32, #tpu.memory_space<hbm>>
        %dma_wait3A_479 = tpu.memref_squeeze %dma_wait3A_478 : memref<1x8x16xf32, #tpu.memory_space<hbm>> -> memref<8x16xf32, #tpu.memory_space<hbm>>
        tpu.wait_dma2 semaphore(%arg12 : memref<!tpu.dma_semaphore, #tpu.memory_space<semaphore_mem>>) src(%dma_wait3A_479 : memref<8x16xf32, #tpu.memory_space<hbm>>) dst(%dma_wait3A_475 : memref<8x16xf32, #tpu.memory_space<vmem>>)
        %dma_wait3A_480 = arith.constant 0 : i32
        %dma_wait3A_481 = arith.constant 0 : i32
        %dma_wait3A_482 = arith.constant 17 : i32
        %dma_wait3A_483 = arith.constant 0 : i32
        %dma_wait3A_484 = arith.constant 0 : i32
        %dma_wait3A_485 = tpu.memref_slice %arg8[%dma_wait3A_481, %dma_wait3A_482, %dma_wait3A_483, %dma_wait3A_484] : memref<2x32x8x16xf32, #tpu.memory_space<vmem>> -> memref<1x1x8x16xf32, #tpu.memory_space<vmem>>
        %dma_wait3A_486 = tpu.memref_squeeze %dma_wait3A_485 : memref<1x1x8x16xf32, #tpu.memory_space<vmem>> -> memref<8x16xf32, #tpu.memory_space<vmem>>
        %dma_wait3A_487 = arith.constant 0 : i32
        %dma_wait3A_488 = arith.constant 0 : i32
        %dma_wait3A_489 = tpu.memref_slice %arg4[%dma_wait3A_480, %dma_wait3A_487, %dma_wait3A_488] : memref<125000x8x16xf32, #tpu.memory_space<hbm>> -> memref<1x8x16xf32, #tpu.memory_space<hbm>>
        %dma_wait3A_490 = tpu.memref_squeeze %dma_wait3A_489 : memref<1x8x16xf32, #tpu.memory_space<hbm>> -> memref<8x16xf32, #tpu.memory_space<hbm>>
        %dma_wait3A_491 = arith.constant 0 : i32
        %dma_wait3A_492 = arith.constant 0 : i32
        %dma_wait3A_493 = tpu.memref_slice %arg8[%dma_wait3A_481, %dma_wait3A_482, %dma_wait3A_491, %dma_wait3A_492] : memref<2x32x8x16xf32, #tpu.memory_space<vmem>> -> memref<1x1x8x16xf32, #tpu.memory_space<vmem>>
        %dma_wait3A_494 = tpu.memref_squeeze %dma_wait3A_493 : memref<1x1x8x16xf32, #tpu.memory_space<vmem>> -> memref<8x16xf32, #tpu.memory_space<vmem>>
        %dma_wait3A_495 = arith.constant 0 : i32
        %dma_wait3A_496 = arith.constant 0 : i32
        %dma_wait3A_497 = tpu.memref_slice %arg4[%dma_wait3A_480, %dma_wait3A_495, %dma_wait3A_496] : memref<125000x8x16xf32, #tpu.memory_space<hbm>> -> memref<1x8x16xf32, #tpu.memory_space<hbm>>
        %dma_wait3A_498 = tpu.memref_squeeze %dma_wait3A_497 : memref<1x8x16xf32, #tpu.memory_space<hbm>> -> memref<8x16xf32, #tpu.memory_space<hbm>>
        tpu.wait_dma2 semaphore(%arg12 : memref<!tpu.dma_semaphore, #tpu.memory_space<semaphore_mem>>) src(%dma_wait3A_498 : memref<8x16xf32, #tpu.memory_space<hbm>>) dst(%dma_wait3A_494 : memref<8x16xf32, #tpu.memory_space<vmem>>)
        %dma_wait3A_499 = arith.constant 0 : i32
        %dma_wait3A_500 = arith.constant 0 : i32
        %dma_wait3A_501 = arith.constant 18 : i32
        %dma_wait3A_502 = arith.constant 0 : i32
        %dma_wait3A_503 = arith.constant 0 : i32
        %dma_wait3A_504 = tpu.memref_slice %arg8[%dma_wait3A_500, %dma_wait3A_501, %dma_wait3A_502, %dma_wait3A_503] : memref<2x32x8x16xf32, #tpu.memory_space<vmem>> -> memref<1x1x8x16xf32, #tpu.memory_space<vmem>>
        %dma_wait3A_505 = tpu.memref_squeeze %dma_wait3A_504 : memref<1x1x8x16xf32, #tpu.memory_space<vmem>> -> memref<8x16xf32, #tpu.memory_space<vmem>>
        %dma_wait3A_506 = arith.constant 0 : i32
        %dma_wait3A_507 = arith.constant 0 : i32
        %dma_wait3A_508 = tpu.memref_slice %arg4[%dma_wait3A_499, %dma_wait3A_506, %dma_wait3A_507] : memref<125000x8x16xf32, #tpu.memory_space<hbm>> -> memref<1x8x16xf32, #tpu.memory_space<hbm>>
        %dma_wait3A_509 = tpu.memref_squeeze %dma_wait3A_508 : memref<1x8x16xf32, #tpu.memory_space<hbm>> -> memref<8x16xf32, #tpu.memory_space<hbm>>
        %dma_wait3A_510 = arith.constant 0 : i32
        %dma_wait3A_511 = arith.constant 0 : i32
        %dma_wait3A_512 = tpu.memref_slice %arg8[%dma_wait3A_500, %dma_wait3A_501, %dma_wait3A_510, %dma_wait3A_511] : memref<2x32x8x16xf32, #tpu.memory_space<vmem>> -> memref<1x1x8x16xf32, #tpu.memory_space<vmem>>
        %dma_wait3A_513 = tpu.memref_squeeze %dma_wait3A_512 : memref<1x1x8x16xf32, #tpu.memory_space<vmem>> -> memref<8x16xf32, #tpu.memory_space<vmem>>
        %dma_wait3A_514 = arith.constant 0 : i32
        %dma_wait3A_515 = arith.constant 0 : i32
        %dma_wait3A_516 = tpu.memref_slice %arg4[%dma_wait3A_499, %dma_wait3A_514, %dma_wait3A_515] : memref<125000x8x16xf32, #tpu.memory_space<hbm>> -> memref<1x8x16xf32, #tpu.memory_space<hbm>>
        %dma_wait3A_517 = tpu.memref_squeeze %dma_wait3A_516 : memref<1x8x16xf32, #tpu.memory_space<hbm>> -> memref<8x16xf32, #tpu.memory_space<hbm>>
        tpu.wait_dma2 semaphore(%arg12 : memref<!tpu.dma_semaphore, #tpu.memory_space<semaphore_mem>>) src(%dma_wait3A_517 : memref<8x16xf32, #tpu.memory_space<hbm>>) dst(%dma_wait3A_513 : memref<8x16xf32, #tpu.memory_space<vmem>>)
        %dma_wait3A_518 = arith.constant 0 : i32
        %dma_wait3A_519 = arith.constant 0 : i32
        %dma_wait3A_520 = arith.constant 19 : i32
        %dma_wait3A_521 = arith.constant 0 : i32
        %dma_wait3A_522 = arith.constant 0 : i32
        %dma_wait3A_523 = tpu.memref_slice %arg8[%dma_wait3A_519, %dma_wait3A_520, %dma_wait3A_521, %dma_wait3A_522] : memref<2x32x8x16xf32, #tpu.memory_space<vmem>> -> memref<1x1x8x16xf32, #tpu.memory_space<vmem>>
        %dma_wait3A_524 = tpu.memref_squeeze %dma_wait3A_523 : memref<1x1x8x16xf32, #tpu.memory_space<vmem>> -> memref<8x16xf32, #tpu.memory_space<vmem>>
        %dma_wait3A_525 = arith.constant 0 : i32
        %dma_wait3A_526 = arith.constant 0 : i32
        %dma_wait3A_527 = tpu.memref_slice %arg4[%dma_wait3A_518, %dma_wait3A_525, %dma_wait3A_526] : memref<125000x8x16xf32, #tpu.memory_space<hbm>> -> memref<1x8x16xf32, #tpu.memory_space<hbm>>
        %dma_wait3A_528 = tpu.memref_squeeze %dma_wait3A_527 : memref<1x8x16xf32, #tpu.memory_space<hbm>> -> memref<8x16xf32, #tpu.memory_space<hbm>>
        %dma_wait3A_529 = arith.constant 0 : i32
        %dma_wait3A_530 = arith.constant 0 : i32
        %dma_wait3A_531 = tpu.memref_slice %arg8[%dma_wait3A_519, %dma_wait3A_520, %dma_wait3A_529, %dma_wait3A_530] : memref<2x32x8x16xf32, #tpu.memory_space<vmem>> -> memref<1x1x8x16xf32, #tpu.memory_space<vmem>>
        %dma_wait3A_532 = tpu.memref_squeeze %dma_wait3A_531 : memref<1x1x8x16xf32, #tpu.memory_space<vmem>> -> memref<8x16xf32, #tpu.memory_space<vmem>>
        %dma_wait3A_533 = arith.constant 0 : i32
        %dma_wait3A_534 = arith.constant 0 : i32
        %dma_wait3A_535 = tpu.memref_slice %arg4[%dma_wait3A_518, %dma_wait3A_533, %dma_wait3A_534] : memref<125000x8x16xf32, #tpu.memory_space<hbm>> -> memref<1x8x16xf32, #tpu.memory_space<hbm>>
        %dma_wait3A_536 = tpu.memref_squeeze %dma_wait3A_535 : memref<1x8x16xf32, #tpu.memory_space<hbm>> -> memref<8x16xf32, #tpu.memory_space<hbm>>
        tpu.wait_dma2 semaphore(%arg12 : memref<!tpu.dma_semaphore, #tpu.memory_space<semaphore_mem>>) src(%dma_wait3A_536 : memref<8x16xf32, #tpu.memory_space<hbm>>) dst(%dma_wait3A_532 : memref<8x16xf32, #tpu.memory_space<vmem>>)
        %dma_wait3A_537 = arith.constant 0 : i32
        %dma_wait3A_538 = arith.constant 0 : i32
        %dma_wait3A_539 = arith.constant 20 : i32
        %dma_wait3A_540 = arith.constant 0 : i32
        %dma_wait3A_541 = arith.constant 0 : i32
        %dma_wait3A_542 = tpu.memref_slice %arg8[%dma_wait3A_538, %dma_wait3A_539, %dma_wait3A_540, %dma_wait3A_541] : memref<2x32x8x16xf32, #tpu.memory_space<vmem>> -> memref<1x1x8x16xf32, #tpu.memory_space<vmem>>
        %dma_wait3A_543 = tpu.memref_squeeze %dma_wait3A_542 : memref<1x1x8x16xf32, #tpu.memory_space<vmem>> -> memref<8x16xf32, #tpu.memory_space<vmem>>
        %dma_wait3A_544 = arith.constant 0 : i32
        %dma_wait3A_545 = arith.constant 0 : i32
        %dma_wait3A_546 = tpu.memref_slice %arg4[%dma_wait3A_537, %dma_wait3A_544, %dma_wait3A_545] : memref<125000x8x16xf32, #tpu.memory_space<hbm>> -> memref<1x8x16xf32, #tpu.memory_space<hbm>>
        %dma_wait3A_547 = tpu.memref_squeeze %dma_wait3A_546 : memref<1x8x16xf32, #tpu.memory_space<hbm>> -> memref<8x16xf32, #tpu.memory_space<hbm>>
        %dma_wait3A_548 = arith.constant 0 : i32
        %dma_wait3A_549 = arith.constant 0 : i32
        %dma_wait3A_550 = tpu.memref_slice %arg8[%dma_wait3A_538, %dma_wait3A_539, %dma_wait3A_548, %dma_wait3A_549] : memref<2x32x8x16xf32, #tpu.memory_space<vmem>> -> memref<1x1x8x16xf32, #tpu.memory_space<vmem>>
        %dma_wait3A_551 = tpu.memref_squeeze %dma_wait3A_550 : memref<1x1x8x16xf32, #tpu.memory_space<vmem>> -> memref<8x16xf32, #tpu.memory_space<vmem>>
        %dma_wait3A_552 = arith.constant 0 : i32
        %dma_wait3A_553 = arith.constant 0 : i32
        %dma_wait3A_554 = tpu.memref_slice %arg4[%dma_wait3A_537, %dma_wait3A_552, %dma_wait3A_553] : memref<125000x8x16xf32, #tpu.memory_space<hbm>> -> memref<1x8x16xf32, #tpu.memory_space<hbm>>
        %dma_wait3A_555 = tpu.memref_squeeze %dma_wait3A_554 : memref<1x8x16xf32, #tpu.memory_space<hbm>> -> memref<8x16xf32, #tpu.memory_space<hbm>>
        tpu.wait_dma2 semaphore(%arg12 : memref<!tpu.dma_semaphore, #tpu.memory_space<semaphore_mem>>) src(%dma_wait3A_555 : memref<8x16xf32, #tpu.memory_space<hbm>>) dst(%dma_wait3A_551 : memref<8x16xf32, #tpu.memory_space<vmem>>)
        %dma_wait3A_556 = arith.constant 0 : i32
        %dma_wait3A_557 = arith.constant 0 : i32
        %dma_wait3A_558 = arith.constant 21 : i32
        %dma_wait3A_559 = arith.constant 0 : i32
        %dma_wait3A_560 = arith.constant 0 : i32
        %dma_wait3A_561 = tpu.memref_slice %arg8[%dma_wait3A_557, %dma_wait3A_558, %dma_wait3A_559, %dma_wait3A_560] : memref<2x32x8x16xf32, #tpu.memory_space<vmem>> -> memref<1x1x8x16xf32, #tpu.memory_space<vmem>>
        %dma_wait3A_562 = tpu.memref_squeeze %dma_wait3A_561 : memref<1x1x8x16xf32, #tpu.memory_space<vmem>> -> memref<8x16xf32, #tpu.memory_space<vmem>>
        %dma_wait3A_563 = arith.constant 0 : i32
        %dma_wait3A_564 = arith.constant 0 : i32
        %dma_wait3A_565 = tpu.memref_slice %arg4[%dma_wait3A_556, %dma_wait3A_563, %dma_wait3A_564] : memref<125000x8x16xf32, #tpu.memory_space<hbm>> -> memref<1x8x16xf32, #tpu.memory_space<hbm>>
        %dma_wait3A_566 = tpu.memref_squeeze %dma_wait3A_565 : memref<1x8x16xf32, #tpu.memory_space<hbm>> -> memref<8x16xf32, #tpu.memory_space<hbm>>
        %dma_wait3A_567 = arith.constant 0 : i32
        %dma_wait3A_568 = arith.constant 0 : i32
        %dma_wait3A_569 = tpu.memref_slice %arg8[%dma_wait3A_557, %dma_wait3A_558, %dma_wait3A_567, %dma_wait3A_568] : memref<2x32x8x16xf32, #tpu.memory_space<vmem>> -> memref<1x1x8x16xf32, #tpu.memory_space<vmem>>
        %dma_wait3A_570 = tpu.memref_squeeze %dma_wait3A_569 : memref<1x1x8x16xf32, #tpu.memory_space<vmem>> -> memref<8x16xf32, #tpu.memory_space<vmem>>
        %dma_wait3A_571 = arith.constant 0 : i32
        %dma_wait3A_572 = arith.constant 0 : i32
        %dma_wait3A_573 = tpu.memref_slice %arg4[%dma_wait3A_556, %dma_wait3A_571, %dma_wait3A_572] : memref<125000x8x16xf32, #tpu.memory_space<hbm>> -> memref<1x8x16xf32, #tpu.memory_space<hbm>>
        %dma_wait3A_574 = tpu.memref_squeeze %dma_wait3A_573 : memref<1x8x16xf32, #tpu.memory_space<hbm>> -> memref<8x16xf32, #tpu.memory_space<hbm>>
        tpu.wait_dma2 semaphore(%arg12 : memref<!tpu.dma_semaphore, #tpu.memory_space<semaphore_mem>>) src(%dma_wait3A_574 : memref<8x16xf32, #tpu.memory_space<hbm>>) dst(%dma_wait3A_570 : memref<8x16xf32, #tpu.memory_space<vmem>>)
        %dma_wait3A_575 = arith.constant 0 : i32
        %dma_wait3A_576 = arith.constant 0 : i32
        %dma_wait3A_577 = arith.constant 22 : i32
        %dma_wait3A_578 = arith.constant 0 : i32
        %dma_wait3A_579 = arith.constant 0 : i32
        %dma_wait3A_580 = tpu.memref_slice %arg8[%dma_wait3A_576, %dma_wait3A_577, %dma_wait3A_578, %dma_wait3A_579] : memref<2x32x8x16xf32, #tpu.memory_space<vmem>> -> memref<1x1x8x16xf32, #tpu.memory_space<vmem>>
        %dma_wait3A_581 = tpu.memref_squeeze %dma_wait3A_580 : memref<1x1x8x16xf32, #tpu.memory_space<vmem>> -> memref<8x16xf32, #tpu.memory_space<vmem>>
        %dma_wait3A_582 = arith.constant 0 : i32
        %dma_wait3A_583 = arith.constant 0 : i32
        %dma_wait3A_584 = tpu.memref_slice %arg4[%dma_wait3A_575, %dma_wait3A_582, %dma_wait3A_583] : memref<125000x8x16xf32, #tpu.memory_space<hbm>> -> memref<1x8x16xf32, #tpu.memory_space<hbm>>
        %dma_wait3A_585 = tpu.memref_squeeze %dma_wait3A_584 : memref<1x8x16xf32, #tpu.memory_space<hbm>> -> memref<8x16xf32, #tpu.memory_space<hbm>>
        %dma_wait3A_586 = arith.constant 0 : i32
        %dma_wait3A_587 = arith.constant 0 : i32
        %dma_wait3A_588 = tpu.memref_slice %arg8[%dma_wait3A_576, %dma_wait3A_577, %dma_wait3A_586, %dma_wait3A_587] : memref<2x32x8x16xf32, #tpu.memory_space<vmem>> -> memref<1x1x8x16xf32, #tpu.memory_space<vmem>>
        %dma_wait3A_589 = tpu.memref_squeeze %dma_wait3A_588 : memref<1x1x8x16xf32, #tpu.memory_space<vmem>> -> memref<8x16xf32, #tpu.memory_space<vmem>>
        %dma_wait3A_590 = arith.constant 0 : i32
        %dma_wait3A_591 = arith.constant 0 : i32
        %dma_wait3A_592 = tpu.memref_slice %arg4[%dma_wait3A_575, %dma_wait3A_590, %dma_wait3A_591] : memref<125000x8x16xf32, #tpu.memory_space<hbm>> -> memref<1x8x16xf32, #tpu.memory_space<hbm>>
        %dma_wait3A_593 = tpu.memref_squeeze %dma_wait3A_592 : memref<1x8x16xf32, #tpu.memory_space<hbm>> -> memref<8x16xf32, #tpu.memory_space<hbm>>
        tpu.wait_dma2 semaphore(%arg12 : memref<!tpu.dma_semaphore, #tpu.memory_space<semaphore_mem>>) src(%dma_wait3A_593 : memref<8x16xf32, #tpu.memory_space<hbm>>) dst(%dma_wait3A_589 : memref<8x16xf32, #tpu.memory_space<vmem>>)
        %dma_wait3A_594 = arith.constant 0 : i32
        %dma_wait3A_595 = arith.constant 0 : i32
        %dma_wait3A_596 = arith.constant 23 : i32
        %dma_wait3A_597 = arith.constant 0 : i32
        %dma_wait3A_598 = arith.constant 0 : i32
        %dma_wait3A_599 = tpu.memref_slice %arg8[%dma_wait3A_595, %dma_wait3A_596, %dma_wait3A_597, %dma_wait3A_598] : memref<2x32x8x16xf32, #tpu.memory_space<vmem>> -> memref<1x1x8x16xf32, #tpu.memory_space<vmem>>
        %dma_wait3A_600 = tpu.memref_squeeze %dma_wait3A_599 : memref<1x1x8x16xf32, #tpu.memory_space<vmem>> -> memref<8x16xf32, #tpu.memory_space<vmem>>
        %dma_wait3A_601 = arith.constant 0 : i32
        %dma_wait3A_602 = arith.constant 0 : i32
        %dma_wait3A_603 = tpu.memref_slice %arg4[%dma_wait3A_594, %dma_wait3A_601, %dma_wait3A_602] : memref<125000x8x16xf32, #tpu.memory_space<hbm>> -> memref<1x8x16xf32, #tpu.memory_space<hbm>>
        %dma_wait3A_604 = tpu.memref_squeeze %dma_wait3A_603 : memref<1x8x16xf32, #tpu.memory_space<hbm>> -> memref<8x16xf32, #tpu.memory_space<hbm>>
        %dma_wait3A_605 = arith.constant 0 : i32
        %dma_wait3A_606 = arith.constant 0 : i32
        %dma_wait3A_607 = tpu.memref_slice %arg8[%dma_wait3A_595, %dma_wait3A_596, %dma_wait3A_605, %dma_wait3A_606] : memref<2x32x8x16xf32, #tpu.memory_space<vmem>> -> memref<1x1x8x16xf32, #tpu.memory_space<vmem>>
        %dma_wait3A_608 = tpu.memref_squeeze %dma_wait3A_607 : memref<1x1x8x16xf32, #tpu.memory_space<vmem>> -> memref<8x16xf32, #tpu.memory_space<vmem>>
        %dma_wait3A_609 = arith.constant 0 : i32
        %dma_wait3A_610 = arith.constant 0 : i32
        %dma_wait3A_611 = tpu.memref_slice %arg4[%dma_wait3A_594, %dma_wait3A_609, %dma_wait3A_610] : memref<125000x8x16xf32, #tpu.memory_space<hbm>> -> memref<1x8x16xf32, #tpu.memory_space<hbm>>
        %dma_wait3A_612 = tpu.memref_squeeze %dma_wait3A_611 : memref<1x8x16xf32, #tpu.memory_space<hbm>> -> memref<8x16xf32, #tpu.memory_space<hbm>>
        tpu.wait_dma2 semaphore(%arg12 : memref<!tpu.dma_semaphore, #tpu.memory_space<semaphore_mem>>) src(%dma_wait3A_612 : memref<8x16xf32, #tpu.memory_space<hbm>>) dst(%dma_wait3A_608 : memref<8x16xf32, #tpu.memory_space<vmem>>)
        %dma_wait3A_613 = arith.constant 0 : i32
        %dma_wait3A_614 = arith.constant 0 : i32
        %dma_wait3A_615 = arith.constant 24 : i32
        %dma_wait3A_616 = arith.constant 0 : i32
        %dma_wait3A_617 = arith.constant 0 : i32
        %dma_wait3A_618 = tpu.memref_slice %arg8[%dma_wait3A_614, %dma_wait3A_615, %dma_wait3A_616, %dma_wait3A_617] : memref<2x32x8x16xf32, #tpu.memory_space<vmem>> -> memref<1x1x8x16xf32, #tpu.memory_space<vmem>>
        %dma_wait3A_619 = tpu.memref_squeeze %dma_wait3A_618 : memref<1x1x8x16xf32, #tpu.memory_space<vmem>> -> memref<8x16xf32, #tpu.memory_space<vmem>>
        %dma_wait3A_620 = arith.constant 0 : i32
        %dma_wait3A_621 = arith.constant 0 : i32
        %dma_wait3A_622 = tpu.memref_slice %arg4[%dma_wait3A_613, %dma_wait3A_620, %dma_wait3A_621] : memref<125000x8x16xf32, #tpu.memory_space<hbm>> -> memref<1x8x16xf32, #tpu.memory_space<hbm>>
        %dma_wait3A_623 = tpu.memref_squeeze %dma_wait3A_622 : memref<1x8x16xf32, #tpu.memory_space<hbm>> -> memref<8x16xf32, #tpu.memory_space<hbm>>
        %dma_wait3A_624 = arith.constant 0 : i32
        %dma_wait3A_625 = arith.constant 0 : i32
        %dma_wait3A_626 = tpu.memref_slice %arg8[%dma_wait3A_614, %dma_wait3A_615, %dma_wait3A_624, %dma_wait3A_625] : memref<2x32x8x16xf32, #tpu.memory_space<vmem>> -> memref<1x1x8x16xf32, #tpu.memory_space<vmem>>
        %dma_wait3A_627 = tpu.memref_squeeze %dma_wait3A_626 : memref<1x1x8x16xf32, #tpu.memory_space<vmem>> -> memref<8x16xf32, #tpu.memory_space<vmem>>
        %dma_wait3A_628 = arith.constant 0 : i32
        %dma_wait3A_629 = arith.constant 0 : i32
        %dma_wait3A_630 = tpu.memref_slice %arg4[%dma_wait3A_613, %dma_wait3A_628, %dma_wait3A_629] : memref<125000x8x16xf32, #tpu.memory_space<hbm>> -> memref<1x8x16xf32, #tpu.memory_space<hbm>>
        %dma_wait3A_631 = tpu.memref_squeeze %dma_wait3A_630 : memref<1x8x16xf32, #tpu.memory_space<hbm>> -> memref<8x16xf32, #tpu.memory_space<hbm>>
        tpu.wait_dma2 semaphore(%arg12 : memref<!tpu.dma_semaphore, #tpu.memory_space<semaphore_mem>>) src(%dma_wait3A_631 : memref<8x16xf32, #tpu.memory_space<hbm>>) dst(%dma_wait3A_627 : memref<8x16xf32, #tpu.memory_space<vmem>>)
        %dma_wait3A_632 = arith.constant 0 : i32
        %dma_wait3A_633 = arith.constant 0 : i32
        %dma_wait3A_634 = arith.constant 25 : i32
        %dma_wait3A_635 = arith.constant 0 : i32
        %dma_wait3A_636 = arith.constant 0 : i32
        %dma_wait3A_637 = tpu.memref_slice %arg8[%dma_wait3A_633, %dma_wait3A_634, %dma_wait3A_635, %dma_wait3A_636] : memref<2x32x8x16xf32, #tpu.memory_space<vmem>> -> memref<1x1x8x16xf32, #tpu.memory_space<vmem>>
        %dma_wait3A_638 = tpu.memref_squeeze %dma_wait3A_637 : memref<1x1x8x16xf32, #tpu.memory_space<vmem>> -> memref<8x16xf32, #tpu.memory_space<vmem>>
        %dma_wait3A_639 = arith.constant 0 : i32
        %dma_wait3A_640 = arith.constant 0 : i32
        %dma_wait3A_641 = tpu.memref_slice %arg4[%dma_wait3A_632, %dma_wait3A_639, %dma_wait3A_640] : memref<125000x8x16xf32, #tpu.memory_space<hbm>> -> memref<1x8x16xf32, #tpu.memory_space<hbm>>
        %dma_wait3A_642 = tpu.memref_squeeze %dma_wait3A_641 : memref<1x8x16xf32, #tpu.memory_space<hbm>> -> memref<8x16xf32, #tpu.memory_space<hbm>>
        %dma_wait3A_643 = arith.constant 0 : i32
        %dma_wait3A_644 = arith.constant 0 : i32
        %dma_wait3A_645 = tpu.memref_slice %arg8[%dma_wait3A_633, %dma_wait3A_634, %dma_wait3A_643, %dma_wait3A_644] : memref<2x32x8x16xf32, #tpu.memory_space<vmem>> -> memref<1x1x8x16xf32, #tpu.memory_space<vmem>>
        %dma_wait3A_646 = tpu.memref_squeeze %dma_wait3A_645 : memref<1x1x8x16xf32, #tpu.memory_space<vmem>> -> memref<8x16xf32, #tpu.memory_space<vmem>>
        %dma_wait3A_647 = arith.constant 0 : i32
        %dma_wait3A_648 = arith.constant 0 : i32
        %dma_wait3A_649 = tpu.memref_slice %arg4[%dma_wait3A_632, %dma_wait3A_647, %dma_wait3A_648] : memref<125000x8x16xf32, #tpu.memory_space<hbm>> -> memref<1x8x16xf32, #tpu.memory_space<hbm>>
        %dma_wait3A_650 = tpu.memref_squeeze %dma_wait3A_649 : memref<1x8x16xf32, #tpu.memory_space<hbm>> -> memref<8x16xf32, #tpu.memory_space<hbm>>
        tpu.wait_dma2 semaphore(%arg12 : memref<!tpu.dma_semaphore, #tpu.memory_space<semaphore_mem>>) src(%dma_wait3A_650 : memref<8x16xf32, #tpu.memory_space<hbm>>) dst(%dma_wait3A_646 : memref<8x16xf32, #tpu.memory_space<vmem>>)
        %dma_wait3A_651 = arith.constant 0 : i32
        %dma_wait3A_652 = arith.constant 0 : i32
        %dma_wait3A_653 = arith.constant 26 : i32
        %dma_wait3A_654 = arith.constant 0 : i32
        %dma_wait3A_655 = arith.constant 0 : i32
        %dma_wait3A_656 = tpu.memref_slice %arg8[%dma_wait3A_652, %dma_wait3A_653, %dma_wait3A_654, %dma_wait3A_655] : memref<2x32x8x16xf32, #tpu.memory_space<vmem>> -> memref<1x1x8x16xf32, #tpu.memory_space<vmem>>
        %dma_wait3A_657 = tpu.memref_squeeze %dma_wait3A_656 : memref<1x1x8x16xf32, #tpu.memory_space<vmem>> -> memref<8x16xf32, #tpu.memory_space<vmem>>
        %dma_wait3A_658 = arith.constant 0 : i32
        %dma_wait3A_659 = arith.constant 0 : i32
        %dma_wait3A_660 = tpu.memref_slice %arg4[%dma_wait3A_651, %dma_wait3A_658, %dma_wait3A_659] : memref<125000x8x16xf32, #tpu.memory_space<hbm>> -> memref<1x8x16xf32, #tpu.memory_space<hbm>>
        %dma_wait3A_661 = tpu.memref_squeeze %dma_wait3A_660 : memref<1x8x16xf32, #tpu.memory_space<hbm>> -> memref<8x16xf32, #tpu.memory_space<hbm>>
        %dma_wait3A_662 = arith.constant 0 : i32
        %dma_wait3A_663 = arith.constant 0 : i32
        %dma_wait3A_664 = tpu.memref_slice %arg8[%dma_wait3A_652, %dma_wait3A_653, %dma_wait3A_662, %dma_wait3A_663] : memref<2x32x8x16xf32, #tpu.memory_space<vmem>> -> memref<1x1x8x16xf32, #tpu.memory_space<vmem>>
        %dma_wait3A_665 = tpu.memref_squeeze %dma_wait3A_664 : memref<1x1x8x16xf32, #tpu.memory_space<vmem>> -> memref<8x16xf32, #tpu.memory_space<vmem>>
        %dma_wait3A_666 = arith.constant 0 : i32
        %dma_wait3A_667 = arith.constant 0 : i32
        %dma_wait3A_668 = tpu.memref_slice %arg4[%dma_wait3A_651, %dma_wait3A_666, %dma_wait3A_667] : memref<125000x8x16xf32, #tpu.memory_space<hbm>> -> memref<1x8x16xf32, #tpu.memory_space<hbm>>
        %dma_wait3A_669 = tpu.memref_squeeze %dma_wait3A_668 : memref<1x8x16xf32, #tpu.memory_space<hbm>> -> memref<8x16xf32, #tpu.memory_space<hbm>>
        tpu.wait_dma2 semaphore(%arg12 : memref<!tpu.dma_semaphore, #tpu.memory_space<semaphore_mem>>) src(%dma_wait3A_669 : memref<8x16xf32, #tpu.memory_space<hbm>>) dst(%dma_wait3A_665 : memref<8x16xf32, #tpu.memory_space<vmem>>)
        %dma_wait3A_670 = arith.constant 0 : i32
        %dma_wait3A_671 = arith.constant 0 : i32
        %dma_wait3A_672 = arith.constant 27 : i32
        %dma_wait3A_673 = arith.constant 0 : i32
        %dma_wait3A_674 = arith.constant 0 : i32
        %dma_wait3A_675 = tpu.memref_slice %arg8[%dma_wait3A_671, %dma_wait3A_672, %dma_wait3A_673, %dma_wait3A_674] : memref<2x32x8x16xf32, #tpu.memory_space<vmem>> -> memref<1x1x8x16xf32, #tpu.memory_space<vmem>>
        %dma_wait3A_676 = tpu.memref_squeeze %dma_wait3A_675 : memref<1x1x8x16xf32, #tpu.memory_space<vmem>> -> memref<8x16xf32, #tpu.memory_space<vmem>>
        %dma_wait3A_677 = arith.constant 0 : i32
        %dma_wait3A_678 = arith.constant 0 : i32
        %dma_wait3A_679 = tpu.memref_slice %arg4[%dma_wait3A_670, %dma_wait3A_677, %dma_wait3A_678] : memref<125000x8x16xf32, #tpu.memory_space<hbm>> -> memref<1x8x16xf32, #tpu.memory_space<hbm>>
        %dma_wait3A_680 = tpu.memref_squeeze %dma_wait3A_679 : memref<1x8x16xf32, #tpu.memory_space<hbm>> -> memref<8x16xf32, #tpu.memory_space<hbm>>
        %dma_wait3A_681 = arith.constant 0 : i32
        %dma_wait3A_682 = arith.constant 0 : i32
        %dma_wait3A_683 = tpu.memref_slice %arg8[%dma_wait3A_671, %dma_wait3A_672, %dma_wait3A_681, %dma_wait3A_682] : memref<2x32x8x16xf32, #tpu.memory_space<vmem>> -> memref<1x1x8x16xf32, #tpu.memory_space<vmem>>
        %dma_wait3A_684 = tpu.memref_squeeze %dma_wait3A_683 : memref<1x1x8x16xf32, #tpu.memory_space<vmem>> -> memref<8x16xf32, #tpu.memory_space<vmem>>
        %dma_wait3A_685 = arith.constant 0 : i32
        %dma_wait3A_686 = arith.constant 0 : i32
        %dma_wait3A_687 = tpu.memref_slice %arg4[%dma_wait3A_670, %dma_wait3A_685, %dma_wait3A_686] : memref<125000x8x16xf32, #tpu.memory_space<hbm>> -> memref<1x8x16xf32, #tpu.memory_space<hbm>>
        %dma_wait3A_688 = tpu.memref_squeeze %dma_wait3A_687 : memref<1x8x16xf32, #tpu.memory_space<hbm>> -> memref<8x16xf32, #tpu.memory_space<hbm>>
        tpu.wait_dma2 semaphore(%arg12 : memref<!tpu.dma_semaphore, #tpu.memory_space<semaphore_mem>>) src(%dma_wait3A_688 : memref<8x16xf32, #tpu.memory_space<hbm>>) dst(%dma_wait3A_684 : memref<8x16xf32, #tpu.memory_space<vmem>>)
        %dma_wait3A_689 = arith.constant 0 : i32
        %dma_wait3A_690 = arith.constant 0 : i32
        %dma_wait3A_691 = arith.constant 28 : i32
        %dma_wait3A_692 = arith.constant 0 : i32
        %dma_wait3A_693 = arith.constant 0 : i32
        %dma_wait3A_694 = tpu.memref_slice %arg8[%dma_wait3A_690, %dma_wait3A_691, %dma_wait3A_692, %dma_wait3A_693] : memref<2x32x8x16xf32, #tpu.memory_space<vmem>> -> memref<1x1x8x16xf32, #tpu.memory_space<vmem>>
        %dma_wait3A_695 = tpu.memref_squeeze %dma_wait3A_694 : memref<1x1x8x16xf32, #tpu.memory_space<vmem>> -> memref<8x16xf32, #tpu.memory_space<vmem>>
        %dma_wait3A_696 = arith.constant 0 : i32
        %dma_wait3A_697 = arith.constant 0 : i32
        %dma_wait3A_698 = tpu.memref_slice %arg4[%dma_wait3A_689, %dma_wait3A_696, %dma_wait3A_697] : memref<125000x8x16xf32, #tpu.memory_space<hbm>> -> memref<1x8x16xf32, #tpu.memory_space<hbm>>
        %dma_wait3A_699 = tpu.memref_squeeze %dma_wait3A_698 : memref<1x8x16xf32, #tpu.memory_space<hbm>> -> memref<8x16xf32, #tpu.memory_space<hbm>>
        %dma_wait3A_700 = arith.constant 0 : i32
        %dma_wait3A_701 = arith.constant 0 : i32
        %dma_wait3A_702 = tpu.memref_slice %arg8[%dma_wait3A_690, %dma_wait3A_691, %dma_wait3A_700, %dma_wait3A_701] : memref<2x32x8x16xf32, #tpu.memory_space<vmem>> -> memref<1x1x8x16xf32, #tpu.memory_space<vmem>>
        %dma_wait3A_703 = tpu.memref_squeeze %dma_wait3A_702 : memref<1x1x8x16xf32, #tpu.memory_space<vmem>> -> memref<8x16xf32, #tpu.memory_space<vmem>>
        %dma_wait3A_704 = arith.constant 0 : i32
        %dma_wait3A_705 = arith.constant 0 : i32
        %dma_wait3A_706 = tpu.memref_slice %arg4[%dma_wait3A_689, %dma_wait3A_704, %dma_wait3A_705] : memref<125000x8x16xf32, #tpu.memory_space<hbm>> -> memref<1x8x16xf32, #tpu.memory_space<hbm>>
        %dma_wait3A_707 = tpu.memref_squeeze %dma_wait3A_706 : memref<1x8x16xf32, #tpu.memory_space<hbm>> -> memref<8x16xf32, #tpu.memory_space<hbm>>
        tpu.wait_dma2 semaphore(%arg12 : memref<!tpu.dma_semaphore, #tpu.memory_space<semaphore_mem>>) src(%dma_wait3A_707 : memref<8x16xf32, #tpu.memory_space<hbm>>) dst(%dma_wait3A_703 : memref<8x16xf32, #tpu.memory_space<vmem>>)
        %dma_wait3A_708 = arith.constant 0 : i32
        %dma_wait3A_709 = arith.constant 0 : i32
        %dma_wait3A_710 = arith.constant 29 : i32
        %dma_wait3A_711 = arith.constant 0 : i32
        %dma_wait3A_712 = arith.constant 0 : i32
        %dma_wait3A_713 = tpu.memref_slice %arg8[%dma_wait3A_709, %dma_wait3A_710, %dma_wait3A_711, %dma_wait3A_712] : memref<2x32x8x16xf32, #tpu.memory_space<vmem>> -> memref<1x1x8x16xf32, #tpu.memory_space<vmem>>
        %dma_wait3A_714 = tpu.memref_squeeze %dma_wait3A_713 : memref<1x1x8x16xf32, #tpu.memory_space<vmem>> -> memref<8x16xf32, #tpu.memory_space<vmem>>
        %dma_wait3A_715 = arith.constant 0 : i32
        %dma_wait3A_716 = arith.constant 0 : i32
        %dma_wait3A_717 = tpu.memref_slice %arg4[%dma_wait3A_708, %dma_wait3A_715, %dma_wait3A_716] : memref<125000x8x16xf32, #tpu.memory_space<hbm>> -> memref<1x8x16xf32, #tpu.memory_space<hbm>>
        %dma_wait3A_718 = tpu.memref_squeeze %dma_wait3A_717 : memref<1x8x16xf32, #tpu.memory_space<hbm>> -> memref<8x16xf32, #tpu.memory_space<hbm>>
        %dma_wait3A_719 = arith.constant 0 : i32
        %dma_wait3A_720 = arith.constant 0 : i32
        %dma_wait3A_721 = tpu.memref_slice %arg8[%dma_wait3A_709, %dma_wait3A_710, %dma_wait3A_719, %dma_wait3A_720] : memref<2x32x8x16xf32, #tpu.memory_space<vmem>> -> memref<1x1x8x16xf32, #tpu.memory_space<vmem>>
        %dma_wait3A_722 = tpu.memref_squeeze %dma_wait3A_721 : memref<1x1x8x16xf32, #tpu.memory_space<vmem>> -> memref<8x16xf32, #tpu.memory_space<vmem>>
        %dma_wait3A_723 = arith.constant 0 : i32
        %dma_wait3A_724 = arith.constant 0 : i32
        %dma_wait3A_725 = tpu.memref_slice %arg4[%dma_wait3A_708, %dma_wait3A_723, %dma_wait3A_724] : memref<125000x8x16xf32, #tpu.memory_space<hbm>> -> memref<1x8x16xf32, #tpu.memory_space<hbm>>
        %dma_wait3A_726 = tpu.memref_squeeze %dma_wait3A_725 : memref<1x8x16xf32, #tpu.memory_space<hbm>> -> memref<8x16xf32, #tpu.memory_space<hbm>>
        tpu.wait_dma2 semaphore(%arg12 : memref<!tpu.dma_semaphore, #tpu.memory_space<semaphore_mem>>) src(%dma_wait3A_726 : memref<8x16xf32, #tpu.memory_space<hbm>>) dst(%dma_wait3A_722 : memref<8x16xf32, #tpu.memory_space<vmem>>)
        %dma_wait3A_727 = arith.constant 0 : i32
        %dma_wait3A_728 = arith.constant 0 : i32
        %dma_wait3A_729 = arith.constant 30 : i32
        %dma_wait3A_730 = arith.constant 0 : i32
        %dma_wait3A_731 = arith.constant 0 : i32
        %dma_wait3A_732 = tpu.memref_slice %arg8[%dma_wait3A_728, %dma_wait3A_729, %dma_wait3A_730, %dma_wait3A_731] : memref<2x32x8x16xf32, #tpu.memory_space<vmem>> -> memref<1x1x8x16xf32, #tpu.memory_space<vmem>>
        %dma_wait3A_733 = tpu.memref_squeeze %dma_wait3A_732 : memref<1x1x8x16xf32, #tpu.memory_space<vmem>> -> memref<8x16xf32, #tpu.memory_space<vmem>>
        %dma_wait3A_734 = arith.constant 0 : i32
        %dma_wait3A_735 = arith.constant 0 : i32
        %dma_wait3A_736 = tpu.memref_slice %arg4[%dma_wait3A_727, %dma_wait3A_734, %dma_wait3A_735] : memref<125000x8x16xf32, #tpu.memory_space<hbm>> -> memref<1x8x16xf32, #tpu.memory_space<hbm>>
        %dma_wait3A_737 = tpu.memref_squeeze %dma_wait3A_736 : memref<1x8x16xf32, #tpu.memory_space<hbm>> -> memref<8x16xf32, #tpu.memory_space<hbm>>
        %dma_wait3A_738 = arith.constant 0 : i32
        %dma_wait3A_739 = arith.constant 0 : i32
        %dma_wait3A_740 = tpu.memref_slice %arg8[%dma_wait3A_728, %dma_wait3A_729, %dma_wait3A_738, %dma_wait3A_739] : memref<2x32x8x16xf32, #tpu.memory_space<vmem>> -> memref<1x1x8x16xf32, #tpu.memory_space<vmem>>
        %dma_wait3A_741 = tpu.memref_squeeze %dma_wait3A_740 : memref<1x1x8x16xf32, #tpu.memory_space<vmem>> -> memref<8x16xf32, #tpu.memory_space<vmem>>
        %dma_wait3A_742 = arith.constant 0 : i32
        %dma_wait3A_743 = arith.constant 0 : i32
        %dma_wait3A_744 = tpu.memref_slice %arg4[%dma_wait3A_727, %dma_wait3A_742, %dma_wait3A_743] : memref<125000x8x16xf32, #tpu.memory_space<hbm>> -> memref<1x8x16xf32, #tpu.memory_space<hbm>>
        %dma_wait3A_745 = tpu.memref_squeeze %dma_wait3A_744 : memref<1x8x16xf32, #tpu.memory_space<hbm>> -> memref<8x16xf32, #tpu.memory_space<hbm>>
        tpu.wait_dma2 semaphore(%arg12 : memref<!tpu.dma_semaphore, #tpu.memory_space<semaphore_mem>>) src(%dma_wait3A_745 : memref<8x16xf32, #tpu.memory_space<hbm>>) dst(%dma_wait3A_741 : memref<8x16xf32, #tpu.memory_space<vmem>>)
        %dma_wait3A_746 = arith.constant 0 : i32
        %dma_wait3A_747 = arith.constant 0 : i32
        %dma_wait3A_748 = arith.constant 31 : i32
        %dma_wait3A_749 = arith.constant 0 : i32
        %dma_wait3A_750 = arith.constant 0 : i32
        %dma_wait3A_751 = tpu.memref_slice %arg8[%dma_wait3A_747, %dma_wait3A_748, %dma_wait3A_749, %dma_wait3A_750] : memref<2x32x8x16xf32, #tpu.memory_space<vmem>> -> memref<1x1x8x16xf32, #tpu.memory_space<vmem>>
        %dma_wait3A_752 = tpu.memref_squeeze %dma_wait3A_751 : memref<1x1x8x16xf32, #tpu.memory_space<vmem>> -> memref<8x16xf32, #tpu.memory_space<vmem>>
        %dma_wait3A_753 = arith.constant 0 : i32
        %dma_wait3A_754 = arith.constant 0 : i32
        %dma_wait3A_755 = tpu.memref_slice %arg4[%dma_wait3A_746, %dma_wait3A_753, %dma_wait3A_754] : memref<125000x8x16xf32, #tpu.memory_space<hbm>> -> memref<1x8x16xf32, #tpu.memory_space<hbm>>
        %dma_wait3A_756 = tpu.memref_squeeze %dma_wait3A_755 : memref<1x8x16xf32, #tpu.memory_space<hbm>> -> memref<8x16xf32, #tpu.memory_space<hbm>>
        %dma_wait3A_757 = arith.constant 0 : i32
        %dma_wait3A_758 = arith.constant 0 : i32
        %dma_wait3A_759 = tpu.memref_slice %arg8[%dma_wait3A_747, %dma_wait3A_748, %dma_wait3A_757, %dma_wait3A_758] : memref<2x32x8x16xf32, #tpu.memory_space<vmem>> -> memref<1x1x8x16xf32, #tpu.memory_space<vmem>>
        %dma_wait3A_760 = tpu.memref_squeeze %dma_wait3A_759 : memref<1x1x8x16xf32, #tpu.memory_space<vmem>> -> memref<8x16xf32, #tpu.memory_space<vmem>>
        %dma_wait3A_761 = arith.constant 0 : i32
        %dma_wait3A_762 = arith.constant 0 : i32
        %dma_wait3A_763 = tpu.memref_slice %arg4[%dma_wait3A_746, %dma_wait3A_761, %dma_wait3A_762] : memref<125000x8x16xf32, #tpu.memory_space<hbm>> -> memref<1x8x16xf32, #tpu.memory_space<hbm>>
        %dma_wait3A_764 = tpu.memref_squeeze %dma_wait3A_763 : memref<1x8x16xf32, #tpu.memory_space<hbm>> -> memref<8x16xf32, #tpu.memory_space<hbm>>
        tpu.wait_dma2 semaphore(%arg12 : memref<!tpu.dma_semaphore, #tpu.memory_space<semaphore_mem>>) src(%dma_wait3A_764 : memref<8x16xf32, #tpu.memory_space<hbm>>) dst(%dma_wait3A_760 : memref<8x16xf32, #tpu.memory_space<vmem>>)
        %broadcast_in_dim3A = vector.broadcast %and3A_137 : i32 to vector<16xi32>
        %mul3A_765 = arith.constant 32 : i32
        %mul3A_766 = arith.muli %sub3A_135, %mul3A_765 : i32
        %add3A_767 = arith.constant 0 : i32
        %add3A_768 = arith.addi %mul3A_766, %add3A_767 : i32
        %get3A = arith.index_cast %add3A_768 : i32 to index
        %get3A_769 = tpu.vector_load %arg7[%get3A] {strides = array<i32>} : memref<512xi32, #tpu.memory_space<vmem>>, vector<16xi32>,
        %and3A_770 = arith.constant 7 : i32
        %and3A_771 = vector.broadcast %and3A_770 : i32 to vector<16xi32>
        %and3A_772 = arith.andi %get3A_769, %and3A_771 : vector<16xi32>
        %add3A_773 = arith.constant 0 : i32
        %add3A_774 = vector.broadcast %add3A_773 : i32 to vector<16xi32>
        %add3A_775 = arith.addi %iota3A, %add3A_774 : vector<16xi32>
        %add3A_776 = arith.constant 0 : i32
        %add3A_777 = vector.broadcast %add3A_776 : i32 to vector<16xi32>
        %add3A_778 = arith.addi %select_n3A_72, %add3A_777 : vector<16xi32>
        %mul3A_779 = arith.constant 32 : i32
        %mul3A_780 = arith.muli %sub3A_135, %mul3A_779 : i32
        %add3A_781 = arith.constant 0 : i32
        %add3A_782 = arith.addi %mul3A_780, %add3A_781 : i32
        %get3A_783 = arith.index_cast %add3A_782 : i32 to index
        %get3A_784 = tpu.vector_load %arg9[%get3A_783] {strides = array<i32>} : memref<512xf32, #tpu.memory_space<vmem>>, vector<16xf32>,
        %broadcast_in_dim3A_785 = arith.constant 0 : i32
        %broadcast_in_dim3A_786 = vector.broadcast %broadcast_in_dim3A_785 : i32 to vector<16xi32>
        %gather3A = tpu.vector_load_idx %arg10[%broadcast_in_dim3A, %add3A_778, %select_n3A_92, %broadcast_in_dim3A_786] : memref<2x4x8x16xf32, #tpu.memory_space<vmem>>[vector<16xi32>, vector<16xi32>, vector<16xi32>, vector<16xi32>], vector<16xf32>,
        %gather3A_787 = tpu.vector_load_idx %arg8[%broadcast_in_dim3A, %add3A_775, %and3A_772, %broadcast_in_dim3A_786] : memref<2x32x8x16xf32, #tpu.memory_space<vmem>>[vector<16xi32>, vector<16xi32>, vector<16xi32>, vector<16xi32>], vector<16xf32>,
        %mul3A_788 = arith.mulf %gather3A, %gather3A_787 : vector<16xf32>
        %add3A_789 = arith.addf %get3A_784, %mul3A_788 : vector<16xf32>
        %broadcast_in_dim3A_790 = arith.constant 1 : i32
        %broadcast_in_dim3A_791 = vector.broadcast %broadcast_in_dim3A_790 : i32 to vector<16xi32>
        %gather3A_792 = tpu.vector_load_idx %arg10[%broadcast_in_dim3A, %add3A_778, %select_n3A_92, %broadcast_in_dim3A_791] : memref<2x4x8x16xf32, #tpu.memory_space<vmem>>[vector<16xi32>, vector<16xi32>, vector<16xi32>, vector<16xi32>], vector<16xf32>,
        %gather3A_793 = tpu.vector_load_idx %arg8[%broadcast_in_dim3A, %add3A_775, %and3A_772, %broadcast_in_dim3A_791] : memref<2x32x8x16xf32, #tpu.memory_space<vmem>>[vector<16xi32>, vector<16xi32>, vector<16xi32>, vector<16xi32>], vector<16xf32>,
        %mul3A_794 = arith.mulf %gather3A_792, %gather3A_793 : vector<16xf32>
        %add3A_795 = arith.addf %add3A_789, %mul3A_794 : vector<16xf32>
        %broadcast_in_dim3A_796 = arith.constant 2 : i32
        %broadcast_in_dim3A_797 = vector.broadcast %broadcast_in_dim3A_796 : i32 to vector<16xi32>
        %gather3A_798 = tpu.vector_load_idx %arg10[%broadcast_in_dim3A, %add3A_778, %select_n3A_92, %broadcast_in_dim3A_797] : memref<2x4x8x16xf32, #tpu.memory_space<vmem>>[vector<16xi32>, vector<16xi32>, vector<16xi32>, vector<16xi32>], vector<16xf32>,
        %gather3A_799 = tpu.vector_load_idx %arg8[%broadcast_in_dim3A, %add3A_775, %and3A_772, %broadcast_in_dim3A_797] : memref<2x32x8x16xf32, #tpu.memory_space<vmem>>[vector<16xi32>, vector<16xi32>, vector<16xi32>, vector<16xi32>], vector<16xf32>,
        %mul3A_800 = arith.mulf %gather3A_798, %gather3A_799 : vector<16xf32>
        %add3A_801 = arith.addf %add3A_795, %mul3A_800 : vector<16xf32>
        %broadcast_in_dim3A_802 = arith.constant 3 : i32
        %broadcast_in_dim3A_803 = vector.broadcast %broadcast_in_dim3A_802 : i32 to vector<16xi32>
        %gather3A_804 = tpu.vector_load_idx %arg10[%broadcast_in_dim3A, %add3A_778, %select_n3A_92, %broadcast_in_dim3A_803] : memref<2x4x8x16xf32, #tpu.memory_space<vmem>>[vector<16xi32>, vector<16xi32>, vector<16xi32>, vector<16xi32>], vector<16xf32>,
        %gather3A_805 = tpu.vector_load_idx %arg8[%broadcast_in_dim3A, %add3A_775, %and3A_772, %broadcast_in_dim3A_803] : memref<2x32x8x16xf32, #tpu.memory_space<vmem>>[vector<16xi32>, vector<16xi32>, vector<16xi32>, vector<16xi32>], vector<16xf32>,
        %mul3A_806 = arith.mulf %gather3A_804, %gather3A_805 : vector<16xf32>
        %add3A_807 = arith.addf %add3A_801, %mul3A_806 : vector<16xf32>
        %broadcast_in_dim3A_808 = arith.constant 4 : i32
        %broadcast_in_dim3A_809 = vector.broadcast %broadcast_in_dim3A_808 : i32 to vector<16xi32>
        %gather3A_810 = tpu.vector_load_idx %arg10[%broadcast_in_dim3A, %add3A_778, %select_n3A_92, %broadcast_in_dim3A_809] : memref<2x4x8x16xf32, #tpu.memory_space<vmem>>[vector<16xi32>, vector<16xi32>, vector<16xi32>, vector<16xi32>], vector<16xf32>,
        %gather3A_811 = tpu.vector_load_idx %arg8[%broadcast_in_dim3A, %add3A_775, %and3A_772, %broadcast_in_dim3A_809] : memref<2x32x8x16xf32, #tpu.memory_space<vmem>>[vector<16xi32>, vector<16xi32>, vector<16xi32>, vector<16xi32>], vector<16xf32>,
        %mul3A_812 = arith.mulf %gather3A_810, %gather3A_811 : vector<16xf32>
        %add3A_813 = arith.addf %add3A_807, %mul3A_812 : vector<16xf32>
        %broadcast_in_dim3A_814 = arith.constant 5 : i32
        %broadcast_in_dim3A_815 = vector.broadcast %broadcast_in_dim3A_814 : i32 to vector<16xi32>
        %gather3A_816 = tpu.vector_load_idx %arg10[%broadcast_in_dim3A, %add3A_778, %select_n3A_92, %broadcast_in_dim3A_815] : memref<2x4x8x16xf32, #tpu.memory_space<vmem>>[vector<16xi32>, vector<16xi32>, vector<16xi32>, vector<16xi32>], vector<16xf32>,
        %gather3A_817 = tpu.vector_load_idx %arg8[%broadcast_in_dim3A, %add3A_775, %and3A_772, %broadcast_in_dim3A_815] : memref<2x32x8x16xf32, #tpu.memory_space<vmem>>[vector<16xi32>, vector<16xi32>, vector<16xi32>, vector<16xi32>], vector<16xf32>,
        %mul3A_818 = arith.mulf %gather3A_816, %gather3A_817 : vector<16xf32>
        %add3A_819 = arith.addf %add3A_813, %mul3A_818 : vector<16xf32>
        %broadcast_in_dim3A_820 = arith.constant 6 : i32
        %broadcast_in_dim3A_821 = vector.broadcast %broadcast_in_dim3A_820 : i32 to vector<16xi32>
        %gather3A_822 = tpu.vector_load_idx %arg10[%broadcast_in_dim3A, %add3A_778, %select_n3A_92, %broadcast_in_dim3A_821] : memref<2x4x8x16xf32, #tpu.memory_space<vmem>>[vector<16xi32>, vector<16xi32>, vector<16xi32>, vector<16xi32>], vector<16xf32>,
        %gather3A_823 = tpu.vector_load_idx %arg8[%broadcast_in_dim3A, %add3A_775, %and3A_772, %broadcast_in_dim3A_821] : memref<2x32x8x16xf32, #tpu.memory_space<vmem>>[vector<16xi32>, vector<16xi32>, vector<16xi32>, vector<16xi32>], vector<16xf32>,
        %mul3A_824 = arith.mulf %gather3A_822, %gather3A_823 : vector<16xf32>
        %add3A_825 = arith.addf %add3A_819, %mul3A_824 : vector<16xf32>
        %broadcast_in_dim3A_826 = arith.constant 7 : i32
        %broadcast_in_dim3A_827 = vector.broadcast %broadcast_in_dim3A_826 : i32 to vector<16xi32>
        %gather3A_828 = tpu.vector_load_idx %arg10[%broadcast_in_dim3A, %add3A_778, %select_n3A_92, %broadcast_in_dim3A_827] : memref<2x4x8x16xf32, #tpu.memory_space<vmem>>[vector<16xi32>, vector<16xi32>, vector<16xi32>, vector<16xi32>], vector<16xf32>,
        %gather3A_829 = tpu.vector_load_idx %arg8[%broadcast_in_dim3A, %add3A_775, %and3A_772, %broadcast_in_dim3A_827] : memref<2x32x8x16xf32, #tpu.memory_space<vmem>>[vector<16xi32>, vector<16xi32>, vector<16xi32>, vector<16xi32>], vector<16xf32>,
        %mul3A_830 = arith.mulf %gather3A_828, %gather3A_829 : vector<16xf32>
        %add3A_831 = arith.addf %add3A_825, %mul3A_830 : vector<16xf32>
        %broadcast_in_dim3A_832 = arith.constant 8 : i32
        %broadcast_in_dim3A_833 = vector.broadcast %broadcast_in_dim3A_832 : i32 to vector<16xi32>
        %gather3A_834 = tpu.vector_load_idx %arg10[%broadcast_in_dim3A, %add3A_778, %select_n3A_92, %broadcast_in_dim3A_833] : memref<2x4x8x16xf32, #tpu.memory_space<vmem>>[vector<16xi32>, vector<16xi32>, vector<16xi32>, vector<16xi32>], vector<16xf32>,
        %gather3A_835 = tpu.vector_load_idx %arg8[%broadcast_in_dim3A, %add3A_775, %and3A_772, %broadcast_in_dim3A_833] : memref<2x32x8x16xf32, #tpu.memory_space<vmem>>[vector<16xi32>, vector<16xi32>, vector<16xi32>, vector<16xi32>], vector<16xf32>,
        %mul3A_836 = arith.mulf %gather3A_834, %gather3A_835 : vector<16xf32>
        %add3A_837 = arith.addf %add3A_831, %mul3A_836 : vector<16xf32>
        %broadcast_in_dim3A_838 = arith.constant 9 : i32
        %broadcast_in_dim3A_839 = vector.broadcast %broadcast_in_dim3A_838 : i32 to vector<16xi32>
        %gather3A_840 = tpu.vector_load_idx %arg10[%broadcast_in_dim3A, %add3A_778, %select_n3A_92, %broadcast_in_dim3A_839] : memref<2x4x8x16xf32, #tpu.memory_space<vmem>>[vector<16xi32>, vector<16xi32>, vector<16xi32>, vector<16xi32>], vector<16xf32>,
        %gather3A_841 = tpu.vector_load_idx %arg8[%broadcast_in_dim3A, %add3A_775, %and3A_772, %broadcast_in_dim3A_839] : memref<2x32x8x16xf32, #tpu.memory_space<vmem>>[vector<16xi32>, vector<16xi32>, vector<16xi32>, vector<16xi32>], vector<16xf32>,
        %mul3A_842 = arith.mulf %gather3A_840, %gather3A_841 : vector<16xf32>
        %add3A_843 = arith.addf %add3A_837, %mul3A_842 : vector<16xf32>
        %broadcast_in_dim3A_844 = arith.constant 10 : i32
        %broadcast_in_dim3A_845 = vector.broadcast %broadcast_in_dim3A_844 : i32 to vector<16xi32>
        %gather3A_846 = tpu.vector_load_idx %arg10[%broadcast_in_dim3A, %add3A_778, %select_n3A_92, %broadcast_in_dim3A_845] : memref<2x4x8x16xf32, #tpu.memory_space<vmem>>[vector<16xi32>, vector<16xi32>, vector<16xi32>, vector<16xi32>], vector<16xf32>,
        %gather3A_847 = tpu.vector_load_idx %arg8[%broadcast_in_dim3A, %add3A_775, %and3A_772, %broadcast_in_dim3A_845] : memref<2x32x8x16xf32, #tpu.memory_space<vmem>>[vector<16xi32>, vector<16xi32>, vector<16xi32>, vector<16xi32>], vector<16xf32>,
        %mul3A_848 = arith.mulf %gather3A_846, %gather3A_847 : vector<16xf32>
        %add3A_849 = arith.addf %add3A_843, %mul3A_848 : vector<16xf32>
        %broadcast_in_dim3A_850 = arith.constant 11 : i32
        %broadcast_in_dim3A_851 = vector.broadcast %broadcast_in_dim3A_850 : i32 to vector<16xi32>
        %gather3A_852 = tpu.vector_load_idx %arg10[%broadcast_in_dim3A, %add3A_778, %select_n3A_92, %broadcast_in_dim3A_851] : memref<2x4x8x16xf32, #tpu.memory_space<vmem>>[vector<16xi32>, vector<16xi32>, vector<16xi32>, vector<16xi32>], vector<16xf32>,
        %gather3A_853 = tpu.vector_load_idx %arg8[%broadcast_in_dim3A, %add3A_775, %and3A_772, %broadcast_in_dim3A_851] : memref<2x32x8x16xf32, #tpu.memory_space<vmem>>[vector<16xi32>, vector<16xi32>, vector<16xi32>, vector<16xi32>], vector<16xf32>,
        %mul3A_854 = arith.mulf %gather3A_852, %gather3A_853 : vector<16xf32>
        %add3A_855 = arith.addf %add3A_849, %mul3A_854 : vector<16xf32>
        %broadcast_in_dim3A_856 = arith.constant 12 : i32
        %broadcast_in_dim3A_857 = vector.broadcast %broadcast_in_dim3A_856 : i32 to vector<16xi32>
        %gather3A_858 = tpu.vector_load_idx %arg10[%broadcast_in_dim3A, %add3A_778, %select_n3A_92, %broadcast_in_dim3A_857] : memref<2x4x8x16xf32, #tpu.memory_space<vmem>>[vector<16xi32>, vector<16xi32>, vector<16xi32>, vector<16xi32>], vector<16xf32>,
        %gather3A_859 = tpu.vector_load_idx %arg8[%broadcast_in_dim3A, %add3A_775, %and3A_772, %broadcast_in_dim3A_857] : memref<2x32x8x16xf32, #tpu.memory_space<vmem>>[vector<16xi32>, vector<16xi32>, vector<16xi32>, vector<16xi32>], vector<16xf32>,
        %mul3A_860 = arith.mulf %gather3A_858, %gather3A_859 : vector<16xf32>
        %add3A_861 = arith.addf %add3A_855, %mul3A_860 : vector<16xf32>
        %broadcast_in_dim3A_862 = arith.constant 13 : i32
        %broadcast_in_dim3A_863 = vector.broadcast %broadcast_in_dim3A_862 : i32 to vector<16xi32>
        %gather3A_864 = tpu.vector_load_idx %arg10[%broadcast_in_dim3A, %add3A_778, %select_n3A_92, %broadcast_in_dim3A_863] : memref<2x4x8x16xf32, #tpu.memory_space<vmem>>[vector<16xi32>, vector<16xi32>, vector<16xi32>, vector<16xi32>], vector<16xf32>,
        %gather3A_865 = tpu.vector_load_idx %arg8[%broadcast_in_dim3A, %add3A_775, %and3A_772, %broadcast_in_dim3A_863] : memref<2x32x8x16xf32, #tpu.memory_space<vmem>>[vector<16xi32>, vector<16xi32>, vector<16xi32>, vector<16xi32>], vector<16xf32>,
        %mul3A_866 = arith.mulf %gather3A_864, %gather3A_865 : vector<16xf32>
        %add3A_867 = arith.addf %add3A_861, %mul3A_866 : vector<16xf32>
        %broadcast_in_dim3A_868 = arith.constant 14 : i32
        %broadcast_in_dim3A_869 = vector.broadcast %broadcast_in_dim3A_868 : i32 to vector<16xi32>
        %gather3A_870 = tpu.vector_load_idx %arg10[%broadcast_in_dim3A, %add3A_778, %select_n3A_92, %broadcast_in_dim3A_869] : memref<2x4x8x16xf32, #tpu.memory_space<vmem>>[vector<16xi32>, vector<16xi32>, vector<16xi32>, vector<16xi32>], vector<16xf32>,
        %gather3A_871 = tpu.vector_load_idx %arg8[%broadcast_in_dim3A, %add3A_775, %and3A_772, %broadcast_in_dim3A_869] : memref<2x32x8x16xf32, #tpu.memory_space<vmem>>[vector<16xi32>, vector<16xi32>, vector<16xi32>, vector<16xi32>], vector<16xf32>,
        %mul3A_872 = arith.mulf %gather3A_870, %gather3A_871 : vector<16xf32>
        %add3A_873 = arith.addf %add3A_867, %mul3A_872 : vector<16xf32>
        %broadcast_in_dim3A_874 = arith.constant 15 : i32
        %broadcast_in_dim3A_875 = vector.broadcast %broadcast_in_dim3A_874 : i32 to vector<16xi32>
        %gather3A_876 = tpu.vector_load_idx %arg10[%broadcast_in_dim3A, %add3A_778, %select_n3A_92, %broadcast_in_dim3A_875] : memref<2x4x8x16xf32, #tpu.memory_space<vmem>>[vector<16xi32>, vector<16xi32>, vector<16xi32>, vector<16xi32>], vector<16xf32>,
        %gather3A_877 = tpu.vector_load_idx %arg8[%broadcast_in_dim3A, %add3A_775, %and3A_772, %broadcast_in_dim3A_875] : memref<2x32x8x16xf32, #tpu.memory_space<vmem>>[vector<16xi32>, vector<16xi32>, vector<16xi32>, vector<16xi32>], vector<16xf32>,
        %mul3A_878 = arith.mulf %gather3A_876, %gather3A_877 : vector<16xf32>
        %add3A_879 = arith.addf %add3A_873, %mul3A_878 : vector<16xf32>
        %mul3A_880 = arith.constant 32 : i32
        %mul3A_881 = arith.muli %sub3A_135, %mul3A_880 : i32
        %add3A_882 = arith.constant 0 : i32
        %add3A_883 = arith.addi %mul3A_881, %add3A_882 : i32
        %swap3A = arith.index_cast %add3A_883 : i32 to index
        %swap3A_884 = tpu.vector_load %arg11[%swap3A] {strides = array<i32>} : memref<512xf32, #tpu.memory_space<vmem>>, vector<16xf32>,
        tpu.vector_store %arg11[%swap3A], %add3A_879 {strides = array<i32>} : memref<512xf32, #tpu.memory_space<vmem>>, vector<16xf32>,
        %mul3A_885 = arith.constant 32 : i32
        %mul3A_886 = arith.muli %sub3A_135, %mul3A_885 : i32
        %add3A_887 = arith.constant 16 : i32
        %add3A_888 = arith.addi %mul3A_886, %add3A_887 : i32
        %get3A_889 = arith.index_cast %add3A_888 : i32 to index
        %get3A_890 = tpu.vector_load %arg7[%get3A_889] {strides = array<i32>} : memref<512xi32, #tpu.memory_space<vmem>>, vector<16xi32>,
        %and3A_891 = arith.constant 7 : i32
        %and3A_892 = vector.broadcast %and3A_891 : i32 to vector<16xi32>
        %and3A_893 = arith.andi %get3A_890, %and3A_892 : vector<16xi32>
        %add3A_894 = arith.constant 16 : i32
        %add3A_895 = vector.broadcast %add3A_894 : i32 to vector<16xi32>
        %add3A_896 = arith.addi %iota3A, %add3A_895 : vector<16xi32>
        %add3A_897 = arith.constant 2 : i32
        %add3A_898 = vector.broadcast %add3A_897 : i32 to vector<16xi32>
        %add3A_899 = arith.addi %select_n3A_72, %add3A_898 : vector<16xi32>
        %mul3A_900 = arith.constant 32 : i32
        %mul3A_901 = arith.muli %sub3A_135, %mul3A_900 : i32
        %add3A_902 = arith.constant 16 : i32
        %add3A_903 = arith.addi %mul3A_901, %add3A_902 : i32
        %get3A_904 = arith.index_cast %add3A_903 : i32 to index
        %get3A_905 = tpu.vector_load %arg9[%get3A_904] {strides = array<i32>} : memref<512xf32, #tpu.memory_space<vmem>>, vector<16xf32>,
        %broadcast_in_dim3A_906 = arith.constant 0 : i32
        %broadcast_in_dim3A_907 = vector.broadcast %broadcast_in_dim3A_906 : i32 to vector<16xi32>
        %gather3A_908 = tpu.vector_load_idx %arg10[%broadcast_in_dim3A, %add3A_899, %select_n3A_92, %broadcast_in_dim3A_907] : memref<2x4x8x16xf32, #tpu.memory_space<vmem>>[vector<16xi32>, vector<16xi32>, vector<16xi32>, vector<16xi32>], vector<16xf32>,
        %gather3A_909 = tpu.vector_load_idx %arg8[%broadcast_in_dim3A, %add3A_896, %and3A_893, %broadcast_in_dim3A_907] : memref<2x32x8x16xf32, #tpu.memory_space<vmem>>[vector<16xi32>, vector<16xi32>, vector<16xi32>, vector<16xi32>], vector<16xf32>,
        %mul3A_910 = arith.mulf %gather3A_908, %gather3A_909 : vector<16xf32>
        %add3A_911 = arith.addf %get3A_905, %mul3A_910 : vector<16xf32>
        %broadcast_in_dim3A_912 = arith.constant 1 : i32
        %broadcast_in_dim3A_913 = vector.broadcast %broadcast_in_dim3A_912 : i32 to vector<16xi32>
        %gather3A_914 = tpu.vector_load_idx %arg10[%broadcast_in_dim3A, %add3A_899, %select_n3A_92, %broadcast_in_dim3A_913] : memref<2x4x8x16xf32, #tpu.memory_space<vmem>>[vector<16xi32>, vector<16xi32>, vector<16xi32>, vector<16xi32>], vector<16xf32>,
        %gather3A_915 = tpu.vector_load_idx %arg8[%broadcast_in_dim3A, %add3A_896, %and3A_893, %broadcast_in_dim3A_913] : memref<2x32x8x16xf32, #tpu.memory_space<vmem>>[vector<16xi32>, vector<16xi32>, vector<16xi32>, vector<16xi32>], vector<16xf32>,
        %mul3A_916 = arith.mulf %gather3A_914, %gather3A_915 : vector<16xf32>
        %add3A_917 = arith.addf %add3A_911, %mul3A_916 : vector<16xf32>
        %broadcast_in_dim3A_918 = arith.constant 2 : i32
        %broadcast_in_dim3A_919 = vector.broadcast %broadcast_in_dim3A_918 : i32 to vector<16xi32>
        %gather3A_920 = tpu.vector_load_idx %arg10[%broadcast_in_dim3A, %add3A_899, %select_n3A_92, %broadcast_in_dim3A_919] : memref<2x4x8x16xf32, #tpu.memory_space<vmem>>[vector<16xi32>, vector<16xi32>, vector<16xi32>, vector<16xi32>], vector<16xf32>,
        %gather3A_921 = tpu.vector_load_idx %arg8[%broadcast_in_dim3A, %add3A_896, %and3A_893, %broadcast_in_dim3A_919] : memref<2x32x8x16xf32, #tpu.memory_space<vmem>>[vector<16xi32>, vector<16xi32>, vector<16xi32>, vector<16xi32>], vector<16xf32>,
        %mul3A_922 = arith.mulf %gather3A_920, %gather3A_921 : vector<16xf32>
        %add3A_923 = arith.addf %add3A_917, %mul3A_922 : vector<16xf32>
        %broadcast_in_dim3A_924 = arith.constant 3 : i32
        %broadcast_in_dim3A_925 = vector.broadcast %broadcast_in_dim3A_924 : i32 to vector<16xi32>
        %gather3A_926 = tpu.vector_load_idx %arg10[%broadcast_in_dim3A, %add3A_899, %select_n3A_92, %broadcast_in_dim3A_925] : memref<2x4x8x16xf32, #tpu.memory_space<vmem>>[vector<16xi32>, vector<16xi32>, vector<16xi32>, vector<16xi32>], vector<16xf32>,
        %gather3A_927 = tpu.vector_load_idx %arg8[%broadcast_in_dim3A, %add3A_896, %and3A_893, %broadcast_in_dim3A_925] : memref<2x32x8x16xf32, #tpu.memory_space<vmem>>[vector<16xi32>, vector<16xi32>, vector<16xi32>, vector<16xi32>], vector<16xf32>,
        %mul3A_928 = arith.mulf %gather3A_926, %gather3A_927 : vector<16xf32>
        %add3A_929 = arith.addf %add3A_923, %mul3A_928 : vector<16xf32>
        %broadcast_in_dim3A_930 = arith.constant 4 : i32
        %broadcast_in_dim3A_931 = vector.broadcast %broadcast_in_dim3A_930 : i32 to vector<16xi32>
        %gather3A_932 = tpu.vector_load_idx %arg10[%broadcast_in_dim3A, %add3A_899, %select_n3A_92, %broadcast_in_dim3A_931] : memref<2x4x8x16xf32, #tpu.memory_space<vmem>>[vector<16xi32>, vector<16xi32>, vector<16xi32>, vector<16xi32>], vector<16xf32>,
        %gather3A_933 = tpu.vector_load_idx %arg8[%broadcast_in_dim3A, %add3A_896, %and3A_893, %broadcast_in_dim3A_931] : memref<2x32x8x16xf32, #tpu.memory_space<vmem>>[vector<16xi32>, vector<16xi32>, vector<16xi32>, vector<16xi32>], vector<16xf32>,
        %mul3A_934 = arith.mulf %gather3A_932, %gather3A_933 : vector<16xf32>
        %add3A_935 = arith.addf %add3A_929, %mul3A_934 : vector<16xf32>
        %broadcast_in_dim3A_936 = arith.constant 5 : i32
        %broadcast_in_dim3A_937 = vector.broadcast %broadcast_in_dim3A_936 : i32 to vector<16xi32>
        %gather3A_938 = tpu.vector_load_idx %arg10[%broadcast_in_dim3A, %add3A_899, %select_n3A_92, %broadcast_in_dim3A_937] : memref<2x4x8x16xf32, #tpu.memory_space<vmem>>[vector<16xi32>, vector<16xi32>, vector<16xi32>, vector<16xi32>], vector<16xf32>,
        %gather3A_939 = tpu.vector_load_idx %arg8[%broadcast_in_dim3A, %add3A_896, %and3A_893, %broadcast_in_dim3A_937] : memref<2x32x8x16xf32, #tpu.memory_space<vmem>>[vector<16xi32>, vector<16xi32>, vector<16xi32>, vector<16xi32>], vector<16xf32>,
        %mul3A_940 = arith.mulf %gather3A_938, %gather3A_939 : vector<16xf32>
        %add3A_941 = arith.addf %add3A_935, %mul3A_940 : vector<16xf32>
        %broadcast_in_dim3A_942 = arith.constant 6 : i32
        %broadcast_in_dim3A_943 = vector.broadcast %broadcast_in_dim3A_942 : i32 to vector<16xi32>
        %gather3A_944 = tpu.vector_load_idx %arg10[%broadcast_in_dim3A, %add3A_899, %select_n3A_92, %broadcast_in_dim3A_943] : memref<2x4x8x16xf32, #tpu.memory_space<vmem>>[vector<16xi32>, vector<16xi32>, vector<16xi32>, vector<16xi32>], vector<16xf32>,
        %gather3A_945 = tpu.vector_load_idx %arg8[%broadcast_in_dim3A, %add3A_896, %and3A_893, %broadcast_in_dim3A_943] : memref<2x32x8x16xf32, #tpu.memory_space<vmem>>[vector<16xi32>, vector<16xi32>, vector<16xi32>, vector<16xi32>], vector<16xf32>,
        %mul3A_946 = arith.mulf %gather3A_944, %gather3A_945 : vector<16xf32>
        %add3A_947 = arith.addf %add3A_941, %mul3A_946 : vector<16xf32>
        %broadcast_in_dim3A_948 = arith.constant 7 : i32
        %broadcast_in_dim3A_949 = vector.broadcast %broadcast_in_dim3A_948 : i32 to vector<16xi32>
        %gather3A_950 = tpu.vector_load_idx %arg10[%broadcast_in_dim3A, %add3A_899, %select_n3A_92, %broadcast_in_dim3A_949] : memref<2x4x8x16xf32, #tpu.memory_space<vmem>>[vector<16xi32>, vector<16xi32>, vector<16xi32>, vector<16xi32>], vector<16xf32>,
        %gather3A_951 = tpu.vector_load_idx %arg8[%broadcast_in_dim3A, %add3A_896, %and3A_893, %broadcast_in_dim3A_949] : memref<2x32x8x16xf32, #tpu.memory_space<vmem>>[vector<16xi32>, vector<16xi32>, vector<16xi32>, vector<16xi32>], vector<16xf32>,
        %mul3A_952 = arith.mulf %gather3A_950, %gather3A_951 : vector<16xf32>
        %add3A_953 = arith.addf %add3A_947, %mul3A_952 : vector<16xf32>
        %broadcast_in_dim3A_954 = arith.constant 8 : i32
        %broadcast_in_dim3A_955 = vector.broadcast %broadcast_in_dim3A_954 : i32 to vector<16xi32>
        %gather3A_956 = tpu.vector_load_idx %arg10[%broadcast_in_dim3A, %add3A_899, %select_n3A_92, %broadcast_in_dim3A_955] : memref<2x4x8x16xf32, #tpu.memory_space<vmem>>[vector<16xi32>, vector<16xi32>, vector<16xi32>, vector<16xi32>], vector<16xf32>,
        %gather3A_957 = tpu.vector_load_idx %arg8[%broadcast_in_dim3A, %add3A_896, %and3A_893, %broadcast_in_dim3A_955] : memref<2x32x8x16xf32, #tpu.memory_space<vmem>>[vector<16xi32>, vector<16xi32>, vector<16xi32>, vector<16xi32>], vector<16xf32>,
        %mul3A_958 = arith.mulf %gather3A_956, %gather3A_957 : vector<16xf32>
        %add3A_959 = arith.addf %add3A_953, %mul3A_958 : vector<16xf32>
        %broadcast_in_dim3A_960 = arith.constant 9 : i32
        %broadcast_in_dim3A_961 = vector.broadcast %broadcast_in_dim3A_960 : i32 to vector<16xi32>
        %gather3A_962 = tpu.vector_load_idx %arg10[%broadcast_in_dim3A, %add3A_899, %select_n3A_92, %broadcast_in_dim3A_961] : memref<2x4x8x16xf32, #tpu.memory_space<vmem>>[vector<16xi32>, vector<16xi32>, vector<16xi32>, vector<16xi32>], vector<16xf32>,
        %gather3A_963 = tpu.vector_load_idx %arg8[%broadcast_in_dim3A, %add3A_896, %and3A_893, %broadcast_in_dim3A_961] : memref<2x32x8x16xf32, #tpu.memory_space<vmem>>[vector<16xi32>, vector<16xi32>, vector<16xi32>, vector<16xi32>], vector<16xf32>,
        %mul3A_964 = arith.mulf %gather3A_962, %gather3A_963 : vector<16xf32>
        %add3A_965 = arith.addf %add3A_959, %mul3A_964 : vector<16xf32>
        %broadcast_in_dim3A_966 = arith.constant 10 : i32
        %broadcast_in_dim3A_967 = vector.broadcast %broadcast_in_dim3A_966 : i32 to vector<16xi32>
        %gather3A_968 = tpu.vector_load_idx %arg10[%broadcast_in_dim3A, %add3A_899, %select_n3A_92, %broadcast_in_dim3A_967] : memref<2x4x8x16xf32, #tpu.memory_space<vmem>>[vector<16xi32>, vector<16xi32>, vector<16xi32>, vector<16xi32>], vector<16xf32>,
        %gather3A_969 = tpu.vector_load_idx %arg8[%broadcast_in_dim3A, %add3A_896, %and3A_893, %broadcast_in_dim3A_967] : memref<2x32x8x16xf32, #tpu.memory_space<vmem>>[vector<16xi32>, vector<16xi32>, vector<16xi32>, vector<16xi32>], vector<16xf32>,
        %mul3A_970 = arith.mulf %gather3A_968, %gather3A_969 : vector<16xf32>
        %add3A_971 = arith.addf %add3A_965, %mul3A_970 : vector<16xf32>
        %broadcast_in_dim3A_972 = arith.constant 11 : i32
        %broadcast_in_dim3A_973 = vector.broadcast %broadcast_in_dim3A_972 : i32 to vector<16xi32>
        %gather3A_974 = tpu.vector_load_idx %arg10[%broadcast_in_dim3A, %add3A_899, %select_n3A_92, %broadcast_in_dim3A_973] : memref<2x4x8x16xf32, #tpu.memory_space<vmem>>[vector<16xi32>, vector<16xi32>, vector<16xi32>, vector<16xi32>], vector<16xf32>,
        %gather3A_975 = tpu.vector_load_idx %arg8[%broadcast_in_dim3A, %add3A_896, %and3A_893, %broadcast_in_dim3A_973] : memref<2x32x8x16xf32, #tpu.memory_space<vmem>>[vector<16xi32>, vector<16xi32>, vector<16xi32>, vector<16xi32>], vector<16xf32>,
        %mul3A_976 = arith.mulf %gather3A_974, %gather3A_975 : vector<16xf32>
        %add3A_977 = arith.addf %add3A_971, %mul3A_976 : vector<16xf32>
        %broadcast_in_dim3A_978 = arith.constant 12 : i32
        %broadcast_in_dim3A_979 = vector.broadcast %broadcast_in_dim3A_978 : i32 to vector<16xi32>
        %gather3A_980 = tpu.vector_load_idx %arg10[%broadcast_in_dim3A, %add3A_899, %select_n3A_92, %broadcast_in_dim3A_979] : memref<2x4x8x16xf32, #tpu.memory_space<vmem>>[vector<16xi32>, vector<16xi32>, vector<16xi32>, vector<16xi32>], vector<16xf32>,
        %gather3A_981 = tpu.vector_load_idx %arg8[%broadcast_in_dim3A, %add3A_896, %and3A_893, %broadcast_in_dim3A_979] : memref<2x32x8x16xf32, #tpu.memory_space<vmem>>[vector<16xi32>, vector<16xi32>, vector<16xi32>, vector<16xi32>], vector<16xf32>,
        %mul3A_982 = arith.mulf %gather3A_980, %gather3A_981 : vector<16xf32>
        %add3A_983 = arith.addf %add3A_977, %mul3A_982 : vector<16xf32>
        %broadcast_in_dim3A_984 = arith.constant 13 : i32
        %broadcast_in_dim3A_985 = vector.broadcast %broadcast_in_dim3A_984 : i32 to vector<16xi32>
        %gather3A_986 = tpu.vector_load_idx %arg10[%broadcast_in_dim3A, %add3A_899, %select_n3A_92, %broadcast_in_dim3A_985] : memref<2x4x8x16xf32, #tpu.memory_space<vmem>>[vector<16xi32>, vector<16xi32>, vector<16xi32>, vector<16xi32>], vector<16xf32>,
        %gather3A_987 = tpu.vector_load_idx %arg8[%broadcast_in_dim3A, %add3A_896, %and3A_893, %broadcast_in_dim3A_985] : memref<2x32x8x16xf32, #tpu.memory_space<vmem>>[vector<16xi32>, vector<16xi32>, vector<16xi32>, vector<16xi32>], vector<16xf32>,
        %mul3A_988 = arith.mulf %gather3A_986, %gather3A_987 : vector<16xf32>
        %add3A_989 = arith.addf %add3A_983, %mul3A_988 : vector<16xf32>
        %broadcast_in_dim3A_990 = arith.constant 14 : i32
        %broadcast_in_dim3A_991 = vector.broadcast %broadcast_in_dim3A_990 : i32 to vector<16xi32>
        %gather3A_992 = tpu.vector_load_idx %arg10[%broadcast_in_dim3A, %add3A_899, %select_n3A_92, %broadcast_in_dim3A_991] : memref<2x4x8x16xf32, #tpu.memory_space<vmem>>[vector<16xi32>, vector<16xi32>, vector<16xi32>, vector<16xi32>], vector<16xf32>,
        %gather3A_993 = tpu.vector_load_idx %arg8[%broadcast_in_dim3A, %add3A_896, %and3A_893, %broadcast_in_dim3A_991] : memref<2x32x8x16xf32, #tpu.memory_space<vmem>>[vector<16xi32>, vector<16xi32>, vector<16xi32>, vector<16xi32>], vector<16xf32>,
        %mul3A_994 = arith.mulf %gather3A_992, %gather3A_993 : vector<16xf32>
        %add3A_995 = arith.addf %add3A_989, %mul3A_994 : vector<16xf32>
        %broadcast_in_dim3A_996 = arith.constant 15 : i32
        %broadcast_in_dim3A_997 = vector.broadcast %broadcast_in_dim3A_996 : i32 to vector<16xi32>
        %gather3A_998 = tpu.vector_load_idx %arg10[%broadcast_in_dim3A, %add3A_899, %select_n3A_92, %broadcast_in_dim3A_997] : memref<2x4x8x16xf32, #tpu.memory_space<vmem>>[vector<16xi32>, vector<16xi32>, vector<16xi32>, vector<16xi32>], vector<16xf32>,
        %gather3A_999 = tpu.vector_load_idx %arg8[%broadcast_in_dim3A, %add3A_896, %and3A_893, %broadcast_in_dim3A_997] : memref<2x32x8x16xf32, #tpu.memory_space<vmem>>[vector<16xi32>, vector<16xi32>, vector<16xi32>, vector<16xi32>], vector<16xf32>,
        %mul3A_1000 = arith.mulf %gather3A_998, %gather3A_999 : vector<16xf32>
        %add3A_1001 = arith.addf %add3A_995, %mul3A_1000 : vector<16xf32>
        %mul3A_1002 = arith.constant 32 : i32
        %mul3A_1003 = arith.muli %sub3A_135, %mul3A_1002 : i32
        %add3A_1004 = arith.constant 16 : i32
        %add3A_1005 = arith.addi %mul3A_1003, %add3A_1004 : i32
        %swap3A_1006 = arith.index_cast %add3A_1005 : i32 to index
        %swap3A_1007 = tpu.vector_load %arg11[%swap3A_1006] {strides = array<i32>} : memref<512xf32, #tpu.memory_space<vmem>>, vector<16xf32>,
        tpu.vector_store %arg11[%swap3A_1006], %add3A_1001 {strides = array<i32>} : memref<512xf32, #tpu.memory_space<vmem>>, vector<16xf32>,
      } else {
      }
      %scan3A_133 = arith.constant 0 : i32
      scf.yield %scan3A_133 : i32
    }
    %scan3A_121 = arith.constant 17 : i32
    "tpu.region"() ({
      %run_scoped3A = tpu.sem_alloc : memref<!tpu.dma_semaphore, #tpu.memory_space<semaphore_mem>>
      %dma_start3A_122 = tpu.memref_slice %arg6[%mul3A_2] : memref<16384xf32, #tpu.memory_space<hbm>> -> memref<512xf32, #tpu.memory_space<hbm>>
      %dma_start3A_123 = tpu.memref_slice %arg6[%mul3A_2] : memref<16384xf32, #tpu.memory_space<hbm>> -> memref<512xf32, #tpu.memory_space<hbm>>
      tpu.enqueue_dma source(%arg11 : memref<512xf32, #tpu.memory_space<vmem>>) target(%dma_start3A_123 : memref<512xf32, #tpu.memory_space<hbm>>) target_semaphore(%run_scoped3A : memref<!tpu.dma_semaphore, #tpu.memory_space<semaphore_mem>>)
      %dma_wait3A_124 = tpu.memref_slice %arg6[%mul3A_2] : memref<16384xf32, #tpu.memory_space<hbm>> -> memref<512xf32, #tpu.memory_space<hbm>>
      %dma_wait3A_125 = tpu.memref_slice %arg6[%mul3A_2] : memref<16384xf32, #tpu.memory_space<hbm>> -> memref<512xf32, #tpu.memory_space<hbm>>
      tpu.wait_dma2 semaphore(%run_scoped3A : memref<!tpu.dma_semaphore, #tpu.memory_space<semaphore_mem>>) src(%arg11 : memref<512xf32, #tpu.memory_space<vmem>>) dst(%dma_wait3A_125 : memref<512xf32, #tpu.memory_space<hbm>>)
      tpu.yield
    }) : () -> ()
    return
  }
}

</mosaic_0001>

<sc_bundles>
// kernel: _rand_effect.3.cloned.1.call-start
scs
__scs_entry_jumppad:
0x0: {  	(pc) =	sbr.rel $0x88, $3  }
0x1: {  	(tag) =	ssettag $0x0;
	lr =	simm.s32 $0x1  }
0x2: {  	[smem:$0x3F9D] =	sst lr;
	_ =	strace $0xD0000000  }
0x3: {  	_ = 	snop  }
0x4: {  	_ = 	snop  }
0x5: {  	_ = 	snop  }
0x6: {  	_ = 	snop  }
0x7: {  	_ = 	snop  }
__scs_overlays_trampoline_lowered:
0x8: {  	[smem:$0x3FAC] =	sst s0  }
0x9: {  	[smem:$0x3FAD] =	sst s1  }
0xa: {  	[smem:$0x3FAE] =	sst s2  }
0xb: {  	[smem:$0x3FAF] =	sst s3  }
0xc: {  	[smem:$0x3FB0] =	sst s4  }
0xd: {  	[smem:$0x3FB1] =	sst s5  }
0xe: {  	[smem:$0x3FB2] =	sst s6  }
0xf: {  	[smem:$0x3FB3] =	sst s7  }
0x10: {  	[smem:$0x3FB4] =	sst s8  }
0x11: {  	[smem:$0x3FB5] =	sst s9;
	s0 =	simm.s32 @!p0 $0x0  }
0x12: {  	s1 =	sld [smem:$0x3F9B];
	s0 =	simm.s32 @p0 $0x1  }
0x13: {  	[smem:$0x3FB6] =	sst s0;
	s0 =	simm.s32 @!p1 $0x0  }
0x14: {  	s2 =	sld [smem:$0x3F9A];
	s0 =	simm.s32 @p1 $0x1  }
0x15: {  	[smem:$0x3FB7] =	sst s0;
	s0 =	simm.s32 @!p2 $0x0  }
0x16: {  	s3 =	sld [smem:$0x3FDB];
	s0 =	simm.s32 @p2 $0x1  }
0x17: {  	s4 =	simm.s32 $0x1BF5;
	[smem:$0x3FB9] =	sst s0  }
0x18: {  	s0 =	sld [smem:$0x3F9C];
	_ =	swait.ge [sflag:s4], $0x0  }
0x19: {  	s7 =	sld [smem:$0x3F9D]  }
0x1a: {  	s8 =	sadd.s32 $0xFFFFE003, lr  }
0x1b: {  	s9 =	sadd.s32 $0xFFFFFEF7, lr;
	s5 =	simm.s32 $0xFFFFFFFF;
	p2 =	slt.u32 s8, $0xFFFFF086  }
0x1c: {  	p1 =	slt.u32 s9, $0xF7A;
	s5 =	simm.s32 @!p2 $0x0  }
0x1d: {  	s5 =	simm.s32 @p1 $0x1;
	p0 =	seq.s32 s7, s2  }
0x1e: {  	s7 =	smul.u32 @!p0 $0xF7A, s2;
	p2 =	seq.s32 @!p0 s5, $0x0  }
0x1f: {  	s9 =	smul.u32 $0xF7A, s1;
	s8 =	simm.s32 @!p0 $0x1BF5;
	p2 =	por !p2, p0  }
0x20: {  	[sflag:s8] =	ssyncset.s32 @!p0 $0xFFFFF086;
	s6 =	sadd.s32 @!p0 s3, s7;
	s7 =	simm.s32 @!p0 $0x108  }
0x21: {  	s3 =	sadd.s32 s3, s9;
	s6 =	sadd.s32 @!p0 $0x88, s6;
	s7 =	simm.s32 @p2 $0x1082  }
0x22: {  	[simem:s7], [sflag:s8] =	dma.local @!p0 [hbm:s6], $0xF7A  }
0x23: {  	s9 =	sor.u32 $0xD0000000, s2;
	s6 =	simm.s32 $0x108;
	_ =	swait.ge @!p0 [sflag:s8], $0x0  }
0x24: {  	s3 =	sadd.s32 $0x88, s3;
	s6 =	simm.s32 @!p1 $0x1082;
	[sflag:s4] =	ssyncset.s32 $0xFFFFF086  }
0x25: {  	[simem:s6], [sflag:s4] =	dma.local [hbm:s3], $0xF7A  }
0x26: {  	[smem:$0x3F9D] =	sst s1;
	(tag) =	ssettag s2;
	_ =	strace s9  }
0x27: {  	s1 =	sld [smem:$0x3FAD]  }
0x28: {  	s2 =	sld [smem:$0x3FAE]  }
0x29: {  	s4 =	sld [smem:$0x3FB0]  }
0x2a: {  	p0 =	seq.s32 s5, $0x0;
	s5 =	sld [smem:$0x3FB1]  }
0x2b: {  	s6 =	sld [smem:$0x3FB2]  }
0x2c: {  	s7 =	sld [smem:$0x3FB3]  }
0x2d: {  	s3 =	simm.s32 $0x108;
	s8 =	sld [smem:$0x3FB4]  }
0x2e: {  	s3 =	simm.s32 @!p0 $0x1082;
	s9 =	sld [smem:$0x3FB5]  }
0x2f: {  	lr =	sadd.s32 s0, s3;
	s0 =	sld [smem:$0x3FAC]  }
0x30: {  	s3 =	sld [smem:$0x3FAF]  }
0x31: {  	[smem:$0x3FB8] =	sst s10  }
0x32: {  	s10 =	sld [smem:$0x3FB6];
	_ =	sdelay $0x3  }
0x33: {  	p0 =	seq.s32 s10, $0x1;
	s10 =	sld [smem:$0x3FB8];
	_ =	sdelay $0x3  }
0x34: {  	[smem:$0x3FB8] =	sst s10  }
0x35: {  	s10 =	sld [smem:$0x3FB7];
	_ =	sdelay $0x3  }
0x36: {  	p1 =	seq.s32 s10, $0x1;
	s10 =	sld [smem:$0x3FB8];
	_ =	sdelay $0x3  }
0x37: {  	[smem:$0x3FB8] =	sst s10  }
0x38: {  	s10 =	sld [smem:$0x3FB9]  }
0x39: {  	_ = 	snop;
	(pc) =	sbr.ind lr, $3  }
0x3a: {  	_ = 	snop  }
0x3b: {  	_ = 	snop  }
0x3c: {  	p2 =	seq.s32 s10, $0x1;
	s10 =	sld [smem:$0x3FB8]  }
0x3d: {  	_ =	shalt  }
0x3e: {  	_ =	shalt  }
0x3f: {  	_ =	shalt  }
0x40: {  	_ =	shalt  }
0x41: {  	_ =	shalt  }
0x42: {  	_ =	shalt  }
0x43: {  	_ =	shalt  }
0x44: {  	_ =	shalt  }
0x45: {  	_ =	shalt  }
0x46: {  	_ =	shalt  }
0x47: {  	_ =	shalt  }
0x48: {  	_ =	shalt  }
0x49: {  	_ =	shalt  }
0x4a: {  	_ =	shalt  }
0x4b: {  	_ =	shalt  }
0x4c: {  	_ =	shalt  }
0x4d: {  	_ =	shalt  }
0x4e: {  	_ =	shalt  }
0x4f: {  	_ =	shalt  }
0x50: {  	_ =	shalt  }
0x51: {  	_ =	shalt  }
0x52: {  	_ =	shalt  }
0x53: {  	_ =	shalt  }
0x54: {  	_ =	shalt  }
0x55: {  	_ =	shalt  }
0x56: {  	_ =	shalt  }
0x57: {  	_ =	shalt  }
0x58: {  	_ =	shalt  }
0x59: {  	_ =	shalt  }
0x5a: {  	_ =	shalt  }
0x5b: {  	_ =	shalt  }
0x5c: {  	_ =	shalt  }
0x5d: {  	_ =	shalt  }
0x5e: {  	_ =	shalt  }
0x5f: {  	_ =	shalt  }
0x60: {  	_ =	shalt  }
0x61: {  	_ =	shalt  }
0x62: {  	_ =	shalt  }
0x63: {  	_ =	shalt  }
0x64: {  	_ =	shalt  }
0x65: {  	_ =	shalt  }
0x66: {  	_ =	shalt  }
0x67: {  	_ =	shalt  }
0x68: {  	_ =	shalt  }
0x69: {  	_ =	shalt  }
0x6a: {  	_ =	shalt  }
0x6b: {  	_ =	shalt  }
0x6c: {  	_ =	shalt  }
0x6d: {  	_ =	shalt  }
0x6e: {  	_ =	shalt  }
0x6f: {  	_ =	shalt  }
0x70: {  	_ =	shalt  }
0x71: {  	_ =	shalt  }
0x72: {  	_ =	shalt  }
0x73: {  	_ =	shalt  }
0x74: {  	_ =	shalt  }
0x75: {  	_ =	shalt  }
0x76: {  	_ =	shalt  }
0x77: {  	_ =	shalt  }
0x78: {  	_ =	shalt  }
0x79: {  	_ =	shalt  }
0x7a: {  	_ =	shalt  }
0x7b: {  	_ =	shalt  }
0x7c: {  	_ =	shalt  }
0x7d: {  	_ =	shalt  }
0x7e: {  	_ =	shalt  }
0x7f: {  	_ =	shalt  }
0x80: {  	_ =	shalt  }
0x81: {  	_ =	shalt  }
0x82: {  	_ =	shalt  }
0x83: {  	_ =	shalt  }
0x84: {  	_ =	shalt  }
0x85: {  	_ =	shalt  }
0x86: {  	_ =	shalt  }
0x87: {  	_ =	shalt  }
.Lfunc_end0:
.L_simem_size_0:
called_computation_lowered:
.L_overlay_start_0:
0x88: {  	s2 =	sld [smem:$0x3FD9]  }
0x89: {  	s3 =	sld [smem:$0x3FFE];
	_ =	sdelay $0x1  }
0x8a: {  	s1 =	srdreg.scid  }
0x8b: {  	s0 =	sand.u32 $0x1, s1  }
0x8c: {  	s17 =	sshll.u32 s0, $0xA;
	s2 =	sadd.s32 s3, s2  }
0x8d: {  	s2 =	sadd.s32 s2, s17  }
0x8e: {  	[smem:$0x3FC4] =	sst s2  }
0x8f: {  	_ = 	snop  }
0x90: {  	s2 =	sld [smem:$0x3FC8]  }
0x91: {  	s18 =	sld [smem:$0x3FC6]  }
0x92: {  	s4 =	sld [smem:$0x3FD0];
	(tm) =	ssettm $0x1  }
0x93: {  	s5 =	sld [smem:$0x3FFB];
	_ =	sdelay $0x3  }
0x94: {  	_ =	strace s5  }
0x95: {  	s5 =	sld [smem:$0x3FFC];
	_ =	sdelay $0x3  }
0x96: {  	_ =	strace s5  }
0x97: {  	s5 =	sld [smem:$0x3FFD];
	_ =	sdelay $0x3  }
0x98: {  	_ =	strace s5  }
0x99: {  	_ =	strace $0x8FFFFFFF  }
0x9a: {  	s19 =	sld [smem:$0x3FDB];
	_ =	sdelay $0x1  }
0x9b: {  	s6 =	simm.s32 $_scs_section_size  }
0x9c: {  	s7 =	simm.s32 $_size__tile_overlayer_lowered;
	s8 =	simm.s32 $_tile_overlayer_lowered  }
0x9d: {  	s22 =	simm.s32 $0x1BFF;
	s21 =	sshll.u32 s8, $0x1;
	s5 =	sadd.s32 s6, s19  }
0x9e: {  	s9 =	simm.s32 $0x0;
	s20 =	sshll.u32 s7, $0x1;
	s7 =	sadd.s32 s21, s5  }
0x9f: {  	[timem:s9], [sflag:s22] =	dma.local [hbm:s7], s20  }
0xa0: {  	_ =	swait.ge [sflag:s22], s20  }
0xa1: {  	s6 =	ssub.s32 $0x0, s20;
	[sflag:s22] =	ssyncset.done $0x0  }
0xa2: {  	[sflag:s22] =	ssyncadd.s32 s6;
	_ =	sdelay $0x1  }
0xa3: {  	s23 =	simm.s32 $0x1B8B  }
0xa4: {  	_ =	swait.ge [sflag:s23], $0x1  }
0xa5: {  	[sflag:s23] =	ssyncset.done $0x0  }
0xa6: {  	s25 =	simm.s32 $0x1B8E;
	s24 =	sld [smem:$0x3FFE];
	[sflag:s23] =	ssyncadd.s32 $0xFFFFFFFF  }
0xa7: {  	s26 =	simm.s32 $execute0_lowered;
	[smem:$0x3FD2] =	sst s25  }
0xa8: {  	s7 =	sshll.u32 s26, $0x1;
	_ =	strace $0x80000046;
	[dreg:$0x1] =	wrdreg $0xFFFFFFFF  }
0xa9: {  	s28 =	simm.s32 $_size_execute0_lowered;
	s5 =	sadd.s32 s5, s7;
	[dreg:$0x0] =	wrdreg $0x0  }
0xaa: {  	s7 =	sshll.u32 s28, $0x1;
	[dreg:$0x2] =	wrdreg s5  }
0xab: {  	[dreg:$0x3] =	wrdreg s7  }
0xac: {  	[dreg:$0x4] =	wrdreg $0xC0  }
0xad: {  	_ =	task [dreg:s9], $0x5FFFF  }
0xae: {  	[dreg:$0x1] =	wrdreg $0xFFFFFFFF  }
0xaf: {  	[dreg:$0x0] =	wrdreg $0x60  }
0xb0: {  	[dreg:$0x2] =	wrdreg s24  }
0xb1: {  	[dreg:$0x3] =	wrdreg s2  }
0xb2: {  	[dreg:$0x4] =	wrdreg s18  }
0xb3: {  	[dreg:$0x5] =	wrdreg s4  }
0xb4: {  	[dreg:$0x6] =	wrdreg $0x9  }
0xb5: {  	_ =	task.clear_ibuf [dreg:s9], $0x7FFFF;
	_ =	strace $0x90000046  }
0xb6: {  	s29 =	simm.s32 $0x9;
	_ =	strace $0x80000048  }
0xb7: {  	_ =	swait.ge [sflag:s29], $0x1  }
0xb8: {  	[sflag:s29] =	ssyncadd.s32 $0xFFFFFFFF  }
0xb9: {  	_ =	strace $0x90000048  }
0xba: {  	_ =	sfence  }
0xbb: {  	s30 =	sld [smem:$0x0];
	_ =	sdelay $0x2  }
0xbc: {  	s31 =	sshll.u32 s1, $0xD;
	s1 =	sshrl.u32 s1, $0x2  }
0xbd: {  	s3 =	sand.u32 $0x4000, s31;
	s1 =	sadd.s32 s1, s30  }
0xbe: {  	s0 =	sor.u32 s3, s0;
	s1 =	sshll.u32 s1, $0x11  }
0xbf: {  	s0 =	sor.u32 s1, s0  }
0xc0: {  	s0 =	sadd.s32 $0x8F2B, s0  }
0xc1: {  	[sflag:s0] =	ssyncadd.remote.s32 $0x1  }
0xc2: {  	_ =	sfence.sel $0xFFFF  }
0xc3: {  	[dreg:$0x0] =	wrdreg $0xFFFFFFFF;
	(pc) =	sbr.abs _section_cstart, $3  }
0xc4: {  	[dreg:$0x1] =	wrdreg $0xFFFFFFFF  }
0xc5: {  	_ =	task.clear_ibuf [dreg:s9], $0x2FFFF;
	_ =	strace $0x9FFFFFFF  }
0xc6: {  	(tm) =	ssettm $0x7FFFFFFF  }
0xc7: {  	_ =	shalt  }
tec
execute0_lowered:
.L_overlay_start_1:
0x0: {  	(tag) =	ssettag $0x1  }
0x1: {  	v1 =	vlaneseq.u32  }
0x2: {  	v0 =	vmul.u32 $0x80, v1  }
0x3: {  	v1 =	vmul.u32 $0x400, v1  }
0x4: {  	s4 =	rddreg [dreg:$0x0];
	v2 =	vor.u32 $0x1, v0;
	v7 =	vor.u32 $0x6, v0  }
0x5: {  	s5 =	rddreg [dreg:$0x1];
	v8 =	vor.u32 $0x7, v0;
	v9 =	vor.u32 $0x7, v1;
	v10 =	vor.u32 $0x8, v0  }
0x6: {  	s0 =	rddreg [dreg:$0x2];
	v11 =	vor.u32 $0x9, v0;
	v12 =	vor.u32 $0xA, v0;
	v13 =	vor.u32 $0xB, v0  }
0x7: {  	s6 =	rddreg [dreg:$0x3];
	v14 =	vor.u32 $0xC, v0;
	v15 =	vor.u32 $0xC, v1;
	v16 =	vor.u32 $0xD, v0  }
0x8: {  	s1 =	rddreg [dreg:$0x4];
	s2 =	simm.s32 $0x0;
	s3 =	stileid.u32;
	v17 =	vor.u32 $0xE, v0;
	v18 =	vor.u32 $0xF, v0;
	v19 =	vor.u32 $0xF, v1  }
0x9: {  	s7 =	srdreg.scid;
	s12 =	simm.s32 $0x10280;
	s13 =	simm.s32 $0x100;
	v20 =	vor.u32 $0x800, v0;
	v21 =	vor.u32 $0x4000, v1;
	v22 =	vor.u32 $0x801, v0  }
0xa: {  	s14 =	simm.s32 $0x10300;
	s15 =	simm.s32 $0x180;
	s16 =	simm.s32 $0x10380;
	v23 =	vor.u32 $0x4001, v1;
	v24 =	vor.u32 $0x802, v0;
	v25 =	vor.u32 $0x4002, v1  }
0xb: {  	s17 =	simm.s32 $0x2;
	s18 =	simm.s32 $0x3;
	s19 =	simm.s32 $0x1;
	v26 =	vor.u32 $0x803, v0;
	v27 =	vor.u32 $0x4003, v1;
	v28 =	vor.u32 $0x804, v0  }
0xc: {  	s20 =	simm.s32 $0x10400;
	s21 =	simm.s32 $0x200;
	s22 =	simm.s32 $0x12400;
	v29 =	vor.u32 $0x4004, v1;
	v30 =	vor.u32 $0x805, v0;
	v31 =	vor.u32 $0x4005, v1  }
0xd: {  	s23 =	simm.s32 $0x0;
	[smem:$0x7FF] =	sst s2;
	s8 =	sshll.u32 s3, $0xE;
	v32 =	vor.u32 $0x806, v0;
	v33 =	vor.u32 $0x4006, v1;
	v34 =	vor.u32 $0x807, v0  }
0xe: {  	s7 =	sand.u32 $0x1, s7;
	s9 =	sshll.u32 s3, $0xA;
	s8 =	sadd.s32 s8, s4;
	v35 =	vor.u32 $0x4007, v1;
	v36 =	vor.u32 $0x808, v0;
	v37 =	vor.u32 $0x4008, v1  }
0xf: {  	s10 =	sshll.u32 s7, $0x9;
	s4 =	sadd.s32 $0x40400, s4;
	s11 =	ssub.s32 $0x2, s7;
	v38 =	vor.u32 $0x809, v0;
	v39 =	vor.u32 $0x4009, v1;
	[tilespmem:$0x1FFB0] =	vst v2;
	v2 =	vor.u32 $0x2, v0  }
.Ltmp0:
0x10: {  	s7 =	sshll.u32 s7, $0xD;
	s9 =	sor.u32 s10, s9;
	v40 =	vor.u32 $0x80A, v0;
	v41 =	vor.u32 $0x400A, v1;
	[tilespmem:$0x1FFC0] =	vst v2;
	v2 =	vor.u32 $0x3, v0;
	(pc) =	sbr.rel .LBB2_1-.Ltmp0, $4  }
0x11: {  	s31 =	sshrl.u32 s11, $0x1;
	s8 =	sadd.s32 s7, s8;
	v42 =	vor.u32 $0x80B, v0;
	v43 =	vor.u32 $0x400B, v1;
	s9 =	sshrl.u32 s9, $0x3;
	[tilespmem:$0x1FFD0] =	vst v2;
	v2 =	vor.u32 $0x4, v0  }
0x12: {  	v44 =	vor.u32 $0x80C, v0;
	v45 =	vor.u32 $0x400C, v1;
	s10 =	ssub.s32 s11, s31;
	s8 =	sadd.s32 $0x400, s8;
	s11 =	simm.s32 $0x10200;
	[tilespmem:$0x1FFE0] =	vst v2;
	v2 =	vor.u32 $0x5, v0  }
0x13: {  	v46 =	vor.u32 $0x80D, v0;
	v47 =	vor.u32 $0x400D, v1;
	v48 =	vor.u32 $0x80E, v0;
	s5 =	sadd.s32 s5, s9;
	s6 =	sadd.s32 s6, s9;
	s7 =	smax.u32 s10, $0x1;
	[tilespmem:$0x1FFF0] =	vst v2  }
0x14: {  	v49 =	vor.u32 $0x400E, v1;
	v50 =	vor.u32 $0x80F, v0;
	v51 =	vor.u32 $0x400F, v1;
	s9 =	simm.s32 $0x4;
	s10 =	simm.s32 $0x80;
	_ =	strace $0x80000047  }
.LBB2_6:
0x15: {  	s23 =	sadd.s32 $0x1, s23  }
0x16: {  	p0 =	sne.s32 s23, s7  }
.Ltmp1:
0x17: {  	_ = 	snop;
	(pc) =	sbr.rel @!p0 .LBB2_7-.Ltmp1, $4  }
0x18: {  	[hbm4b:s6+s2] =	stream.linear.scatter [tilespmem:s22], [sflag:$0x4], $0x200, $0x38;
	[tilespmem:$0x12600] =	vst v63  }
0x19: {  	_ =	swait.ge [sflag:s9], $0x200  }
0x1a: {  	[sflag:s9] =	ssyncset.done $0x0  }
0x1b: {  	[sflag:s9] =	ssyncadd.s32 $0xFFFFFE00  }
.LBB2_1:
0x1c: {  	[tilespmem:s2], [sflag:$0x4] =	stream.linear.gather [hbm4b:s5+s2], $0x200, $0x38;
	[tilespmem:$0x12600] =	vst v63  }
0x1d: {  	_ =	swait.ge [sflag:s9], $0x200  }
0x1e: {  	[sflag:s9] =	ssyncset.done $0x0  }
0x1f: {  	[sflag:s9] =	ssyncadd.s32 $0xFFFFFE00  }
0x20: {  	[tilespmem:s11], [sflag:$0x2] =	stream.indirect.gather [hbm4b:s0+s10], $0x1, s2, s10, $0xb8;
	[tilespmem:$0x12600] =	vst v63  }
0x21: {  	_ = 	snop  }
0x22: {  	[tilespmem:s12], [sflag:$0x2] =	stream.indirect.gather [hbm4b:s0+s10], $0x1, s10, s10, $0xb8;
	[tilespmem:$0x12600] =	vst v63  }
0x23: {  	_ = 	snop  }
0x24: {  	[tilespmem:s14], [sflag:$0x2] =	stream.indirect.gather [hbm4b:s0+s10], $0x1, s13, s10, $0xb8;
	[tilespmem:$0x12600] =	vst v63  }
0x25: {  	_ = 	snop  }
0x26: {  	[tilespmem:s16], [sflag:$0x2] =	stream.indirect.gather [hbm4b:s0+s10], $0x1, s15, s10, $0xb8;
	[tilespmem:$0x12600] =	vst v63  }
0x27: {  	_ =	swait.ge [sflag:s17], $0x80  }
0x28: {  	[sflag:s17] =	ssyncset.done $0x0  }
0x29: {  	[sflag:s17] =	ssyncadd.s32 $0xFFFFFF80  }
0x2a: {  	_ =	swait.ge [sflag:s17], $0x80  }
0x2b: {  	[sflag:s17] =	ssyncset.done $0x0  }
0x2c: {  	[sflag:s17] =	ssyncadd.s32 $0xFFFFFF80  }
0x2d: {  	_ =	swait.ge [sflag:s17], $0x80  }
.Ltmp2:
0x2e: {  	[sflag:s17] =	ssyncset.done $0x0;
	(pc) =	sbr.rel .LBB2_2-.Ltmp2, $4  }
0x2f: {  	[sflag:s17] =	ssyncadd.s32 $0xFFFFFF80  }
0x30: {  	_ =	swait.ge [sflag:s17], $0x80  }
0x31: {  	s24 =	smov.u32 s8;
	[sflag:s17] =	ssyncset.done $0x0  }
0x32: {  	s25 =	simm.s32 $0x0;
	s26 =	simm.s32 $0x0;
	[sflag:s17] =	ssyncadd.s32 $0xFFFFFF80  }
.LBB2_4:
0x33: {  	_ =	swait.ge [sflag:s18], $0x1000  }
0x34: {  	[sflag:s18] =	ssyncset.done $0x0  }
0x35: {  	[sflag:s18] =	ssyncadd.s32 $0xFFFFF000  }
0x36: {  	_ =	swait.ge [sflag:s19], $0x400  }
0x37: {  	[sflag:s19] =	ssyncset.done $0x0  }
0x38: {  	[sflag:s19] =	ssyncadd.s32 $0xFFFFFC00  }
0x39: {  	_ =	swait.ge [sflag:s19], $0x400  }
0x3a: {  	[sflag:s19] =	ssyncset.done $0x0  }
0x3b: {  	[sflag:s19] =	ssyncadd.s32 $0xFFFFFC00  }
0x3c: {  	_ =	swait.ge [sflag:s19], $0x400  }
0x3d: {  	[sflag:s19] =	ssyncset.done $0x0  }
0x3e: {  	[sflag:s19] =	ssyncadd.s32 $0xFFFFFC00  }
0x3f: {  	_ =	swait.ge [sflag:s19], $0x400  }
0x40: {  	[sflag:s19] =	ssyncset.done $0x0  }
0x41: {  	[sflag:s19] =	ssyncadd.s32 $0xFFFFFC00  }
0x42: {  	_ =	swait.ge [sflag:s19], $0x400  }
0x43: {  	[sflag:s19] =	ssyncset.done $0x0  }
0x44: {  	[sflag:s19] =	ssyncadd.s32 $0xFFFFFC00  }
0x45: {  	_ =	swait.ge [sflag:s19], $0x400  }
0x46: {  	[sflag:s19] =	ssyncset.done $0x0  }
0x47: {  	[sflag:s19] =	ssyncadd.s32 $0xFFFFFC00  }
0x48: {  	_ =	swait.ge [sflag:s19], $0x400  }
0x49: {  	[sflag:s19] =	ssyncset.done $0x0  }
0x4a: {  	[sflag:s19] =	ssyncadd.s32 $0xFFFFFC00  }
0x4b: {  	_ =	swait.ge [sflag:s19], $0x400  }
0x4c: {  	[sflag:s19] =	ssyncset.done $0x0  }
0x4d: {  	[sflag:s19] =	ssyncadd.s32 $0xFFFFFC00  }
0x4e: {  	_ =	swait.ge [sflag:s19], $0x400  }
0x4f: {  	[sflag:s19] =	ssyncset.done $0x0  }
0x50: {  	[sflag:s19] =	ssyncadd.s32 $0xFFFFFC00  }
0x51: {  	_ =	swait.ge [sflag:s19], $0x400  }
0x52: {  	[sflag:s19] =	ssyncset.done $0x0  }
0x53: {  	[sflag:s19] =	ssyncadd.s32 $0xFFFFFC00  }
0x54: {  	_ =	swait.ge [sflag:s19], $0x400  }
0x55: {  	[sflag:s19] =	ssyncset.done $0x0  }
0x56: {  	[sflag:s19] =	ssyncadd.s32 $0xFFFFFC00  }
0x57: {  	_ =	swait.ge [sflag:s19], $0x400  }
0x58: {  	[sflag:s19] =	ssyncset.done $0x0  }
0x59: {  	[sflag:s19] =	ssyncadd.s32 $0xFFFFFC00  }
0x5a: {  	_ =	swait.ge [sflag:s19], $0x400  }
0x5b: {  	[sflag:s19] =	ssyncset.done $0x0  }
0x5c: {  	[sflag:s19] =	ssyncadd.s32 $0xFFFFFC00  }
0x5d: {  	_ =	swait.ge [sflag:s19], $0x400  }
0x5e: {  	[sflag:s19] =	ssyncset.done $0x0  }
0x5f: {  	[sflag:s19] =	ssyncadd.s32 $0xFFFFFC00  }
0x60: {  	_ =	swait.ge [sflag:s19], $0x400  }
0x61: {  	[sflag:s19] =	ssyncset.done $0x0  }
0x62: {  	[sflag:s19] =	ssyncadd.s32 $0xFFFFFC00  }
0x63: {  	_ =	swait.ge [sflag:s19], $0x400  }
0x64: {  	[sflag:s19] =	ssyncset.done $0x0  }
0x65: {  	[sflag:s19] =	ssyncadd.s32 $0xFFFFFC00  }
0x66: {  	_ =	swait.ge [sflag:s19], $0x400  }
0x67: {  	[sflag:s19] =	ssyncset.done $0x0  }
0x68: {  	[sflag:s19] =	ssyncadd.s32 $0xFFFFFC00  }
0x69: {  	_ =	swait.ge [sflag:s19], $0x400  }
0x6a: {  	[sflag:s19] =	ssyncset.done $0x0  }
0x6b: {  	[sflag:s19] =	ssyncadd.s32 $0xFFFFFC00  }
0x6c: {  	_ =	swait.ge [sflag:s19], $0x400  }
0x6d: {  	[sflag:s19] =	ssyncset.done $0x0  }
0x6e: {  	[sflag:s19] =	ssyncadd.s32 $0xFFFFFC00  }
0x6f: {  	_ =	swait.ge [sflag:s19], $0x400  }
0x70: {  	[sflag:s19] =	ssyncset.done $0x0  }
0x71: {  	[sflag:s19] =	ssyncadd.s32 $0xFFFFFC00  }
0x72: {  	_ =	swait.ge [sflag:s19], $0x400  }
0x73: {  	[sflag:s19] =	ssyncset.done $0x0  }
0x74: {  	[sflag:s19] =	ssyncadd.s32 $0xFFFFFC00  }
0x75: {  	_ =	swait.ge [sflag:s19], $0x400  }
0x76: {  	[sflag:s19] =	ssyncset.done $0x0  }
0x77: {  	[sflag:s19] =	ssyncadd.s32 $0xFFFFFC00  }
0x78: {  	_ =	swait.ge [sflag:s19], $0x400  }
0x79: {  	[sflag:s19] =	ssyncset.done $0x0  }
0x7a: {  	[sflag:s19] =	ssyncadd.s32 $0xFFFFFC00  }
0x7b: {  	_ =	swait.ge [sflag:s19], $0x400  }
0x7c: {  	[sflag:s19] =	ssyncset.done $0x0  }
0x7d: {  	[sflag:s19] =	ssyncadd.s32 $0xFFFFFC00  }
0x7e: {  	_ =	swait.ge [sflag:s19], $0x400  }
0x7f: {  	[sflag:s19] =	ssyncset.done $0x0  }
0x80: {  	[sflag:s19] =	ssyncadd.s32 $0xFFFFFC00  }
0x81: {  	_ =	swait.ge [sflag:s19], $0x400  }
0x82: {  	[sflag:s19] =	ssyncset.done $0x0  }
0x83: {  	[sflag:s19] =	ssyncadd.s32 $0xFFFFFC00  }
0x84: {  	_ =	swait.ge [sflag:s19], $0x400  }
0x85: {  	[sflag:s19] =	ssyncset.done $0x0  }
0x86: {  	[sflag:s19] =	ssyncadd.s32 $0xFFFFFC00  }
0x87: {  	_ =	swait.ge [sflag:s19], $0x400  }
0x88: {  	[sflag:s19] =	ssyncset.done $0x0  }
0x89: {  	[sflag:s19] =	ssyncadd.s32 $0xFFFFFC00  }
0x8a: {  	_ =	swait.ge [sflag:s19], $0x400  }
0x8b: {  	[sflag:s19] =	ssyncset.done $0x0  }
0x8c: {  	[sflag:s19] =	ssyncadd.s32 $0xFFFFFC00  }
0x8d: {  	_ =	swait.ge [sflag:s19], $0x400  }
0x8e: {  	[sflag:s19] =	ssyncset.done $0x0  }
0x8f: {  	[sflag:s19] =	ssyncadd.s32 $0xFFFFFC00  }
0x90: {  	_ =	swait.ge [sflag:s19], $0x400  }
0x91: {  	[sflag:s19] =	ssyncset.done $0x0  }
0x92: {  	[sflag:s19] =	ssyncadd.s32 $0xFFFFFC00  }
0x93: {  	_ =	swait.ge [sflag:s19], $0x400  }
0x94: {  	[sflag:s19] =	ssyncset.done $0x0  }
0x95: {  	s28 =	sshra.s32 s25, $0x2;
	[sflag:s19] =	ssyncadd.s32 $0xFFFFFC00  }
0x96: {  	v52 =	vld [tilespmem:s28+$0xFFFFFFE0]  }
0x97: {  	v2 =	vld [tilespmem:$0x1FFB0]  }
0x98: {  	s29 =	sadd.s32 $0xFFFFFFFF, s26  }
0x99: {  	s29 =	sand.u32 $0x1, s29  }
0x9a: {  	v53 =	vmov s29  }
0x9b: {  	v54 =	vshll.u32 v52, $0x7;
	v52 =	vshll.u32 v53, $0xC  }
0x9c: {  	v57 =	vor.u32 v2, v52;
	v2 =	vld [tilespmem:$0x1FFC0];
	_ =	sdelay $0x1  }
0x9d: {  	v53 =	vshll.u32 v53, $0xF;
	v54 =	vand.u32 $0x380, v54  }
0x9e: {  	v55 =	vor.u32 v0, v52;
	v54 =	vor.u32 v54, v53  }
0x9f: {  	v3 =	vld [tilespmem:$0x1FFE0];
	v56 =	vor.u32 v1, v54  }
0xa0: {  	v60 =	vor.u32 v2, v52;
	v2 =	vld [tilespmem:$0x1FFD0]  }
0xa1: {  	v5 =	vld [tilespmem:$0x1FFF0];
	v58 =	vor.u32 $0x1, v56  }
0xa2: {  	v59 =	vld [tilespmem:s28+$0x101E0];
	v61 =	vor.u32 $0x2, v56  }
0xa3: {  	v55 =	vld.idx.msk [tilespmem:v55+s20+$0x0], $0xffff  }
0xa4: {  	v62 =	vld.idx.msk [tilespmem:v56+s21+$0x0], $0xffff  }
0xa5: {  	v57 =	vld.idx.msk [tilespmem:v57+s20+$0x0], $0xffff;
	v63 =	vor.u32 v2, v52  }
0xa6: {  	v58 =	vld.idx.msk [tilespmem:v58+s21+$0x0], $0xffff;
	v2 =	vor.u32 $0x3, v56  }
0xa7: {  	v3 =	vor.u32 v3, v52;
	v61 =	vld.idx.msk [tilespmem:v61+s21+$0x0], $0xffff  }
0xa8: {  	v4 =	vor.u32 $0x4, v56;
	v60 =	vld.idx.msk [tilespmem:v60+s20+$0x0], $0xffff  }
0xa9: {  	v5 =	vor.u32 v5, v52;
	v55 =	vmul.f32 v62, v55  }
0xaa: {  	v62 =	vld.idx.msk [tilespmem:v63+s20+$0x0], $0xffff;
	v63 =	vor.u32 $0x5, v56  }
0xab: {  	v6 =	vor.u32 v7, v52;
	v57 =	vmul.f32 v58, v57;
	v55 =	vadd.f32 v55, v59;
	v2 =	vld.idx.msk [tilespmem:v2+s21+$0x0], $0xffff  }
0xac: {  	v3 =	vld.idx.msk [tilespmem:v3+s20+$0x0], $0xffff;
	v58 =	vor.u32 $0x6, v56  }
0xad: {  	v4 =	vld.idx.msk [tilespmem:v4+s21+$0x0], $0xffff;
	v59 =	vor.u32 v8, v52;
	v55 =	vadd.f32 v57, v55;
	v57 =	vmul.f32 v61, v60  }
0xae: {  	v5 =	vld.idx.msk [tilespmem:v5+s20+$0x0], $0xffff;
	v60 =	vor.u32 v9, v54  }
0xaf: {  	v55 =	vadd.f32 v57, v55;
	v57 =	vor.u32 $0x8, v56;
	v61 =	vld.idx.msk [tilespmem:v63+s21+$0x0], $0xffff  }
0xb0: {  	v6 =	vld.idx.msk [tilespmem:v6+s20+$0x0], $0xffff;
	v63 =	vor.u32 v10, v52;
	v2 =	vmul.f32 v2, v62  }
0xb1: {  	v58 =	vld.idx.msk [tilespmem:v58+s21+$0x0], $0xffff;
	v62 =	vor.u32 v11, v52  }
0xb2: {  	v3 =	vmul.f32 v4, v3;
	v4 =	vld.idx.msk [tilespmem:v59+s20+$0x0], $0xffff;
	v2 =	vadd.f32 v2, v55;
	v55 =	vor.u32 $0x9, v56  }
0xb3: {  	v59 =	vld.idx.msk [tilespmem:v60+s21+$0x0], $0xffff;
	v60 =	vor.u32 v12, v52  }
0xb4: {  	v57 =	vld.idx.msk [tilespmem:v57+s21+$0x0], $0xffff;
	v2 =	vadd.f32 v3, v2;
	v3 =	vmul.f32 v61, v5;
	v61 =	vor.u32 $0xA, v56  }
0xb5: {  	v5 =	vld.idx.msk [tilespmem:v63+s20+$0x0], $0xffff;
	v63 =	vor.u32 v13, v52  }
0xb6: {  	v2 =	vadd.f32 v3, v2;
	v3 =	vmul.f32 v58, v6;
	v6 =	vld.idx.msk [tilespmem:v62+s20+$0x0], $0xffff;
	v58 =	vor.u32 $0xB, v56  }
0xb7: {  	v55 =	vld.idx.msk [tilespmem:v55+s21+$0x0], $0xffff;
	v62 =	vor.u32 v14, v52  }
0xb8: {  	v2 =	vadd.f32 v3, v2;
	v3 =	vmul.f32 v59, v4;
	v4 =	vld.idx.msk [tilespmem:v60+s20+$0x0], $0xffff;
	v59 =	vor.u32 v15, v54  }
0xb9: {  	v60 =	vld.idx.msk [tilespmem:v61+s21+$0x0], $0xffff;
	v61 =	vor.u32 v16, v52  }
0xba: {  	v2 =	vadd.f32 v3, v2;
	v3 =	vmul.f32 v57, v5;
	v5 =	vld.idx.msk [tilespmem:v63+s20+$0x0], $0xffff;
	v57 =	vor.u32 $0xD, v56  }
0xbb: {  	v63 =	vor.u32 v17, v52;
	v58 =	vld.idx.msk [tilespmem:v58+s21+$0x0], $0xffff  }
0xbc: {  	v2 =	vadd.f32 v3, v2;
	v3 =	vmul.f32 v55, v6;
	v6 =	vld.idx.msk [tilespmem:v62+s20+$0x0], $0xffff;
	v55 =	vor.u32 $0xE, v56  }
0xbd: {  	v56 =	vld.idx.msk [tilespmem:v59+s21+$0x0], $0xffff  }
0xbe: {  	v62 =	vor.u32 v18, v52;
	v2 =	vadd.f32 v3, v2;
	v3 =	vmul.f32 v60, v4;
	v4 =	vld.idx.msk [tilespmem:v61+s20+$0x0], $0xffff  }
0xbf: {  	v54 =	vor.u32 v19, v54;
	v57 =	vld.idx.msk [tilespmem:v57+s21+$0x0], $0xffff  }
0xc0: {  	v2 =	vadd.f32 v3, v2;
	v3 =	vmul.f32 v58, v5;
	v5 =	vld.idx.msk [tilespmem:v63+s20+$0x0], $0xffff  }
0xc1: {  	v55 =	vld.idx.msk [tilespmem:v55+s21+$0x0], $0xffff  }
0xc2: {  	v2 =	vadd.f32 v3, v2;
	v3 =	vmul.f32 v56, v6;
	v6 =	vld [tilespmem:s28+$0xFFFFFFF0]  }
0xc3: {  	v60 =	vld.idx.msk [tilespmem:v62+s20+$0x0], $0xffff  }
0xc4: {  	v2 =	vadd.f32 v3, v2;
	v3 =	vmul.f32 v57, v4;
	v4 =	vld.idx.msk [tilespmem:v54+s21+$0x0], $0xffff;
	_ =	sdelay $0x1  }
0xc5: {  	v2 =	vadd.f32 v3, v2;
	v3 =	vmul.f32 v55, v5  }
0xc6: {  	v5 =	vshll.u32 v6, $0x7  }
0xc7: {  	v2 =	vadd.f32 v3, v2;
	v3 =	vand.u32 $0x380, v5  }
0xc8: {  	v5 =	vor.u32 v20, v52;
	v4 =	vmul.f32 v4, v60;
	v3 =	vor.u32 v3, v53  }
0xc9: {  	v6 =	vor.u32 v21, v3  }
0xca: {  	v53 =	vor.u32 v23, v3;
	v2 =	vadd.f32 v4, v2  }
0xcb: {  	v4 =	vor.u32 v22, v52  }
0xcc: {  	v61 =	vor.u32 v24, v52;
	[tilespmem:s28+$0x123E0] =	vst v2;
	v2 =	vld [tilespmem:s28+$0x101F0]  }
0xcd: {  	v62 =	vor.u32 v25, v3;
	v5 =	vld.idx.msk [tilespmem:v5+s20+$0x0], $0xffff  }
0xce: {  	v56 =	vor.u32 v26, v52;
	v6 =	vld.idx.msk [tilespmem:v6+s21+$0x0], $0xffff  }
0xcf: {  	v57 =	vor.u32 v27, v3;
	v53 =	vld.idx.msk [tilespmem:v53+s21+$0x0], $0xffff  }
0xd0: {  	v58 =	vor.u32 v28, v52;
	v4 =	vld.idx.msk [tilespmem:v4+s20+$0x0], $0xffff  }
0xd1: {  	v59 =	vor.u32 v29, v3;
	v54 =	vld.idx.msk [tilespmem:v61+s20+$0x0], $0xffff  }
0xd2: {  	v60 =	vor.u32 v30, v52;
	v55 =	vld.idx.msk [tilespmem:v62+s21+$0x0], $0xffff  }
0xd3: {  	v5 =	vmul.f32 v6, v5;
	v6 =	vld.idx.msk [tilespmem:v56+s20+$0x0], $0xffff;
	v56 =	vor.u32 v31, v3  }
0xd4: {  	v61 =	vor.u32 v32, v52;
	v57 =	vld.idx.msk [tilespmem:v57+s21+$0x0], $0xffff  }
0xd5: {  	v4 =	vmul.f32 v53, v4;
	v53 =	vor.u32 v33, v3;
	v2 =	vadd.f32 v5, v2;
	v5 =	vld.idx.msk [tilespmem:v58+s20+$0x0], $0xffff  }
0xd6: {  	v58 =	vld.idx.msk [tilespmem:v59+s21+$0x0], $0xffff;
	v59 =	vor.u32 v34, v52  }
0xd7: {  	v2 =	vadd.f32 v4, v2;
	v4 =	vmul.f32 v55, v54;
	v54 =	vld.idx.msk [tilespmem:v60+s20+$0x0], $0xffff;
	v55 =	vor.u32 v35, v3  }
0xd8: {  	v60 =	vor.u32 v36, v52;
	v56 =	vld.idx.msk [tilespmem:v56+s21+$0x0], $0xffff  }
0xd9: {  	v2 =	vadd.f32 v4, v2;
	v4 =	vmul.f32 v57, v6;
	v6 =	vld.idx.msk [tilespmem:v61+s20+$0x0], $0xffff;
	v57 =	vor.u32 v37, v3  }
0xda: {  	v53 =	vld.idx.msk [tilespmem:v53+s21+$0x0], $0xffff;
	v61 =	vor.u32 v38, v52  }
0xdb: {  	v2 =	vadd.f32 v4, v2;
	v4 =	vmul.f32 v58, v5;
	v5 =	vld.idx.msk [tilespmem:v59+s20+$0x0], $0xffff;
	v58 =	vor.u32 v39, v3  }
0xdc: {  	v59 =	vor.u32 v40, v52;
	v55 =	vld.idx.msk [tilespmem:v55+s21+$0x0], $0xffff  }
0xdd: {  	v2 =	vadd.f32 v4, v2;
	v4 =	vmul.f32 v56, v54;
	v54 =	vld.idx.msk [tilespmem:v60+s20+$0x0], $0xffff;
	v56 =	vor.u32 v41, v3  }
0xde: {  	v60 =	vor.u32 v42, v52;
	v57 =	vld.idx.msk [tilespmem:v57+s21+$0x0], $0xffff  }
0xdf: {  	v2 =	vadd.f32 v4, v2;
	v4 =	vmul.f32 v53, v6;
	v6 =	vld.idx.msk [tilespmem:v61+s20+$0x0], $0xffff;
	v53 =	vor.u32 v43, v3  }
0xe0: {  	v61 =	vor.u32 v44, v52;
	v58 =	vld.idx.msk [tilespmem:v58+s21+$0x0], $0xffff  }
0xe1: {  	v2 =	vadd.f32 v4, v2;
	v4 =	vmul.f32 v55, v5;
	v5 =	vld.idx.msk [tilespmem:v59+s20+$0x0], $0xffff;
	v55 =	vor.u32 v45, v3  }
0xe2: {  	v59 =	vor.u32 v46, v52;
	v56 =	vld.idx.msk [tilespmem:v56+s21+$0x0], $0xffff  }
0xe3: {  	v2 =	vadd.f32 v4, v2;
	v4 =	vmul.f32 v57, v54;
	v54 =	vld.idx.msk [tilespmem:v60+s20+$0x0], $0xffff;
	v57 =	vor.u32 v47, v3  }
0xe4: {  	v63 =	vor.u32 v49, v3;
	v53 =	vld.idx.msk [tilespmem:v53+s21+$0x0], $0xffff  }
0xe5: {  	v60 =	vor.u32 v48, v52;
	v2 =	vadd.f32 v4, v2;
	v4 =	vmul.f32 v58, v6;
	v6 =	vld.idx.msk [tilespmem:v61+s20+$0x0], $0xffff  }
0xe6: {  	v3 =	vor.u32 v51, v3;
	v55 =	vld.idx.msk [tilespmem:v55+s21+$0x0], $0xffff  }
0xe7: {  	v52 =	vor.u32 v50, v52;
	v2 =	vadd.f32 v4, v2;
	v4 =	vmul.f32 v56, v5;
	v5 =	vld.idx.msk [tilespmem:v59+s20+$0x0], $0xffff  }
0xe8: {  	v61 =	vld.idx.msk [tilespmem:v57+s21+$0x0], $0xffff  }
0xe9: {  	v63 =	vld.idx.msk [tilespmem:v63+s21+$0x0], $0xffff;
	v2 =	vadd.f32 v4, v2;
	v4 =	vmul.f32 v53, v54  }
0xea: {  	v62 =	vld.idx.msk [tilespmem:v60+s20+$0x0], $0xffff  }
0xeb: {  	v3 =	vld.idx.msk [tilespmem:v3+s21+$0x0], $0xffff;
	v2 =	vadd.f32 v4, v2;
	v4 =	vmul.f32 v55, v6  }
0xec: {  	v6 =	vld.idx.msk [tilespmem:v52+s20+$0x0], $0xffff  }
0xed: {  	v2 =	vadd.f32 v4, v2;
	v4 =	vmul.f32 v61, v5;
	_ =	sdelay $0x1  }
0xee: {  	v2 =	vadd.f32 v4, v2;
	v4 =	vmul.f32 v63, v62;
	_ =	sdelay $0x1  }
0xef: {  	v3 =	vmul.f32 v3, v6;
	v2 =	vadd.f32 v4, v2;
	_ =	sdelay $0x1  }
0xf0: {  	v2 =	vadd.f32 v3, v2;
	_ =	sdelay $0x1  }
0xf1: {  	[tilespmem:s28+$0x123F0] =	vst v2  }
.LBB2_5:
0xf2: {  	s25 =	sadd.s32 $0x80, s25  }
0xf3: {  	p0 =	sne.s32 s25, $0x880  }
.Ltmp3:
0xf4: {  	_ = 	snop;
	(pc) =	sbr.rel @!p0 .LBB2_6-.Ltmp3, $2  }
0xf5: {  	_ =	sdelay $0x2  }
0xf6: {  	s26 =	sadd.s32 $0x1, s26;
	s24 =	sadd.s32 $0x200, s24  }
.LBB2_2:
0xf7: {  	p0 =	seq.s32 s25, $0x800  }
.Ltmp4:
0xf8: {  	_ = 	snop;
	(pc) =	sbr.rel @p0 .LBB2_4-.Ltmp4, $1  }
0xf9: {  	_ =	sdelay $0x3  }
0xfa: {  	s28 =	sshra.s32 s25, $0x2  }
0xfb: {  	v52 =	vld [tilespmem:s28+$0x0];
	_ =	sdelay $0x4  }
0xfc: {  	v52 =	vshrl.u32 v52, $0x3  }
0xfd: {  	v52 =	vshll.u32 v52, $0x7  }
0xfe: {  	(v2sf) =	vpush v52, $0x0;
	_ =	sdelay $0x1  }
0xff: {  	(v2sf) =	vpush v52, $0x1;
	_ =	sdelay $0x2  }
0x100: {  	(v2sf) =	vpush v52, $0x2;
	_ =	sdelay $0x4  }
0x101: {  	(v2sf) =	vpush v52, $0x3;
	_ =	sdelay $0x2  }
0x102: {  	s29 =	sand.u32 $0x1, s26  }
0x103: {  	s30 =	sshll.u32 s29, $0xC  }
0x104: {  	s30 =	sor.u32 $0x10400, s30;
	s31 =	spop (v2sf);
	(v2sf) =	vpush v52, $0x4  }
0x105: {  	v53 =	vld [tilespmem:s28+$0x10];
	[tilespmem:s30], [sflag:$0x3] =	stream.linear.gather [hbm4b:s24+s2], $0x1000, $0x38  }
0x106: {  	s28 =	sshll.u32 s29, $0xF;
	s29 =	sand.u32 $0x1FFFFF80, s31;
	s30 =	spop (v2sf);
	(v2sf) =	vpush v52, $0x5  }
0x107: {  	s31 =	sor.u32 $0x200, s28;
	s29 =	sadd.s32 s4, s29  }
0x108: {  	[tilespmem:s31], [sflag:$0x1] =	stream.linear.gather [hbm4b:s29+s2], $0x400, $0x38;
	[tilespmem:$0x12600] =	vst v63  }
0x109: {  	s29 =	sand.u32 $0x1FFFFF80, s30;
	s30 =	spop (v2sf);
	(v2sf) =	vpush v52, $0x6;
	_ =	sdelay $0x2  }
0x10a: {  	s31 =	sor.u32 $0x600, s28;
	s29 =	sadd.s32 s4, s29  }
0x10b: {  	[tilespmem:s31], [sflag:$0x1] =	stream.linear.gather [hbm4b:s29+s2], $0x400, $0x38;
	[tilespmem:$0x12600] =	vst v63  }
0x10c: {  	s29 =	sand.u32 $0x1FFFFF80, s30;
	s30 =	spop (v2sf);
	(v2sf) =	vpush v52, $0x7;
	_ =	sdelay $0x1  }
0x10d: {  	s31 =	sor.u32 $0xA00, s28;
	s29 =	sadd.s32 s4, s29  }
0x10e: {  	[tilespmem:s31], [sflag:$0x1] =	stream.linear.gather [hbm4b:s29+s2], $0x400, $0x38;
	[tilespmem:$0x12600] =	vst v63  }
0x10f: {  	s29 =	sand.u32 $0x1FFFFF80, s30  }
0x110: {  	s31 =	sor.u32 $0xE00, s28;
	s29 =	sadd.s32 s4, s29;
	s30 =	spop (v2sf);
	(v2sf) =	vpush v52, $0x8  }
0x111: {  	[tilespmem:s31], [sflag:$0x1] =	stream.linear.gather [hbm4b:s29+s2], $0x400, $0x38;
	[tilespmem:$0x12600] =	vst v63  }
0x112: {  	s29 =	sand.u32 $0x1FFFFF80, s30;
	s30 =	spop (v2sf);
	(v2sf) =	vpush v52, $0x9  }
0x113: {  	s31 =	sor.u32 $0x1200, s28;
	s29 =	sadd.s32 s4, s29  }
0x114: {  	[tilespmem:s31], [sflag:$0x1] =	stream.linear.gather [hbm4b:s29+s2], $0x400, $0x38;
	[tilespmem:$0x12600] =	vst v63  }
0x115: {  	s29 =	sand.u32 $0x1FFFFF80, s30;
	s30 =	spop (v2sf);
	(v2sf) =	vpush v52, $0xA;
	_ =	sdelay $0x2  }
0x116: {  	s31 =	sor.u32 $0x1600, s28;
	s29 =	sadd.s32 s4, s29  }
0x117: {  	[tilespmem:s31], [sflag:$0x1] =	stream.linear.gather [hbm4b:s29+s2], $0x400, $0x38;
	[tilespmem:$0x12600] =	vst v63  }
0x118: {  	s29 =	sand.u32 $0x1FFFFF80, s30;
	s30 =	spop (v2sf);
	(v2sf) =	vpush v52, $0xB;
	_ =	sdelay $0x1  }
0x119: {  	s31 =	sor.u32 $0x1A00, s28;
	s29 =	sadd.s32 s4, s29  }
0x11a: {  	[tilespmem:s31], [sflag:$0x1] =	stream.linear.gather [hbm4b:s29+s2], $0x400, $0x38;
	[tilespmem:$0x12600] =	vst v63  }
0x11b: {  	s29 =	sand.u32 $0x1FFFFF80, s30  }
0x11c: {  	s31 =	sor.u32 $0x1E00, s28;
	s29 =	sadd.s32 s4, s29;
	s30 =	spop (v2sf);
	(v2sf) =	vpush v52, $0xC  }
0x11d: {  	[tilespmem:s31], [sflag:$0x1] =	stream.linear.gather [hbm4b:s29+s2], $0x400, $0x38;
	[tilespmem:$0x12600] =	vst v63  }
0x11e: {  	s29 =	sand.u32 $0x1FFFFF80, s30;
	s30 =	spop (v2sf);
	(v2sf) =	vpush v52, $0xD  }
0x11f: {  	s31 =	sor.u32 $0x2200, s28;
	s29 =	sadd.s32 s4, s29  }
0x120: {  	[tilespmem:s31], [sflag:$0x1] =	stream.linear.gather [hbm4b:s29+s2], $0x400, $0x38;
	[tilespmem:$0x12600] =	vst v63  }
0x121: {  	s29 =	sand.u32 $0x1FFFFF80, s30;
	s30 =	spop (v2sf);
	(v2sf) =	vpush v52, $0xE;
	_ =	sdelay $0x2  }
0x122: {  	s31 =	sor.u32 $0x2600, s28;
	s29 =	sadd.s32 s4, s29  }
0x123: {  	[tilespmem:s31], [sflag:$0x1] =	stream.linear.gather [hbm4b:s29+s2], $0x400, $0x38;
	[tilespmem:$0x12600] =	vst v63  }
0x124: {  	s29 =	sand.u32 $0x1FFFFF80, s30;
	s30 =	spop (v2sf);
	(v2sf) =	vpush v52, $0xF;
	_ =	sdelay $0x1  }
0x125: {  	s31 =	sor.u32 $0x2A00, s28;
	s29 =	sadd.s32 s4, s29  }
0x126: {  	v63 =	vshrl.u32 v53, $0x3;
	[tilespmem:s31], [sflag:$0x1] =	stream.linear.gather [hbm4b:s29+s2], $0x400, $0x38;
	[tilespmem:$0x12600] =	vst v63  }
0x127: {  	v52 =	vshll.u32 v63, $0x7;
	s29 =	sand.u32 $0x1FFFFF80, s30  }
0x128: {  	s31 =	sor.u32 $0x2E00, s28;
	s29 =	sadd.s32 s4, s29;
	s30 =	spop (v2sf);
	(v2sf) =	vpush v52, $0x0  }
0x129: {  	[tilespmem:s31], [sflag:$0x1] =	stream.linear.gather [hbm4b:s29+s2], $0x400, $0x38;
	[tilespmem:$0x12600] =	vst v63  }
0x12a: {  	s29 =	sand.u32 $0x1FFFFF80, s30;
	s30 =	spop (v2sf);
	(v2sf) =	vpush v52, $0x1  }
0x12b: {  	s31 =	sor.u32 $0x3200, s28;
	s29 =	sadd.s32 s4, s29  }
0x12c: {  	[tilespmem:s31], [sflag:$0x1] =	stream.linear.gather [hbm4b:s29+s2], $0x400, $0x38;
	[tilespmem:$0x12600] =	vst v63  }
0x12d: {  	s29 =	sand.u32 $0x1FFFFF80, s30;
	s30 =	spop (v2sf);
	(v2sf) =	vpush v52, $0x2;
	_ =	sdelay $0x2  }
0x12e: {  	s31 =	sor.u32 $0x3600, s28;
	s29 =	sadd.s32 s4, s29  }
0x12f: {  	[tilespmem:s31], [sflag:$0x1] =	stream.linear.gather [hbm4b:s29+s2], $0x400, $0x38;
	[tilespmem:$0x12600] =	vst v63  }
0x130: {  	s29 =	sand.u32 $0x1FFFFF80, s30;
	s30 =	spop (v2sf);
	(v2sf) =	vpush v52, $0x3;
	_ =	sdelay $0x1  }
0x131: {  	s31 =	sor.u32 $0x3A00, s28;
	s29 =	sadd.s32 s4, s29  }
0x132: {  	[tilespmem:s31], [sflag:$0x1] =	stream.linear.gather [hbm4b:s29+s2], $0x400, $0x38;
	[tilespmem:$0x12600] =	vst v63  }
0x133: {  	s29 =	sand.u32 $0x1FFFFF80, s30  }
0x134: {  	s31 =	sor.u32 $0x3E00, s28;
	s29 =	sadd.s32 s4, s29;
	s30 =	spop (v2sf);
	(v2sf) =	vpush v52, $0x4  }
0x135: {  	[tilespmem:s31], [sflag:$0x1] =	stream.linear.gather [hbm4b:s29+s2], $0x400, $0x38;
	[tilespmem:$0x12600] =	vst v63  }
0x136: {  	s29 =	sand.u32 $0x1FFFFF80, s30;
	s30 =	spop (v2sf);
	(v2sf) =	vpush v52, $0x5  }
0x137: {  	s31 =	sor.u32 $0x4200, s28;
	s29 =	sadd.s32 s4, s29  }
0x138: {  	[tilespmem:s31], [sflag:$0x1] =	stream.linear.gather [hbm4b:s29+s2], $0x400, $0x38;
	[tilespmem:$0x12600] =	vst v63  }
0x139: {  	s29 =	sand.u32 $0x1FFFFF80, s30;
	s30 =	spop (v2sf);
	(v2sf) =	vpush v52, $0x6;
	_ =	sdelay $0x2  }
0x13a: {  	s31 =	sor.u32 $0x4600, s28;
	s29 =	sadd.s32 s4, s29  }
0x13b: {  	[tilespmem:s31], [sflag:$0x1] =	stream.linear.gather [hbm4b:s29+s2], $0x400, $0x38;
	[tilespmem:$0x12600] =	vst v63  }
0x13c: {  	s29 =	sand.u32 $0x1FFFFF80, s30;
	s30 =	spop (v2sf);
	(v2sf) =	vpush v52, $0x7;
	_ =	sdelay $0x1  }
0x13d: {  	s31 =	sor.u32 $0x4A00, s28;
	s29 =	sadd.s32 s4, s29  }
0x13e: {  	[tilespmem:s31], [sflag:$0x1] =	stream.linear.gather [hbm4b:s29+s2], $0x400, $0x38;
	[tilespmem:$0x12600] =	vst v63  }
0x13f: {  	s29 =	sand.u32 $0x1FFFFF80, s30  }
0x140: {  	s31 =	sor.u32 $0x4E00, s28;
	s29 =	sadd.s32 s4, s29;
	s30 =	spop (v2sf);
	(v2sf) =	vpush v52, $0x8  }
0x141: {  	[tilespmem:s31], [sflag:$0x1] =	stream.linear.gather [hbm4b:s29+s2], $0x400, $0x38;
	[tilespmem:$0x12600] =	vst v63  }
0x142: {  	s29 =	sand.u32 $0x1FFFFF80, s30;
	s30 =	spop (v2sf);
	(v2sf) =	vpush v52, $0x9  }
0x143: {  	s31 =	sor.u32 $0x5200, s28;
	s29 =	sadd.s32 s4, s29  }
0x144: {  	[tilespmem:s31], [sflag:$0x1] =	stream.linear.gather [hbm4b:s29+s2], $0x400, $0x38;
	[tilespmem:$0x12600] =	vst v63  }
0x145: {  	s29 =	sand.u32 $0x1FFFFF80, s30;
	s30 =	spop (v2sf);
	(v2sf) =	vpush v52, $0xA;
	_ =	sdelay $0x2  }
0x146: {  	s31 =	sor.u32 $0x5600, s28;
	s29 =	sadd.s32 s4, s29  }
0x147: {  	[tilespmem:s31], [sflag:$0x1] =	stream.linear.gather [hbm4b:s29+s2], $0x400, $0x38;
	[tilespmem:$0x12600] =	vst v63  }
0x148: {  	s29 =	sand.u32 $0x1FFFFF80, s30;
	s30 =	spop (v2sf);
	(v2sf) =	vpush v52, $0xB;
	_ =	sdelay $0x1  }
0x149: {  	s31 =	sor.u32 $0x5A00, s28;
	s29 =	sadd.s32 s4, s29  }
0x14a: {  	[tilespmem:s31], [sflag:$0x1] =	stream.linear.gather [hbm4b:s29+s2], $0x400, $0x38;
	[tilespmem:$0x12600] =	vst v63  }
0x14b: {  	s29 =	sand.u32 $0x1FFFFF80, s30  }
0x14c: {  	s31 =	sor.u32 $0x5E00, s28;
	s29 =	sadd.s32 s4, s29;
	s30 =	spop (v2sf);
	(v2sf) =	vpush v52, $0xC  }
0x14d: {  	[tilespmem:s31], [sflag:$0x1] =	stream.linear.gather [hbm4b:s29+s2], $0x400, $0x38;
	[tilespmem:$0x12600] =	vst v63  }
0x14e: {  	s29 =	sand.u32 $0x1FFFFF80, s30;
	s30 =	spop (v2sf);
	(v2sf) =	vpush v52, $0xD  }
0x14f: {  	s31 =	sor.u32 $0x6200, s28;
	s29 =	sadd.s32 s4, s29  }
0x150: {  	[tilespmem:s31], [sflag:$0x1] =	stream.linear.gather [hbm4b:s29+s2], $0x400, $0x38;
	[tilespmem:$0x12600] =	vst v63  }
0x151: {  	s29 =	sand.u32 $0x1FFFFF80, s30;
	s30 =	spop (v2sf);
	(v2sf) =	vpush v52, $0xE;
	_ =	sdelay $0x1  }
0x152: {  	s31 =	sor.u32 $0x6600, s28;
	s29 =	sadd.s32 s4, s29  }
0x153: {  	[tilespmem:s31], [sflag:$0x1] =	stream.linear.gather [hbm4b:s29+s2], $0x400, $0x38;
	[tilespmem:$0x12600] =	vst v63  }
0x154: {  	s29 =	sand.u32 $0x1FFFFF80, s30  }
0x155: {  	s31 =	sor.u32 $0x6A00, s28;
	s30 =	spop (v2sf);
	s29 =	sadd.s32 s4, s29  }
0x156: {  	(v2sf) =	vpush v52, $0xF;
	[tilespmem:s31], [sflag:$0x1] =	stream.linear.gather [hbm4b:s29+s2], $0x400, $0x38;
	[tilespmem:$0x12600] =	vst v63  }
0x157: {  	s29 =	sand.u32 $0x1FFFFF80, s30  }
0x158: {  	s31 =	sor.u32 $0x6E00, s28;
	s29 =	sadd.s32 s4, s29  }
0x159: {  	[tilespmem:s31], [sflag:$0x1] =	stream.linear.gather [hbm4b:s29+s2], $0x400, $0x38;
	[tilespmem:$0x12600] =	vst v63  }
0x15a: {  	s30 =	spop (v2sf)  }
0x15b: {  	s29 =	sand.u32 $0x1FFFFF80, s30  }
0x15c: {  	s31 =	sor.u32 $0x7200, s28;
	s30 =	spop (v2sf);
	s29 =	sadd.s32 s4, s29  }
0x15d: {  	[tilespmem:s31], [sflag:$0x1] =	stream.linear.gather [hbm4b:s29+s2], $0x400, $0x38;
	[tilespmem:$0x12600] =	vst v63  }
0x15e: {  	s29 =	sand.u32 $0x1FFFFF80, s30  }
0x15f: {  	s31 =	sor.u32 $0x7600, s28;
	s30 =	spop (v2sf);
	s29 =	sadd.s32 s4, s29  }
0x160: {  	[tilespmem:s31], [sflag:$0x1] =	stream.linear.gather [hbm4b:s29+s2], $0x400, $0x38;
	[tilespmem:$0x12600] =	vst v63  }
0x161: {  	s29 =	sand.u32 $0x1FFFFF80, s30  }
0x162: {  	p0 =	seq.s32 s25, $0x0;
	s31 =	sor.u32 $0x7A00, s28;
	s29 =	sadd.s32 s4, s29  }
0x163: {  	[tilespmem:s31], [sflag:$0x1] =	stream.linear.gather [hbm4b:s29+s2], $0x400, $0x38;
	[tilespmem:$0x12600] =	vst v63  }
.Ltmp5:
0x164: {  	_ = 	snop;
	(pc) =	sbr.rel @!p0 .LBB2_4-.Ltmp5, $4  }
.Ltmp6:
0x165: {  	s31 =	spop (v2sf);
	(pc) =	sbr.rel @p0 .LBB2_5-.Ltmp6, $4  }
0x166: {  	s29 =	sand.u32 $0x1FFFFF80, s31  }
0x167: {  	s28 =	sor.u32 $0x7E00, s28;
	s29 =	sadd.s32 s4, s29  }
0x168: {  	[tilespmem:s28], [sflag:$0x1] =	stream.linear.gather [hbm4b:s29+s2], $0x400, $0x38;
	[tilespmem:$0x12600] =	vst v63  }
0x169: {  	_ = 	snop  }
.LBB2_7:
0x16a: {  	_ =	sfence.sel $0x180000  }
0x16b: {  	[bflag:$0x0] =	sbarrier.arrive $0xFFFF  }
0x16c: {  	p0 =	sne.s32 s3, $0x0;
	_ =	strace $0x90000047  }
0x16d: {  	s0 =	sadd.s32 @!p0 $0x100000, s1;
	[bflag:$0x2] =	sbarrier.arrive $0xFFFF  }
0x16e: {  	[sflag:s0] =	ssyncadd.tile.s32 @!p0 $0x1;
	_ =	shalt  }
.Lfunc_end2:
_tile_overlayer_lowered:
.L_overlay_start_2:
0x16f: {  	(tag) =	ssettag $0x2  }
0x170: {  	s0 =	rddreg [dreg:$0x0];
	s2 =	stileid.u32  }
0x171: {  	s1 =	rddreg [dreg:$0x1];
	p0 =	sne.s32 s2, $0x0  }
0x172: {  	s3 =	rddreg [dreg:$0x2];
	[bflag:$0x3] =	sbarrier.arrive $0xFFFF;
	s2 =	simm.s32 @!p0 $0x1C04  }
0x173: {  	[timem:s3], [sflag:s2] =	dma.local @!p0 [hbm:s0], s1  }
0x174: {  	s0 =	simm.s32 @!p0 $0x4  }
0x175: {  	_ =	swait.ge @!p0 [sflag:s0], s1  }
0x176: {  	s1 =	ssub.s32 @!p0 $0x0, s1;
	[sflag:s0] =	ssyncset.done @!p0 $0x0  }
0x177: {  	[sflag:s0] =	ssyncadd.s32 @!p0 s1  }
0x178: {  	[bflag:$0x3] =	sbarrier.arrive $0xFFFF  }
0x179: {  	_ =	shalt  }

</sc_bundles>
